<compile_context>
chip_gen: v7x
topology: tpu7x:2x2x1
jax: 0.10.2.dev20260603
libtpu: 0.0.44.dev20260713+nightly
codegen_flags: <defaults>
</compile_context>

<pallas_src>
import jax
import jax.numpy as jnp
from jax import lax
from jax.experimental import pallas as pl
from jax.experimental.pallas import tpu as pltpu
from jax.experimental.pallas import tpu_sc as plsc

_NC = 2
_NS = 16
_NW = _NC * _NS
_CH = 128
_NBUF = 2
_DEGW = 16


_NIDX = 6


def _make_agg(n_acc, n_chunk, d):
  mesh = plsc.VectorSubcoreMesh(core_axis_name="c", subcore_axis_name="s")
  rows_per_tile = n_acc // _NS
  out_type = jax.ShapeDtypeStruct((_NC, n_acc, d), jnp.float32)

  scratch = [
      pltpu.VMEM_SHARED((n_acc, d), jnp.float32),
      pltpu.VMEM((_NBUF, _CH, d), jnp.float32),
      pltpu.VMEM((_NIDX, 2, _CH), jnp.int32),
      pltpu.SemaphoreType.DMA((_NBUF,)),
      pltpu.SemaphoreType.DMA((_NIDX,)),
  ]

  def body(g_h, idx_h, part_h, acc, rows, islot, gsem, isem):
    c = lax.axis_index("c")
    s = lax.axis_index("s")
    w = c * _NS + s

    zv = jnp.zeros((16,), jnp.float32)
    ncol = d // 16

    def zrow(i, _):
      rows[0, i // ncol, pl.ds(lax.rem(i, ncol) * 16, 16)] = zv
      return 0
    lax.fori_loop(0, _CH * ncol, zrow, 0)

    base = s * rows_per_tile
    for j in range(rows_per_tile // _CH):
      pltpu.sync_copy(rows.at[0], acc.at[pl.ds(base + j * _CH, _CH)])
    plsc.subcore_barrier()

    def stage_idx(k):
      pltpu.async_copy(idx_h.at[w, lax.rem(k, n_chunk)],
                       islot.at[lax.rem(k, _NIDX)],
                       isem.at[lax.rem(k, _NIDX)])

    def wait_idx(k):
      pltpu.make_async_copy(idx_h.at[w, lax.rem(k, n_chunk)],
                            islot.at[lax.rem(k, _NIDX)],
                            isem.at[lax.rem(k, _NIDX)]).wait()

    def issue_gather(k):
      pltpu.async_copy(g_h.at[islot.at[lax.rem(k, _NIDX), 0]],
                       rows.at[lax.rem(k, _NBUF)],
                       gsem.at[lax.rem(k, _NBUF)])

    def wait_gather(k):
      pltpu.make_async_copy(g_h.at[islot.at[lax.rem(k, _NIDX), 0]],
                            rows.at[lax.rem(k, _NBUF)],
                            gsem.at[lax.rem(k, _NBUF)]).wait()

    for j in range(min(_NIDX, n_chunk)):
      stage_idx(j)
    for j in range(min(_NBUF, n_chunk)):
      wait_idx(j)
      issue_gather(j)

    def step(k, _):
      wait_gather(k)
      dsti = islot.at[lax.rem(k, _NIDX), 1]
      pltpu.sync_copy(rows.at[lax.rem(k, _NBUF)], acc.at[dsti], add=True)

      @pl.when(k + _NBUF < n_chunk)
      def _():
        wait_idx(k + _NBUF)
        issue_gather(k + _NBUF)

      @pl.when(k + _NIDX < n_chunk)
      def _():
        stage_idx(k + _NIDX)
      return 0
    lax.fori_loop(0, n_chunk, step, 0)

    plsc.subcore_barrier()
    sl = pl.ds(base, rows_per_tile)
    pltpu.sync_copy(acc.at[sl], part_h.at[c, sl])

  return pl.kernel(body, out_type=out_type, mesh=mesh, scratch_types=scratch)


def _make_deg(n_acc, n_chunk):
  mesh = plsc.VectorSubcoreMesh(core_axis_name="c", subcore_axis_name="s")
  rows_per_tile = n_acc // _NS
  out_type = jax.ShapeDtypeStruct((_NC, n_acc, _DEGW), jnp.float32)

  scratch = [
      pltpu.VMEM_SHARED((n_acc, _DEGW), jnp.float32),
      pltpu.VMEM((_CH, _DEGW), jnp.float32),
      pltpu.VMEM((_CH, _DEGW), jnp.float32),
      pltpu.VMEM((_NIDX, 2, _CH), jnp.int32),
      pltpu.SemaphoreType.DMA((_NIDX,)),
  ]

  def body(idx_h, degp_h, deg_sh, zdeg, ones_v, islot, isem):
    c = lax.axis_index("c")
    s = lax.axis_index("s")
    w = c * _NS + s

    zv = jnp.zeros((16,), jnp.float32)
    ov = jnp.ones((16,), jnp.float32)
    ncol = _DEGW // 16

    def frow(i, _):
      r = i // ncol
      q = pl.ds(lax.rem(i, ncol) * 16, 16)
      zdeg[r, q] = zv
      ones_v[r, q] = ov
      return 0
    lax.fori_loop(0, _CH * ncol, frow, 0)

    base = s * rows_per_tile
    for j in range(rows_per_tile // _CH):
      pltpu.sync_copy(zdeg, deg_sh.at[pl.ds(base + j * _CH, _CH)])
    plsc.subcore_barrier()

    def stage_idx(k):
      pltpu.async_copy(idx_h.at[w, lax.rem(k, n_chunk)],
                       islot.at[lax.rem(k, _NIDX)],
                       isem.at[lax.rem(k, _NIDX)])

    def wait_idx(k):
      pltpu.make_async_copy(idx_h.at[w, lax.rem(k, n_chunk)],
                            islot.at[lax.rem(k, _NIDX)],
                            isem.at[lax.rem(k, _NIDX)]).wait()

    for j in range(min(_NIDX, n_chunk)):
      stage_idx(j)

    def step(k, _):
      wait_idx(k)
      pltpu.sync_copy(ones_v, deg_sh.at[islot.at[lax.rem(k, _NIDX), 1]],
                      add=True)

      @pl.when(k + _NIDX < n_chunk)
      def _():
        stage_idx(k + _NIDX)
      return 0
    lax.fori_loop(0, n_chunk, step, 0)

    plsc.subcore_barrier()
    sl = pl.ds(base, rows_per_tile)
    pltpu.sync_copy(deg_sh.at[sl], degp_h.at[c, sl])

  return pl.kernel(body, out_type=out_type, mesh=mesh, scratch_types=scratch,
                   compiler_params=pltpu.CompilerParams(
                       use_tc_tiling_on_sc=False))


def _mm(x, w):
  n, d = x.shape
  blk = 1000

  def body(x_ref, w_ref, o_ref):
    o_ref[...] = jnp.dot(x_ref[...], w_ref[...],
                         preferred_element_type=jnp.float32)

  return pl.pallas_call(
      body,
      grid=(n // blk,),
      in_specs=[pl.BlockSpec((blk, d), lambda i: (i, 0)),
                pl.BlockSpec((d, d), lambda i: (0, 0))],
      out_specs=pl.BlockSpec((blk, d), lambda i: (i, 0)),
      out_shape=jax.ShapeDtypeStruct((n, d), jnp.float32),
  )(x, w)


def _combine_mm(p, dp, b, w, n):
  d = p.shape[-1]
  blk = 1000

  def body(p_ref, dp_ref, b_ref, w_ref, o_ref):
    pa = p_ref[0] + p_ref[1]
    dg = dp_ref[0, :, 0:1] + dp_ref[1, :, 0:1]
    dinv = 1.0 / jnp.maximum(dg, 1.0)
    h = jnp.maximum(pa * dinv + b_ref[...], 0.0)
    o_ref[...] = jnp.dot(h, w_ref[...], preferred_element_type=jnp.float32)

  return pl.pallas_call(
      body,
      grid=(n // blk,),
      in_specs=[pl.BlockSpec((2, blk, d), lambda i: (0, i, 0)),
                pl.BlockSpec((2, blk, _DEGW), lambda i: (0, i, 0)),
                pl.BlockSpec((1, d), lambda i: (0, 0)),
                pl.BlockSpec((d, d), lambda i: (0, 0))],
      out_specs=pl.BlockSpec((blk, d), lambda i: (i, 0)),
      out_shape=jax.ShapeDtypeStruct((n, d), jnp.float32),
  )(p, dp, b, w)


def _final(q, dp, b, n):
  d = q.shape[-1]
  blk = 1000

  def body(q_ref, dp_ref, b_ref, o_ref):
    qa = q_ref[0] + q_ref[1]
    dg = dp_ref[0, :, 0:1] + dp_ref[1, :, 0:1]
    dinv = 1.0 / jnp.maximum(dg, 1.0)
    o_ref[...] = qa * dinv + b_ref[...]

  return pl.pallas_call(
      body,
      grid=(n // blk,),
      in_specs=[pl.BlockSpec((2, blk, d), lambda i: (0, i, 0)),
                pl.BlockSpec((2, blk, _DEGW), lambda i: (0, i, 0)),
                pl.BlockSpec((1, d), lambda i: (0, 0))],
      out_specs=pl.BlockSpec((blk, d), lambda i: (i, 0)),
      out_shape=jax.ShapeDtypeStruct((n, d), jnp.float32),
  )(q, dp, b)


def kernel(x, edge_index, W1, b1, W2, b2):
  n, d = x.shape
  e = edge_index.shape[1]
  n_acc = -(-(n + 128) // (_NS * 8)) * (_NS * 8)
  n_chunk = -(-e // (_NW * _CH))
  e_pad = n_chunk * _NW * _CH

  src = edge_index[0]
  dst = edge_index[1]
  pad = e_pad - e
  if pad:
    ar = jnp.arange(pad, dtype=jnp.int32)
    src = jnp.concatenate([src, (ar * 131) % n])
    dst = jnp.concatenate([dst, n + lax.rem(ar, 128)])
  idx_t = jnp.stack([src.reshape(_NW, n_chunk, _CH),
                     dst.reshape(_NW, n_chunk, _CH)], axis=2)

  agg = _make_agg(n_acc, n_chunk, d)
  deg = _make_deg(n_acc, n_chunk)

  dp = deg(idx_t)
  g1 = _mm(x, W1)
  p = agg(g1, idx_t)
  g2 = _combine_mm(p, dp, b1.reshape(1, d), W2, n)
  q = agg(g2, idx_t)
  return _final(q, dp, b2.reshape(1, d), n)

# --- scband reference (transcript-rebuilt; emitter-appended) ---
"""Pipeline reference for scband-base-gnn-5231270166756 (READ-ONLY COPY).

The authoritative reference and input builder live on the scoring server;
editing this copy changes nothing except your own understanding.
"""

import jax, jax.numpy as jnp
import numpy as np

N = 10000
E = 320000
D_IN = 128
D_HID = 128
D_OUT = 128


def setup_inputs(seed: int = 0) -> dict:
    key = jax.random.key(seed)
    k1, k2, k3, k4, k5, k6 = jax.random.split(key, 6)
    x = jax.random.normal(k1, (N, D_IN), dtype=jnp.float32)
    edge_index = jax.random.randint(k2, (2, E), 0, N, dtype=jnp.int32)
    # Glorot-ish init for the two conv layers (num_layers=2)
    W1 = jax.random.normal(k3, (D_IN, D_HID), dtype=jnp.float32) * (1.0 / np.sqrt(D_IN))
    b1 = jnp.zeros((D_HID,), dtype=jnp.float32)
    W2 = jax.random.normal(k4, (D_HID, D_OUT), dtype=jnp.float32) * (1.0 / np.sqrt(D_HID))
    b2 = jnp.zeros((D_OUT,), dtype=jnp.float32)
    return {"x": x, "edge_index": edge_index, "W1": W1, "b1": b1, "W2": W2, "b2": b2}


def _conv(h, src, dst, deg_inv, W, b):
    # mean-aggregation message passing conv (GraphSAGE-mean style):
    # gather src node features -> scatter-add to dst -> normalize by in-degree -> linear
    msg = jnp.take(h, src, axis=0)                      # gather  [E, d]
    agg = jax.ops.segment_sum(msg, dst, num_segments=N)  # scatter-add [N, d]
    agg = agg * deg_inv[:, None]
    return agg @ W + b


def reference(x, edge_index, W1, b1, W2, b2):
    src = edge_index[0]
    dst = edge_index[1]
    deg = jax.ops.segment_sum(jnp.ones((E,), dtype=jnp.float32), dst, num_segments=N)
    deg_inv = 1.0 / jnp.maximum(deg, 1.0)
    # layer 1 + relu (dropout_p=0.0 -> no-op)
    h = _conv(x, src, dst, deg_inv, W1, b1)
    h = jax.nn.relu(h)
    # layer 2 (final layer: no activation)
    out = _conv(h, src, dst, deg_inv, W2, b2)
    return out

if __name__ == "__main__":
    import jax
    _d = setup_inputs()
    print(jax.jit(kernel)(*tuple(_d.values())))

</pallas_src>

<mosaic_0001>
#map = affine_map<(d0, d1) -> (0, 0)>
#map1 = affine_map<(d0, d1) -> (0, 0, 0, 0)>
#map2 = affine_map<(d0, d1) -> (0, 0, 0)>
module attributes {stable_mosaic.version = 14 : i64} {
  func.func @body(%arg0: i32, %arg1: i32, %arg2: memref<10000x128xf32, #tpu.memory_space<hbm>>, %arg3: memref<32x79x2x128xi32, #tpu.memory_space<hbm>>, %arg4: memref<2x10240x128xf32, #tpu.memory_space<hbm>>, %arg5: memref<10240x128xf32, #tpu.memory_space<vmem_shared>>, %arg6: memref<2x128x128xf32, #tpu.memory_space<vmem>>, %arg7: memref<6x2x128xi32, #tpu.memory_space<vmem>>, %arg8: memref<2x!tpu.dma_semaphore, #tpu.memory_space<semaphore_mem>>, %arg9: memref<6x!tpu.dma_semaphore, #tpu.memory_space<semaphore_mem>>) attributes {dimension_semantics = [#tpu.dimension_semantics<core_parallel>, #tpu.dimension_semantics<subcore_parallel>], iteration_bounds = array<i64: 2, 16>, scalar_prefetch = 0 : i64, scratch_operands = 5 : i64, tpu.core_type = #tpu.core_type<sc_vector_subcore>, window_params = [{transform_indices = #map}, {transform_indices = #map1}, {transform_indices = #map2}]} {
    %mul3A = arith.constant 16 : i32
    %mul3A_0 = arith.muli %arg0, %mul3A : i32
    %add3A = arith.addi %mul3A_0, %arg1 : i32
    %broadcast_in_dim3A = arith.constant 0.000000e+00 : f32
    %broadcast_in_dim3A_1 = vector.broadcast %broadcast_in_dim3A : f32 to vector<16xf32>
    %scan3A = arith.constant 0 : i32
    %scan3A_2 = arith.constant 0 : i32
    %scan3A_3 = arith.constant 1024 : i32
    %scan3A_4 = arith.addi %scan3A_2, %scan3A_3 : i32
    %scan3A_5 = arith.constant 1 : i32
    %scan3A_6 = scf.for %scan3A_289 = %scan3A_2 to %scan3A_4 step %scan3A_5 iter_args(%scan3A_290 = %scan3A) -> (i32)  : i32 {
      %jit3A = arith.constant 8 : i32
      %div3A = arith.divsi %scan3A_289, %jit3A : i32
      %sign3A = arith.constant 0 : i32
      %sign3A_291 = arith.cmpi sgt, %scan3A_289, %sign3A : i32
      %sign3A_292 = arith.extui %sign3A_291 : i1 to i32
      %sign3A_293 = arith.constant 0 : i32
      %sign3A_294 = arith.cmpi slt, %scan3A_289, %sign3A_293 : i32
      %sign3A_295 = arith.extui %sign3A_294 : i1 to i32
      %sign3A_296 = arith.subi %sign3A_292, %sign3A_295 : i32
      %sign3A_297 = arith.constant 0 : i32
      %sign3A_298 = arith.cmpi sgt, %jit3A, %sign3A_297 : i32
      %sign3A_299 = arith.extui %sign3A_298 : i1 to i32
      %sign3A_300 = arith.constant 0 : i32
      %sign3A_301 = arith.cmpi slt, %jit3A, %sign3A_300 : i32
      %sign3A_302 = arith.extui %sign3A_301 : i1 to i32
      %sign3A_303 = arith.subi %sign3A_299, %sign3A_302 : i32
      %ne3A = arith.cmpi ne, %sign3A_296, %sign3A_303 : i32
      %rem3A_304 = arith.remsi %scan3A_289, %jit3A : i32
      %ne3A_305 = arith.constant 0 : i32
      %ne3A_306 = arith.cmpi ne, %rem3A_304, %ne3A_305 : i32
      %and3A = arith.andi %ne3A, %ne3A_306 : i1
      %sub3A = arith.constant 1 : i32
      %sub3A_307 = arith.subi %div3A, %sub3A : i32
      %select_n3A = arith.select %and3A, %sub3A_307, %div3A : i32
      %rem3A_308 = arith.constant 8 : i32
      %rem3A_309 = arith.remsi %scan3A_289, %rem3A_308 : i32
      %mul3A_310 = arith.constant 16 : i32
      %mul3A_311 = arith.muli %rem3A_309, %mul3A_310 : i32
      %swap3A = arith.constant 0 : i32
      %swap3A_312 = arith.index_cast %swap3A : i32 to index
      %swap3A_313 = arith.index_cast %select_n3A : i32 to index
      %swap3A_314 = arith.index_cast %mul3A_311 : i32 to index
      %swap3A_315 = tpu.vector_load %arg6[%swap3A_312, %swap3A_313, %swap3A_314] {strides = array<i32>} : memref<2x128x128xf32, #tpu.memory_space<vmem>>, vector<1x1x16xf32>,
      %swap3A_316 = vector.shape_cast %swap3A_315 : vector<1x1x16xf32> to vector<16xf32>
      %swap3A_317 = vector.shape_cast %broadcast_in_dim3A_1 : vector<16xf32> to vector<1x1x16xf32>
      tpu.vector_store %arg6[%swap3A_312, %swap3A_313, %swap3A_314], %swap3A_317 {strides = array<i32>} : memref<2x128x128xf32, #tpu.memory_space<vmem>>, vector<1x1x16xf32>,
      %scan3A_318 = arith.constant 0 : i32
      scf.yield %scan3A_318 : i32
    }
    %scan3A_7 = arith.constant 1024 : i32
    %mul3A_8 = arith.constant 640 : i32
    %mul3A_9 = arith.muli %arg1, %mul3A_8 : i32
    %add3A_10 = arith.constant 0 : i32
    %add3A_11 = arith.addi %mul3A_9, %add3A_10 : i32
    %run_scoped3A = arith.constant 0 : i32
    "tpu.region"() ({
      %run_scoped3A_289 = tpu.sem_alloc : memref<!tpu.dma_semaphore, #tpu.memory_space<semaphore_mem>>
      %dma_start3A_290 = arith.constant 0 : i32
      %dma_start3A_291 = arith.constant 0 : i32
      %dma_start3A_292 = tpu.memref_slice %arg6[%run_scoped3A, %dma_start3A_290, %dma_start3A_291] : memref<2x128x128xf32, #tpu.memory_space<vmem>> -> memref<1x128x128xf32, #tpu.memory_space<vmem>>
      %dma_start3A_293 = tpu.memref_squeeze %dma_start3A_292 : memref<1x128x128xf32, #tpu.memory_space<vmem>> -> memref<128x128xf32, #tpu.memory_space<vmem>>
      %dma_start3A_294 = arith.constant 0 : i32
      %dma_start3A_295 = tpu.memref_slice %arg5[%add3A_11, %dma_start3A_294] : memref<10240x128xf32, #tpu.memory_space<vmem_shared>> -> memref<128x128xf32, #tpu.memory_space<vmem_shared>>
      %dma_start3A_296 = arith.constant 0 : i32
      %dma_start3A_297 = tpu.memref_slice %arg5[%add3A_11, %dma_start3A_296] : memref<10240x128xf32, #tpu.memory_space<vmem_shared>> -> memref<128x128xf32, #tpu.memory_space<vmem_shared>>
      %dma_start3A_298 = arith.constant 0 : i32
      %dma_start3A_299 = arith.constant 0 : i32
      %dma_start3A_300 = tpu.memref_slice %arg6[%run_scoped3A, %dma_start3A_298, %dma_start3A_299] : memref<2x128x128xf32, #tpu.memory_space<vmem>> -> memref<1x128x128xf32, #tpu.memory_space<vmem>>
      %dma_start3A_301 = tpu.memref_squeeze %dma_start3A_300 : memref<1x128x128xf32, #tpu.memory_space<vmem>> -> memref<128x128xf32, #tpu.memory_space<vmem>>
      tpu.enqueue_dma source(%dma_start3A_301 : memref<128x128xf32, #tpu.memory_space<vmem>>) target(%dma_start3A_297 : memref<128x128xf32, #tpu.memory_space<vmem_shared>>) target_semaphore(%run_scoped3A_289 : memref<!tpu.dma_semaphore, #tpu.memory_space<semaphore_mem>>)
      %dma_wait3A_302 = arith.constant 0 : i32
      %dma_wait3A_303 = arith.constant 0 : i32
      %dma_wait3A_304 = tpu.memref_slice %arg6[%run_scoped3A, %dma_wait3A_302, %dma_wait3A_303] : memref<2x128x128xf32, #tpu.memory_space<vmem>> -> memref<1x128x128xf32, #tpu.memory_space<vmem>>
      %dma_wait3A_305 = tpu.memref_squeeze %dma_wait3A_304 : memref<1x128x128xf32, #tpu.memory_space<vmem>> -> memref<128x128xf32, #tpu.memory_space<vmem>>
      %dma_wait3A_306 = arith.constant 0 : i32
      %dma_wait3A_307 = tpu.memref_slice %arg5[%add3A_11, %dma_wait3A_306] : memref<10240x128xf32, #tpu.memory_space<vmem_shared>> -> memref<128x128xf32, #tpu.memory_space<vmem_shared>>
      %dma_wait3A_308 = arith.constant 0 : i32
      %dma_wait3A_309 = tpu.memref_slice %arg5[%add3A_11, %dma_wait3A_308] : memref<10240x128xf32, #tpu.memory_space<vmem_shared>> -> memref<128x128xf32, #tpu.memory_space<vmem_shared>>
      %dma_wait3A_310 = arith.constant 0 : i32
      %dma_wait3A_311 = arith.constant 0 : i32
      %dma_wait3A_312 = tpu.memref_slice %arg6[%run_scoped3A, %dma_wait3A_310, %dma_wait3A_311] : memref<2x128x128xf32, #tpu.memory_space<vmem>> -> memref<1x128x128xf32, #tpu.memory_space<vmem>>
      %dma_wait3A_313 = tpu.memref_squeeze %dma_wait3A_312 : memref<1x128x128xf32, #tpu.memory_space<vmem>> -> memref<128x128xf32, #tpu.memory_space<vmem>>
      tpu.wait_dma2 semaphore(%run_scoped3A_289 : memref<!tpu.dma_semaphore, #tpu.memory_space<semaphore_mem>>) src(%dma_wait3A_313 : memref<128x128xf32, #tpu.memory_space<vmem>>) dst(%dma_wait3A_309 : memref<128x128xf32, #tpu.memory_space<vmem_shared>>)
      tpu.yield
    }) : () -> ()
    %add3A_12 = arith.constant 128 : i32
    %add3A_13 = arith.addi %mul3A_9, %add3A_12 : i32
    %run_scoped3A_14 = arith.constant 0 : i32
    "tpu.region"() ({
      %run_scoped3A_289 = tpu.sem_alloc : memref<!tpu.dma_semaphore, #tpu.memory_space<semaphore_mem>>
      %dma_start3A_290 = arith.constant 0 : i32
      %dma_start3A_291 = arith.constant 0 : i32
      %dma_start3A_292 = tpu.memref_slice %arg6[%run_scoped3A_14, %dma_start3A_290, %dma_start3A_291] : memref<2x128x128xf32, #tpu.memory_space<vmem>> -> memref<1x128x128xf32, #tpu.memory_space<vmem>>
      %dma_start3A_293 = tpu.memref_squeeze %dma_start3A_292 : memref<1x128x128xf32, #tpu.memory_space<vmem>> -> memref<128x128xf32, #tpu.memory_space<vmem>>
      %dma_start3A_294 = arith.constant 0 : i32
      %dma_start3A_295 = tpu.memref_slice %arg5[%add3A_13, %dma_start3A_294] : memref<10240x128xf32, #tpu.memory_space<vmem_shared>> -> memref<128x128xf32, #tpu.memory_space<vmem_shared>>
      %dma_start3A_296 = arith.constant 0 : i32
      %dma_start3A_297 = tpu.memref_slice %arg5[%add3A_13, %dma_start3A_296] : memref<10240x128xf32, #tpu.memory_space<vmem_shared>> -> memref<128x128xf32, #tpu.memory_space<vmem_shared>>
      %dma_start3A_298 = arith.constant 0 : i32
      %dma_start3A_299 = arith.constant 0 : i32
      %dma_start3A_300 = tpu.memref_slice %arg6[%run_scoped3A_14, %dma_start3A_298, %dma_start3A_299] : memref<2x128x128xf32, #tpu.memory_space<vmem>> -> memref<1x128x128xf32, #tpu.memory_space<vmem>>
      %dma_start3A_301 = tpu.memref_squeeze %dma_start3A_300 : memref<1x128x128xf32, #tpu.memory_space<vmem>> -> memref<128x128xf32, #tpu.memory_space<vmem>>
      tpu.enqueue_dma source(%dma_start3A_301 : memref<128x128xf32, #tpu.memory_space<vmem>>) target(%dma_start3A_297 : memref<128x128xf32, #tpu.memory_space<vmem_shared>>) target_semaphore(%run_scoped3A_289 : memref<!tpu.dma_semaphore, #tpu.memory_space<semaphore_mem>>)
      %dma_wait3A_302 = arith.constant 0 : i32
      %dma_wait3A_303 = arith.constant 0 : i32
      %dma_wait3A_304 = tpu.memref_slice %arg6[%run_scoped3A_14, %dma_wait3A_302, %dma_wait3A_303] : memref<2x128x128xf32, #tpu.memory_space<vmem>> -> memref<1x128x128xf32, #tpu.memory_space<vmem>>
      %dma_wait3A_305 = tpu.memref_squeeze %dma_wait3A_304 : memref<1x128x128xf32, #tpu.memory_space<vmem>> -> memref<128x128xf32, #tpu.memory_space<vmem>>
      %dma_wait3A_306 = arith.constant 0 : i32
      %dma_wait3A_307 = tpu.memref_slice %arg5[%add3A_13, %dma_wait3A_306] : memref<10240x128xf32, #tpu.memory_space<vmem_shared>> -> memref<128x128xf32, #tpu.memory_space<vmem_shared>>
      %dma_wait3A_308 = arith.constant 0 : i32
      %dma_wait3A_309 = tpu.memref_slice %arg5[%add3A_13, %dma_wait3A_308] : memref<10240x128xf32, #tpu.memory_space<vmem_shared>> -> memref<128x128xf32, #tpu.memory_space<vmem_shared>>
      %dma_wait3A_310 = arith.constant 0 : i32
      %dma_wait3A_311 = arith.constant 0 : i32
      %dma_wait3A_312 = tpu.memref_slice %arg6[%run_scoped3A_14, %dma_wait3A_310, %dma_wait3A_311] : memref<2x128x128xf32, #tpu.memory_space<vmem>> -> memref<1x128x128xf32, #tpu.memory_space<vmem>>
      %dma_wait3A_313 = tpu.memref_squeeze %dma_wait3A_312 : memref<1x128x128xf32, #tpu.memory_space<vmem>> -> memref<128x128xf32, #tpu.memory_space<vmem>>
      tpu.wait_dma2 semaphore(%run_scoped3A_289 : memref<!tpu.dma_semaphore, #tpu.memory_space<semaphore_mem>>) src(%dma_wait3A_313 : memref<128x128xf32, #tpu.memory_space<vmem>>) dst(%dma_wait3A_309 : memref<128x128xf32, #tpu.memory_space<vmem_shared>>)
      tpu.yield
    }) : () -> ()
    %add3A_15 = arith.constant 256 : i32
    %add3A_16 = arith.addi %mul3A_9, %add3A_15 : i32
    %run_scoped3A_17 = arith.constant 0 : i32
    "tpu.region"() ({
      %run_scoped3A_289 = tpu.sem_alloc : memref<!tpu.dma_semaphore, #tpu.memory_space<semaphore_mem>>
      %dma_start3A_290 = arith.constant 0 : i32
      %dma_start3A_291 = arith.constant 0 : i32
      %dma_start3A_292 = tpu.memref_slice %arg6[%run_scoped3A_17, %dma_start3A_290, %dma_start3A_291] : memref<2x128x128xf32, #tpu.memory_space<vmem>> -> memref<1x128x128xf32, #tpu.memory_space<vmem>>
      %dma_start3A_293 = tpu.memref_squeeze %dma_start3A_292 : memref<1x128x128xf32, #tpu.memory_space<vmem>> -> memref<128x128xf32, #tpu.memory_space<vmem>>
      %dma_start3A_294 = arith.constant 0 : i32
      %dma_start3A_295 = tpu.memref_slice %arg5[%add3A_16, %dma_start3A_294] : memref<10240x128xf32, #tpu.memory_space<vmem_shared>> -> memref<128x128xf32, #tpu.memory_space<vmem_shared>>
      %dma_start3A_296 = arith.constant 0 : i32
      %dma_start3A_297 = tpu.memref_slice %arg5[%add3A_16, %dma_start3A_296] : memref<10240x128xf32, #tpu.memory_space<vmem_shared>> -> memref<128x128xf32, #tpu.memory_space<vmem_shared>>
      %dma_start3A_298 = arith.constant 0 : i32
      %dma_start3A_299 = arith.constant 0 : i32
      %dma_start3A_300 = tpu.memref_slice %arg6[%run_scoped3A_17, %dma_start3A_298, %dma_start3A_299] : memref<2x128x128xf32, #tpu.memory_space<vmem>> -> memref<1x128x128xf32, #tpu.memory_space<vmem>>
      %dma_start3A_301 = tpu.memref_squeeze %dma_start3A_300 : memref<1x128x128xf32, #tpu.memory_space<vmem>> -> memref<128x128xf32, #tpu.memory_space<vmem>>
      tpu.enqueue_dma source(%dma_start3A_301 : memref<128x128xf32, #tpu.memory_space<vmem>>) target(%dma_start3A_297 : memref<128x128xf32, #tpu.memory_space<vmem_shared>>) target_semaphore(%run_scoped3A_289 : memref<!tpu.dma_semaphore, #tpu.memory_space<semaphore_mem>>)
      %dma_wait3A_302 = arith.constant 0 : i32
      %dma_wait3A_303 = arith.constant 0 : i32
      %dma_wait3A_304 = tpu.memref_slice %arg6[%run_scoped3A_17, %dma_wait3A_302, %dma_wait3A_303] : memref<2x128x128xf32, #tpu.memory_space<vmem>> -> memref<1x128x128xf32, #tpu.memory_space<vmem>>
      %dma_wait3A_305 = tpu.memref_squeeze %dma_wait3A_304 : memref<1x128x128xf32, #tpu.memory_space<vmem>> -> memref<128x128xf32, #tpu.memory_space<vmem>>
      %dma_wait3A_306 = arith.constant 0 : i32
      %dma_wait3A_307 = tpu.memref_slice %arg5[%add3A_16, %dma_wait3A_306] : memref<10240x128xf32, #tpu.memory_space<vmem_shared>> -> memref<128x128xf32, #tpu.memory_space<vmem_shared>>
      %dma_wait3A_308 = arith.constant 0 : i32
      %dma_wait3A_309 = tpu.memref_slice %arg5[%add3A_16, %dma_wait3A_308] : memref<10240x128xf32, #tpu.memory_space<vmem_shared>> -> memref<128x128xf32, #tpu.memory_space<vmem_shared>>
      %dma_wait3A_310 = arith.constant 0 : i32
      %dma_wait3A_311 = arith.constant 0 : i32
      %dma_wait3A_312 = tpu.memref_slice %arg6[%run_scoped3A_17, %dma_wait3A_310, %dma_wait3A_311] : memref<2x128x128xf32, #tpu.memory_space<vmem>> -> memref<1x128x128xf32, #tpu.memory_space<vmem>>
      %dma_wait3A_313 = tpu.memref_squeeze %dma_wait3A_312 : memref<1x128x128xf32, #tpu.memory_space<vmem>> -> memref<128x128xf32, #tpu.memory_space<vmem>>
      tpu.wait_dma2 semaphore(%run_scoped3A_289 : memref<!tpu.dma_semaphore, #tpu.memory_space<semaphore_mem>>) src(%dma_wait3A_313 : memref<128x128xf32, #tpu.memory_space<vmem>>) dst(%dma_wait3A_309 : memref<128x128xf32, #tpu.memory_space<vmem_shared>>)
      tpu.yield
    }) : () -> ()
    %add3A_18 = arith.constant 384 : i32
    %add3A_19 = arith.addi %mul3A_9, %add3A_18 : i32
    %run_scoped3A_20 = arith.constant 0 : i32
    "tpu.region"() ({
      %run_scoped3A_289 = tpu.sem_alloc : memref<!tpu.dma_semaphore, #tpu.memory_space<semaphore_mem>>
      %dma_start3A_290 = arith.constant 0 : i32
      %dma_start3A_291 = arith.constant 0 : i32
      %dma_start3A_292 = tpu.memref_slice %arg6[%run_scoped3A_20, %dma_start3A_290, %dma_start3A_291] : memref<2x128x128xf32, #tpu.memory_space<vmem>> -> memref<1x128x128xf32, #tpu.memory_space<vmem>>
      %dma_start3A_293 = tpu.memref_squeeze %dma_start3A_292 : memref<1x128x128xf32, #tpu.memory_space<vmem>> -> memref<128x128xf32, #tpu.memory_space<vmem>>
      %dma_start3A_294 = arith.constant 0 : i32
      %dma_start3A_295 = tpu.memref_slice %arg5[%add3A_19, %dma_start3A_294] : memref<10240x128xf32, #tpu.memory_space<vmem_shared>> -> memref<128x128xf32, #tpu.memory_space<vmem_shared>>
      %dma_start3A_296 = arith.constant 0 : i32
      %dma_start3A_297 = tpu.memref_slice %arg5[%add3A_19, %dma_start3A_296] : memref<10240x128xf32, #tpu.memory_space<vmem_shared>> -> memref<128x128xf32, #tpu.memory_space<vmem_shared>>
      %dma_start3A_298 = arith.constant 0 : i32
      %dma_start3A_299 = arith.constant 0 : i32
      %dma_start3A_300 = tpu.memref_slice %arg6[%run_scoped3A_20, %dma_start3A_298, %dma_start3A_299] : memref<2x128x128xf32, #tpu.memory_space<vmem>> -> memref<1x128x128xf32, #tpu.memory_space<vmem>>
      %dma_start3A_301 = tpu.memref_squeeze %dma_start3A_300 : memref<1x128x128xf32, #tpu.memory_space<vmem>> -> memref<128x128xf32, #tpu.memory_space<vmem>>
      tpu.enqueue_dma source(%dma_start3A_301 : memref<128x128xf32, #tpu.memory_space<vmem>>) target(%dma_start3A_297 : memref<128x128xf32, #tpu.memory_space<vmem_shared>>) target_semaphore(%run_scoped3A_289 : memref<!tpu.dma_semaphore, #tpu.memory_space<semaphore_mem>>)
      %dma_wait3A_302 = arith.constant 0 : i32
      %dma_wait3A_303 = arith.constant 0 : i32
      %dma_wait3A_304 = tpu.memref_slice %arg6[%run_scoped3A_20, %dma_wait3A_302, %dma_wait3A_303] : memref<2x128x128xf32, #tpu.memory_space<vmem>> -> memref<1x128x128xf32, #tpu.memory_space<vmem>>
      %dma_wait3A_305 = tpu.memref_squeeze %dma_wait3A_304 : memref<1x128x128xf32, #tpu.memory_space<vmem>> -> memref<128x128xf32, #tpu.memory_space<vmem>>
      %dma_wait3A_306 = arith.constant 0 : i32
      %dma_wait3A_307 = tpu.memref_slice %arg5[%add3A_19, %dma_wait3A_306] : memref<10240x128xf32, #tpu.memory_space<vmem_shared>> -> memref<128x128xf32, #tpu.memory_space<vmem_shared>>
      %dma_wait3A_308 = arith.constant 0 : i32
      %dma_wait3A_309 = tpu.memref_slice %arg5[%add3A_19, %dma_wait3A_308] : memref<10240x128xf32, #tpu.memory_space<vmem_shared>> -> memref<128x128xf32, #tpu.memory_space<vmem_shared>>
      %dma_wait3A_310 = arith.constant 0 : i32
      %dma_wait3A_311 = arith.constant 0 : i32
      %dma_wait3A_312 = tpu.memref_slice %arg6[%run_scoped3A_20, %dma_wait3A_310, %dma_wait3A_311] : memref<2x128x128xf32, #tpu.memory_space<vmem>> -> memref<1x128x128xf32, #tpu.memory_space<vmem>>
      %dma_wait3A_313 = tpu.memref_squeeze %dma_wait3A_312 : memref<1x128x128xf32, #tpu.memory_space<vmem>> -> memref<128x128xf32, #tpu.memory_space<vmem>>
      tpu.wait_dma2 semaphore(%run_scoped3A_289 : memref<!tpu.dma_semaphore, #tpu.memory_space<semaphore_mem>>) src(%dma_wait3A_313 : memref<128x128xf32, #tpu.memory_space<vmem>>) dst(%dma_wait3A_309 : memref<128x128xf32, #tpu.memory_space<vmem_shared>>)
      tpu.yield
    }) : () -> ()
    %add3A_21 = arith.constant 512 : i32
    %add3A_22 = arith.addi %mul3A_9, %add3A_21 : i32
    %run_scoped3A_23 = arith.constant 0 : i32
    "tpu.region"() ({
      %run_scoped3A_289 = tpu.sem_alloc : memref<!tpu.dma_semaphore, #tpu.memory_space<semaphore_mem>>
      %dma_start3A_290 = arith.constant 0 : i32
      %dma_start3A_291 = arith.constant 0 : i32
      %dma_start3A_292 = tpu.memref_slice %arg6[%run_scoped3A_23, %dma_start3A_290, %dma_start3A_291] : memref<2x128x128xf32, #tpu.memory_space<vmem>> -> memref<1x128x128xf32, #tpu.memory_space<vmem>>
      %dma_start3A_293 = tpu.memref_squeeze %dma_start3A_292 : memref<1x128x128xf32, #tpu.memory_space<vmem>> -> memref<128x128xf32, #tpu.memory_space<vmem>>
      %dma_start3A_294 = arith.constant 0 : i32
      %dma_start3A_295 = tpu.memref_slice %arg5[%add3A_22, %dma_start3A_294] : memref<10240x128xf32, #tpu.memory_space<vmem_shared>> -> memref<128x128xf32, #tpu.memory_space<vmem_shared>>
      %dma_start3A_296 = arith.constant 0 : i32
      %dma_start3A_297 = tpu.memref_slice %arg5[%add3A_22, %dma_start3A_296] : memref<10240x128xf32, #tpu.memory_space<vmem_shared>> -> memref<128x128xf32, #tpu.memory_space<vmem_shared>>
      %dma_start3A_298 = arith.constant 0 : i32
      %dma_start3A_299 = arith.constant 0 : i32
      %dma_start3A_300 = tpu.memref_slice %arg6[%run_scoped3A_23, %dma_start3A_298, %dma_start3A_299] : memref<2x128x128xf32, #tpu.memory_space<vmem>> -> memref<1x128x128xf32, #tpu.memory_space<vmem>>
      %dma_start3A_301 = tpu.memref_squeeze %dma_start3A_300 : memref<1x128x128xf32, #tpu.memory_space<vmem>> -> memref<128x128xf32, #tpu.memory_space<vmem>>
      tpu.enqueue_dma source(%dma_start3A_301 : memref<128x128xf32, #tpu.memory_space<vmem>>) target(%dma_start3A_297 : memref<128x128xf32, #tpu.memory_space<vmem_shared>>) target_semaphore(%run_scoped3A_289 : memref<!tpu.dma_semaphore, #tpu.memory_space<semaphore_mem>>)
      %dma_wait3A_302 = arith.constant 0 : i32
      %dma_wait3A_303 = arith.constant 0 : i32
      %dma_wait3A_304 = tpu.memref_slice %arg6[%run_scoped3A_23, %dma_wait3A_302, %dma_wait3A_303] : memref<2x128x128xf32, #tpu.memory_space<vmem>> -> memref<1x128x128xf32, #tpu.memory_space<vmem>>
      %dma_wait3A_305 = tpu.memref_squeeze %dma_wait3A_304 : memref<1x128x128xf32, #tpu.memory_space<vmem>> -> memref<128x128xf32, #tpu.memory_space<vmem>>
      %dma_wait3A_306 = arith.constant 0 : i32
      %dma_wait3A_307 = tpu.memref_slice %arg5[%add3A_22, %dma_wait3A_306] : memref<10240x128xf32, #tpu.memory_space<vmem_shared>> -> memref<128x128xf32, #tpu.memory_space<vmem_shared>>
      %dma_wait3A_308 = arith.constant 0 : i32
      %dma_wait3A_309 = tpu.memref_slice %arg5[%add3A_22, %dma_wait3A_308] : memref<10240x128xf32, #tpu.memory_space<vmem_shared>> -> memref<128x128xf32, #tpu.memory_space<vmem_shared>>
      %dma_wait3A_310 = arith.constant 0 : i32
      %dma_wait3A_311 = arith.constant 0 : i32
      %dma_wait3A_312 = tpu.memref_slice %arg6[%run_scoped3A_23, %dma_wait3A_310, %dma_wait3A_311] : memref<2x128x128xf32, #tpu.memory_space<vmem>> -> memref<1x128x128xf32, #tpu.memory_space<vmem>>
      %dma_wait3A_313 = tpu.memref_squeeze %dma_wait3A_312 : memref<1x128x128xf32, #tpu.memory_space<vmem>> -> memref<128x128xf32, #tpu.memory_space<vmem>>
      tpu.wait_dma2 semaphore(%run_scoped3A_289 : memref<!tpu.dma_semaphore, #tpu.memory_space<semaphore_mem>>) src(%dma_wait3A_313 : memref<128x128xf32, #tpu.memory_space<vmem>>) dst(%dma_wait3A_309 : memref<128x128xf32, #tpu.memory_space<vmem_shared>>)
      tpu.yield
    }) : () -> ()
    %barrier3A = arith.constant 0 : index
    tpu.barrier barrier_id(%barrier3A)
    %rem3A = arith.constant 0 : i32
    %rem3A_24 = arith.constant 79 : i32
    %rem3A_25 = arith.remsi %rem3A, %rem3A_24 : i32
    %rem3A_26 = arith.constant 0 : i32
    %rem3A_27 = arith.constant 6 : i32
    %rem3A_28 = arith.remsi %rem3A_26, %rem3A_27 : i32
    %rem3A_29 = arith.constant 0 : i32
    %rem3A_30 = arith.constant 6 : i32
    %rem3A_31 = arith.remsi %rem3A_29, %rem3A_30 : i32
    %dma_start3A = arith.constant 0 : i32
    %dma_start3A_32 = arith.constant 0 : i32
    %dma_start3A_33 = tpu.memref_slice %arg7[%rem3A_28, %dma_start3A, %dma_start3A_32] : memref<6x2x128xi32, #tpu.memory_space<vmem>> -> memref<1x2x128xi32, #tpu.memory_space<vmem>>
    %dma_start3A_34 = tpu.memref_squeeze %dma_start3A_33 : memref<1x2x128xi32, #tpu.memory_space<vmem>> -> memref<2x128xi32, #tpu.memory_space<vmem>>
    %dma_start3A_35 = arith.constant 0 : i32
    %dma_start3A_36 = arith.constant 0 : i32
    %dma_start3A_37 = tpu.memref_slice %arg3[%add3A, %rem3A_25, %dma_start3A_35, %dma_start3A_36] : memref<32x79x2x128xi32, #tpu.memory_space<hbm>> -> memref<1x1x2x128xi32, #tpu.memory_space<hbm>>
    %dma_start3A_38 = tpu.memref_squeeze %dma_start3A_37 : memref<1x1x2x128xi32, #tpu.memory_space<hbm>> -> memref<2x128xi32, #tpu.memory_space<hbm>>
    %dma_start3A_39 = tpu.memref_slice %arg9[%rem3A_31] : memref<6x!tpu.dma_semaphore, #tpu.memory_space<semaphore_mem>> -> memref<1x!tpu.dma_semaphore, #tpu.memory_space<semaphore_mem>>
    %dma_start3A_40 = tpu.memref_squeeze %dma_start3A_39 : memref<1x!tpu.dma_semaphore, #tpu.memory_space<semaphore_mem>> -> memref<!tpu.dma_semaphore, #tpu.memory_space<semaphore_mem>>
    %dma_start3A_41 = arith.constant 0 : i32
    %dma_start3A_42 = arith.constant 0 : i32
    %dma_start3A_43 = tpu.memref_slice %arg7[%rem3A_28, %dma_start3A_41, %dma_start3A_42] : memref<6x2x128xi32, #tpu.memory_space<vmem>> -> memref<1x2x128xi32, #tpu.memory_space<vmem>>
    %dma_start3A_44 = tpu.memref_squeeze %dma_start3A_43 : memref<1x2x128xi32, #tpu.memory_space<vmem>> -> memref<2x128xi32, #tpu.memory_space<vmem>>
    %dma_start3A_45 = arith.constant 0 : i32
    %dma_start3A_46 = arith.constant 0 : i32
    %dma_start3A_47 = tpu.memref_slice %arg3[%add3A, %rem3A_25, %dma_start3A_45, %dma_start3A_46] : memref<32x79x2x128xi32, #tpu.memory_space<hbm>> -> memref<1x1x2x128xi32, #tpu.memory_space<hbm>>
    %dma_start3A_48 = tpu.memref_squeeze %dma_start3A_47 : memref<1x1x2x128xi32, #tpu.memory_space<hbm>> -> memref<2x128xi32, #tpu.memory_space<hbm>>
    tpu.enqueue_dma source(%dma_start3A_48 : memref<2x128xi32, #tpu.memory_space<hbm>>) target(%dma_start3A_44 : memref<2x128xi32, #tpu.memory_space<vmem>>) target_semaphore(%dma_start3A_40 : memref<!tpu.dma_semaphore, #tpu.memory_space<semaphore_mem>>)
    %rem3A_49 = arith.constant 1 : i32
    %rem3A_50 = arith.constant 79 : i32
    %rem3A_51 = arith.remsi %rem3A_49, %rem3A_50 : i32
    %rem3A_52 = arith.constant 1 : i32
    %rem3A_53 = arith.constant 6 : i32
    %rem3A_54 = arith.remsi %rem3A_52, %rem3A_53 : i32
    %rem3A_55 = arith.constant 1 : i32
    %rem3A_56 = arith.constant 6 : i32
    %rem3A_57 = arith.remsi %rem3A_55, %rem3A_56 : i32
    %dma_start3A_58 = arith.constant 0 : i32
    %dma_start3A_59 = arith.constant 0 : i32
    %dma_start3A_60 = tpu.memref_slice %arg7[%rem3A_54, %dma_start3A_58, %dma_start3A_59] : memref<6x2x128xi32, #tpu.memory_space<vmem>> -> memref<1x2x128xi32, #tpu.memory_space<vmem>>
    %dma_start3A_61 = tpu.memref_squeeze %dma_start3A_60 : memref<1x2x128xi32, #tpu.memory_space<vmem>> -> memref<2x128xi32, #tpu.memory_space<vmem>>
    %dma_start3A_62 = arith.constant 0 : i32
    %dma_start3A_63 = arith.constant 0 : i32
    %dma_start3A_64 = tpu.memref_slice %arg3[%add3A, %rem3A_51, %dma_start3A_62, %dma_start3A_63] : memref<32x79x2x128xi32, #tpu.memory_space<hbm>> -> memref<1x1x2x128xi32, #tpu.memory_space<hbm>>
    %dma_start3A_65 = tpu.memref_squeeze %dma_start3A_64 : memref<1x1x2x128xi32, #tpu.memory_space<hbm>> -> memref<2x128xi32, #tpu.memory_space<hbm>>
    %dma_start3A_66 = tpu.memref_slice %arg9[%rem3A_57] : memref<6x!tpu.dma_semaphore, #tpu.memory_space<semaphore_mem>> -> memref<1x!tpu.dma_semaphore, #tpu.memory_space<semaphore_mem>>
    %dma_start3A_67 = tpu.memref_squeeze %dma_start3A_66 : memref<1x!tpu.dma_semaphore, #tpu.memory_space<semaphore_mem>> -> memref<!tpu.dma_semaphore, #tpu.memory_space<semaphore_mem>>
    %dma_start3A_68 = arith.constant 0 : i32
    %dma_start3A_69 = arith.constant 0 : i32
    %dma_start3A_70 = tpu.memref_slice %arg7[%rem3A_54, %dma_start3A_68, %dma_start3A_69] : memref<6x2x128xi32, #tpu.memory_space<vmem>> -> memref<1x2x128xi32, #tpu.memory_space<vmem>>
    %dma_start3A_71 = tpu.memref_squeeze %dma_start3A_70 : memref<1x2x128xi32, #tpu.memory_space<vmem>> -> memref<2x128xi32, #tpu.memory_space<vmem>>
    %dma_start3A_72 = arith.constant 0 : i32
    %dma_start3A_73 = arith.constant 0 : i32
    %dma_start3A_74 = tpu.memref_slice %arg3[%add3A, %rem3A_51, %dma_start3A_72, %dma_start3A_73] : memref<32x79x2x128xi32, #tpu.memory_space<hbm>> -> memref<1x1x2x128xi32, #tpu.memory_space<hbm>>
    %dma_start3A_75 = tpu.memref_squeeze %dma_start3A_74 : memref<1x1x2x128xi32, #tpu.memory_space<hbm>> -> memref<2x128xi32, #tpu.memory_space<hbm>>
    tpu.enqueue_dma source(%dma_start3A_75 : memref<2x128xi32, #tpu.memory_space<hbm>>) target(%dma_start3A_71 : memref<2x128xi32, #tpu.memory_space<vmem>>) target_semaphore(%dma_start3A_67 : memref<!tpu.dma_semaphore, #tpu.memory_space<semaphore_mem>>)
    %rem3A_76 = arith.constant 2 : i32
    %rem3A_77 = arith.constant 79 : i32
    %rem3A_78 = arith.remsi %rem3A_76, %rem3A_77 : i32
    %rem3A_79 = arith.constant 2 : i32
    %rem3A_80 = arith.constant 6 : i32
    %rem3A_81 = arith.remsi %rem3A_79, %rem3A_80 : i32
    %rem3A_82 = arith.constant 2 : i32
    %rem3A_83 = arith.constant 6 : i32
    %rem3A_84 = arith.remsi %rem3A_82, %rem3A_83 : i32
    %dma_start3A_85 = arith.constant 0 : i32
    %dma_start3A_86 = arith.constant 0 : i32
    %dma_start3A_87 = tpu.memref_slice %arg7[%rem3A_81, %dma_start3A_85, %dma_start3A_86] : memref<6x2x128xi32, #tpu.memory_space<vmem>> -> memref<1x2x128xi32, #tpu.memory_space<vmem>>
    %dma_start3A_88 = tpu.memref_squeeze %dma_start3A_87 : memref<1x2x128xi32, #tpu.memory_space<vmem>> -> memref<2x128xi32, #tpu.memory_space<vmem>>
    %dma_start3A_89 = arith.constant 0 : i32
    %dma_start3A_90 = arith.constant 0 : i32
    %dma_start3A_91 = tpu.memref_slice %arg3[%add3A, %rem3A_78, %dma_start3A_89, %dma_start3A_90] : memref<32x79x2x128xi32, #tpu.memory_space<hbm>> -> memref<1x1x2x128xi32, #tpu.memory_space<hbm>>
    %dma_start3A_92 = tpu.memref_squeeze %dma_start3A_91 : memref<1x1x2x128xi32, #tpu.memory_space<hbm>> -> memref<2x128xi32, #tpu.memory_space<hbm>>
    %dma_start3A_93 = tpu.memref_slice %arg9[%rem3A_84] : memref<6x!tpu.dma_semaphore, #tpu.memory_space<semaphore_mem>> -> memref<1x!tpu.dma_semaphore, #tpu.memory_space<semaphore_mem>>
    %dma_start3A_94 = tpu.memref_squeeze %dma_start3A_93 : memref<1x!tpu.dma_semaphore, #tpu.memory_space<semaphore_mem>> -> memref<!tpu.dma_semaphore, #tpu.memory_space<semaphore_mem>>
    %dma_start3A_95 = arith.constant 0 : i32
    %dma_start3A_96 = arith.constant 0 : i32
    %dma_start3A_97 = tpu.memref_slice %arg7[%rem3A_81, %dma_start3A_95, %dma_start3A_96] : memref<6x2x128xi32, #tpu.memory_space<vmem>> -> memref<1x2x128xi32, #tpu.memory_space<vmem>>
    %dma_start3A_98 = tpu.memref_squeeze %dma_start3A_97 : memref<1x2x128xi32, #tpu.memory_space<vmem>> -> memref<2x128xi32, #tpu.memory_space<vmem>>
    %dma_start3A_99 = arith.constant 0 : i32
    %dma_start3A_100 = arith.constant 0 : i32
    %dma_start3A_101 = tpu.memref_slice %arg3[%add3A, %rem3A_78, %dma_start3A_99, %dma_start3A_100] : memref<32x79x2x128xi32, #tpu.memory_space<hbm>> -> memref<1x1x2x128xi32, #tpu.memory_space<hbm>>
    %dma_start3A_102 = tpu.memref_squeeze %dma_start3A_101 : memref<1x1x2x128xi32, #tpu.memory_space<hbm>> -> memref<2x128xi32, #tpu.memory_space<hbm>>
    tpu.enqueue_dma source(%dma_start3A_102 : memref<2x128xi32, #tpu.memory_space<hbm>>) target(%dma_start3A_98 : memref<2x128xi32, #tpu.memory_space<vmem>>) target_semaphore(%dma_start3A_94 : memref<!tpu.dma_semaphore, #tpu.memory_space<semaphore_mem>>)
    %rem3A_103 = arith.constant 3 : i32
    %rem3A_104 = arith.constant 79 : i32
    %rem3A_105 = arith.remsi %rem3A_103, %rem3A_104 : i32
    %rem3A_106 = arith.constant 3 : i32
    %rem3A_107 = arith.constant 6 : i32
    %rem3A_108 = arith.remsi %rem3A_106, %rem3A_107 : i32
    %rem3A_109 = arith.constant 3 : i32
    %rem3A_110 = arith.constant 6 : i32
    %rem3A_111 = arith.remsi %rem3A_109, %rem3A_110 : i32
    %dma_start3A_112 = arith.constant 0 : i32
    %dma_start3A_113 = arith.constant 0 : i32
    %dma_start3A_114 = tpu.memref_slice %arg7[%rem3A_108, %dma_start3A_112, %dma_start3A_113] : memref<6x2x128xi32, #tpu.memory_space<vmem>> -> memref<1x2x128xi32, #tpu.memory_space<vmem>>
    %dma_start3A_115 = tpu.memref_squeeze %dma_start3A_114 : memref<1x2x128xi32, #tpu.memory_space<vmem>> -> memref<2x128xi32, #tpu.memory_space<vmem>>
    %dma_start3A_116 = arith.constant 0 : i32
    %dma_start3A_117 = arith.constant 0 : i32
    %dma_start3A_118 = tpu.memref_slice %arg3[%add3A, %rem3A_105, %dma_start3A_116, %dma_start3A_117] : memref<32x79x2x128xi32, #tpu.memory_space<hbm>> -> memref<1x1x2x128xi32, #tpu.memory_space<hbm>>
    %dma_start3A_119 = tpu.memref_squeeze %dma_start3A_118 : memref<1x1x2x128xi32, #tpu.memory_space<hbm>> -> memref<2x128xi32, #tpu.memory_space<hbm>>
    %dma_start3A_120 = tpu.memref_slice %arg9[%rem3A_111] : memref<6x!tpu.dma_semaphore, #tpu.memory_space<semaphore_mem>> -> memref<1x!tpu.dma_semaphore, #tpu.memory_space<semaphore_mem>>
    %dma_start3A_121 = tpu.memref_squeeze %dma_start3A_120 : memref<1x!tpu.dma_semaphore, #tpu.memory_space<semaphore_mem>> -> memref<!tpu.dma_semaphore, #tpu.memory_space<semaphore_mem>>
    %dma_start3A_122 = arith.constant 0 : i32
    %dma_start3A_123 = arith.constant 0 : i32
    %dma_start3A_124 = tpu.memref_slice %arg7[%rem3A_108, %dma_start3A_122, %dma_start3A_123] : memref<6x2x128xi32, #tpu.memory_space<vmem>> -> memref<1x2x128xi32, #tpu.memory_space<vmem>>
    %dma_start3A_125 = tpu.memref_squeeze %dma_start3A_124 : memref<1x2x128xi32, #tpu.memory_space<vmem>> -> memref<2x128xi32, #tpu.memory_space<vmem>>
    %dma_start3A_126 = arith.constant 0 : i32
    %dma_start3A_127 = arith.constant 0 : i32
    %dma_start3A_128 = tpu.memref_slice %arg3[%add3A, %rem3A_105, %dma_start3A_126, %dma_start3A_127] : memref<32x79x2x128xi32, #tpu.memory_space<hbm>> -> memref<1x1x2x128xi32, #tpu.memory_space<hbm>>
    %dma_start3A_129 = tpu.memref_squeeze %dma_start3A_128 : memref<1x1x2x128xi32, #tpu.memory_space<hbm>> -> memref<2x128xi32, #tpu.memory_space<hbm>>
    tpu.enqueue_dma source(%dma_start3A_129 : memref<2x128xi32, #tpu.memory_space<hbm>>) target(%dma_start3A_125 : memref<2x128xi32, #tpu.memory_space<vmem>>) target_semaphore(%dma_start3A_121 : memref<!tpu.dma_semaphore, #tpu.memory_space<semaphore_mem>>)
    %rem3A_130 = arith.constant 4 : i32
    %rem3A_131 = arith.constant 79 : i32
    %rem3A_132 = arith.remsi %rem3A_130, %rem3A_131 : i32
    %rem3A_133 = arith.constant 4 : i32
    %rem3A_134 = arith.constant 6 : i32
    %rem3A_135 = arith.remsi %rem3A_133, %rem3A_134 : i32
    %rem3A_136 = arith.constant 4 : i32
    %rem3A_137 = arith.constant 6 : i32
    %rem3A_138 = arith.remsi %rem3A_136, %rem3A_137 : i32
    %dma_start3A_139 = arith.constant 0 : i32
    %dma_start3A_140 = arith.constant 0 : i32
    %dma_start3A_141 = tpu.memref_slice %arg7[%rem3A_135, %dma_start3A_139, %dma_start3A_140] : memref<6x2x128xi32, #tpu.memory_space<vmem>> -> memref<1x2x128xi32, #tpu.memory_space<vmem>>
    %dma_start3A_142 = tpu.memref_squeeze %dma_start3A_141 : memref<1x2x128xi32, #tpu.memory_space<vmem>> -> memref<2x128xi32, #tpu.memory_space<vmem>>
    %dma_start3A_143 = arith.constant 0 : i32
    %dma_start3A_144 = arith.constant 0 : i32
    %dma_start3A_145 = tpu.memref_slice %arg3[%add3A, %rem3A_132, %dma_start3A_143, %dma_start3A_144] : memref<32x79x2x128xi32, #tpu.memory_space<hbm>> -> memref<1x1x2x128xi32, #tpu.memory_space<hbm>>
    %dma_start3A_146 = tpu.memref_squeeze %dma_start3A_145 : memref<1x1x2x128xi32, #tpu.memory_space<hbm>> -> memref<2x128xi32, #tpu.memory_space<hbm>>
    %dma_start3A_147 = tpu.memref_slice %arg9[%rem3A_138] : memref<6x!tpu.dma_semaphore, #tpu.memory_space<semaphore_mem>> -> memref<1x!tpu.dma_semaphore, #tpu.memory_space<semaphore_mem>>
    %dma_start3A_148 = tpu.memref_squeeze %dma_start3A_147 : memref<1x!tpu.dma_semaphore, #tpu.memory_space<semaphore_mem>> -> memref<!tpu.dma_semaphore, #tpu.memory_space<semaphore_mem>>
    %dma_start3A_149 = arith.constant 0 : i32
    %dma_start3A_150 = arith.constant 0 : i32
    %dma_start3A_151 = tpu.memref_slice %arg7[%rem3A_135, %dma_start3A_149, %dma_start3A_150] : memref<6x2x128xi32, #tpu.memory_space<vmem>> -> memref<1x2x128xi32, #tpu.memory_space<vmem>>
    %dma_start3A_152 = tpu.memref_squeeze %dma_start3A_151 : memref<1x2x128xi32, #tpu.memory_space<vmem>> -> memref<2x128xi32, #tpu.memory_space<vmem>>
    %dma_start3A_153 = arith.constant 0 : i32
    %dma_start3A_154 = arith.constant 0 : i32
    %dma_start3A_155 = tpu.memref_slice %arg3[%add3A, %rem3A_132, %dma_start3A_153, %dma_start3A_154] : memref<32x79x2x128xi32, #tpu.memory_space<hbm>> -> memref<1x1x2x128xi32, #tpu.memory_space<hbm>>
    %dma_start3A_156 = tpu.memref_squeeze %dma_start3A_155 : memref<1x1x2x128xi32, #tpu.memory_space<hbm>> -> memref<2x128xi32, #tpu.memory_space<hbm>>
    tpu.enqueue_dma source(%dma_start3A_156 : memref<2x128xi32, #tpu.memory_space<hbm>>) target(%dma_start3A_152 : memref<2x128xi32, #tpu.memory_space<vmem>>) target_semaphore(%dma_start3A_148 : memref<!tpu.dma_semaphore, #tpu.memory_space<semaphore_mem>>)
    %rem3A_157 = arith.constant 5 : i32
    %rem3A_158 = arith.constant 79 : i32
    %rem3A_159 = arith.remsi %rem3A_157, %rem3A_158 : i32
    %rem3A_160 = arith.constant 5 : i32
    %rem3A_161 = arith.constant 6 : i32
    %rem3A_162 = arith.remsi %rem3A_160, %rem3A_161 : i32
    %rem3A_163 = arith.constant 5 : i32
    %rem3A_164 = arith.constant 6 : i32
    %rem3A_165 = arith.remsi %rem3A_163, %rem3A_164 : i32
    %dma_start3A_166 = arith.constant 0 : i32
    %dma_start3A_167 = arith.constant 0 : i32
    %dma_start3A_168 = tpu.memref_slice %arg7[%rem3A_162, %dma_start3A_166, %dma_start3A_167] : memref<6x2x128xi32, #tpu.memory_space<vmem>> -> memref<1x2x128xi32, #tpu.memory_space<vmem>>
    %dma_start3A_169 = tpu.memref_squeeze %dma_start3A_168 : memref<1x2x128xi32, #tpu.memory_space<vmem>> -> memref<2x128xi32, #tpu.memory_space<vmem>>
    %dma_start3A_170 = arith.constant 0 : i32
    %dma_start3A_171 = arith.constant 0 : i32
    %dma_start3A_172 = tpu.memref_slice %arg3[%add3A, %rem3A_159, %dma_start3A_170, %dma_start3A_171] : memref<32x79x2x128xi32, #tpu.memory_space<hbm>> -> memref<1x1x2x128xi32, #tpu.memory_space<hbm>>
    %dma_start3A_173 = tpu.memref_squeeze %dma_start3A_172 : memref<1x1x2x128xi32, #tpu.memory_space<hbm>> -> memref<2x128xi32, #tpu.memory_space<hbm>>
    %dma_start3A_174 = tpu.memref_slice %arg9[%rem3A_165] : memref<6x!tpu.dma_semaphore, #tpu.memory_space<semaphore_mem>> -> memref<1x!tpu.dma_semaphore, #tpu.memory_space<semaphore_mem>>
    %dma_start3A_175 = tpu.memref_squeeze %dma_start3A_174 : memref<1x!tpu.dma_semaphore, #tpu.memory_space<semaphore_mem>> -> memref<!tpu.dma_semaphore, #tpu.memory_space<semaphore_mem>>
    %dma_start3A_176 = arith.constant 0 : i32
    %dma_start3A_177 = arith.constant 0 : i32
    %dma_start3A_178 = tpu.memref_slice %arg7[%rem3A_162, %dma_start3A_176, %dma_start3A_177] : memref<6x2x128xi32, #tpu.memory_space<vmem>> -> memref<1x2x128xi32, #tpu.memory_space<vmem>>
    %dma_start3A_179 = tpu.memref_squeeze %dma_start3A_178 : memref<1x2x128xi32, #tpu.memory_space<vmem>> -> memref<2x128xi32, #tpu.memory_space<vmem>>
    %dma_start3A_180 = arith.constant 0 : i32
    %dma_start3A_181 = arith.constant 0 : i32
    %dma_start3A_182 = tpu.memref_slice %arg3[%add3A, %rem3A_159, %dma_start3A_180, %dma_start3A_181] : memref<32x79x2x128xi32, #tpu.memory_space<hbm>> -> memref<1x1x2x128xi32, #tpu.memory_space<hbm>>
    %dma_start3A_183 = tpu.memref_squeeze %dma_start3A_182 : memref<1x1x2x128xi32, #tpu.memory_space<hbm>> -> memref<2x128xi32, #tpu.memory_space<hbm>>
    tpu.enqueue_dma source(%dma_start3A_183 : memref<2x128xi32, #tpu.memory_space<hbm>>) target(%dma_start3A_179 : memref<2x128xi32, #tpu.memory_space<vmem>>) target_semaphore(%dma_start3A_175 : memref<!tpu.dma_semaphore, #tpu.memory_space<semaphore_mem>>)
    %rem3A_184 = arith.constant 0 : i32
    %rem3A_185 = arith.constant 79 : i32
    %rem3A_186 = arith.remsi %rem3A_184, %rem3A_185 : i32
    %rem3A_187 = arith.constant 0 : i32
    %rem3A_188 = arith.constant 6 : i32
    %rem3A_189 = arith.remsi %rem3A_187, %rem3A_188 : i32
    %rem3A_190 = arith.constant 0 : i32
    %rem3A_191 = arith.constant 6 : i32
    %rem3A_192 = arith.remsi %rem3A_190, %rem3A_191 : i32
    %dma_wait3A = arith.constant 0 : i32
    %dma_wait3A_193 = arith.constant 0 : i32
    %dma_wait3A_194 = tpu.memref_slice %arg7[%rem3A_189, %dma_wait3A, %dma_wait3A_193] : memref<6x2x128xi32, #tpu.memory_space<vmem>> -> memref<1x2x128xi32, #tpu.memory_space<vmem>>
    %dma_wait3A_195 = tpu.memref_squeeze %dma_wait3A_194 : memref<1x2x128xi32, #tpu.memory_space<vmem>> -> memref<2x128xi32, #tpu.memory_space<vmem>>
    %dma_wait3A_196 = arith.constant 0 : i32
    %dma_wait3A_197 = arith.constant 0 : i32
    %dma_wait3A_198 = tpu.memref_slice %arg3[%add3A, %rem3A_186, %dma_wait3A_196, %dma_wait3A_197] : memref<32x79x2x128xi32, #tpu.memory_space<hbm>> -> memref<1x1x2x128xi32, #tpu.memory_space<hbm>>
    %dma_wait3A_199 = tpu.memref_squeeze %dma_wait3A_198 : memref<1x1x2x128xi32, #tpu.memory_space<hbm>> -> memref<2x128xi32, #tpu.memory_space<hbm>>
    %dma_wait3A_200 = tpu.memref_slice %arg9[%rem3A_192] : memref<6x!tpu.dma_semaphore, #tpu.memory_space<semaphore_mem>> -> memref<1x!tpu.dma_semaphore, #tpu.memory_space<semaphore_mem>>
    %dma_wait3A_201 = tpu.memref_squeeze %dma_wait3A_200 : memref<1x!tpu.dma_semaphore, #tpu.memory_space<semaphore_mem>> -> memref<!tpu.dma_semaphore, #tpu.memory_space<semaphore_mem>>
    %dma_wait3A_202 = arith.constant 0 : i32
    %dma_wait3A_203 = arith.constant 0 : i32
    %dma_wait3A_204 = tpu.memref_slice %arg7[%rem3A_189, %dma_wait3A_202, %dma_wait3A_203] : memref<6x2x128xi32, #tpu.memory_space<vmem>> -> memref<1x2x128xi32, #tpu.memory_space<vmem>>
    %dma_wait3A_205 = tpu.memref_squeeze %dma_wait3A_204 : memref<1x2x128xi32, #tpu.memory_space<vmem>> -> memref<2x128xi32, #tpu.memory_space<vmem>>
    %dma_wait3A_206 = arith.constant 0 : i32
    %dma_wait3A_207 = arith.constant 0 : i32
    %dma_wait3A_208 = tpu.memref_slice %arg3[%add3A, %rem3A_186, %dma_wait3A_206, %dma_wait3A_207] : memref<32x79x2x128xi32, #tpu.memory_space<hbm>> -> memref<1x1x2x128xi32, #tpu.memory_space<hbm>>
    %dma_wait3A_209 = tpu.memref_squeeze %dma_wait3A_208 : memref<1x1x2x128xi32, #tpu.memory_space<hbm>> -> memref<2x128xi32, #tpu.memory_space<hbm>>
    tpu.wait_dma2 semaphore(%dma_wait3A_201 : memref<!tpu.dma_semaphore, #tpu.memory_space<semaphore_mem>>) src(%dma_wait3A_209 : memref<2x128xi32, #tpu.memory_space<hbm>>) dst(%dma_wait3A_205 : memref<2x128xi32, #tpu.memory_space<vmem>>)
    %rem3A_210 = arith.constant 0 : i32
    %rem3A_211 = arith.constant 6 : i32
    %rem3A_212 = arith.remsi %rem3A_210, %rem3A_211 : i32
    %rem3A_213 = arith.constant 0 : i32
    %rem3A_214 = arith.constant 2 : i32
    %rem3A_215 = arith.remsi %rem3A_213, %rem3A_214 : i32
    %rem3A_216 = arith.constant 0 : i32
    %rem3A_217 = arith.constant 2 : i32
    %rem3A_218 = arith.remsi %rem3A_216, %rem3A_217 : i32
    %dma_start3A_219 = arith.constant 0 : i32
    %dma_start3A_220 = arith.constant 0 : i32
    %dma_start3A_221 = arith.constant 0 : i32
    %dma_start3A_222 = tpu.memref_slice %arg6[%rem3A_215, %dma_start3A_220, %dma_start3A_221] : memref<2x128x128xf32, #tpu.memory_space<vmem>> -> memref<1x128x128xf32, #tpu.memory_space<vmem>>
    %dma_start3A_223 = tpu.memref_squeeze %dma_start3A_222 : memref<1x128x128xf32, #tpu.memory_space<vmem>> -> memref<128x128xf32, #tpu.memory_space<vmem>>
    %dma_start3A_224 = arith.constant 0 : i32
    %dma_start3A_225 = tpu.memref_slice %arg7[%rem3A_212, %dma_start3A_219, %dma_start3A_224] : memref<6x2x128xi32, #tpu.memory_space<vmem>> -> memref<1x1x128xi32, #tpu.memory_space<vmem>>
    %dma_start3A_226 = tpu.memref_squeeze %dma_start3A_225 : memref<1x1x128xi32, #tpu.memory_space<vmem>> -> memref<128xi32, #tpu.memory_space<vmem>>
    %dma_start3A_227 = arith.constant 0 : i32
    %dma_start3A_228 = arith.constant 0 : i32
    %dma_start3A_229 = tpu.memref_slice %arg2[%dma_start3A_227, %dma_start3A_228] : memref<10000x128xf32, #tpu.memory_space<hbm>> -> memref<10000x128xf32, #tpu.memory_space<hbm>>
    %dma_start3A_230 = tpu.memref_slice %arg8[%rem3A_218] : memref<2x!tpu.dma_semaphore, #tpu.memory_space<semaphore_mem>> -> memref<1x!tpu.dma_semaphore, #tpu.memory_space<semaphore_mem>>
    %dma_start3A_231 = tpu.memref_squeeze %dma_start3A_230 : memref<1x!tpu.dma_semaphore, #tpu.memory_space<semaphore_mem>> -> memref<!tpu.dma_semaphore, #tpu.memory_space<semaphore_mem>>
    tpu.enqueue_indirect_dma source(%dma_start3A_229 : memref<10000x128xf32, #tpu.memory_space<hbm>>) target(%dma_start3A_223 : memref<128x128xf32, #tpu.memory_space<vmem>>) offsets(%dma_start3A_226 : memref<128xi32, #tpu.memory_space<vmem>>) semaphore(%dma_start3A_231 : memref<!tpu.dma_semaphore, #tpu.memory_space<semaphore_mem>>)
    %rem3A_232 = arith.constant 1 : i32
    %rem3A_233 = arith.constant 79 : i32
    %rem3A_234 = arith.remsi %rem3A_232, %rem3A_233 : i32
    %rem3A_235 = arith.constant 1 : i32
    %rem3A_236 = arith.constant 6 : i32
    %rem3A_237 = arith.remsi %rem3A_235, %rem3A_236 : i32
    %rem3A_238 = arith.constant 1 : i32
    %rem3A_239 = arith.constant 6 : i32
    %rem3A_240 = arith.remsi %rem3A_238, %rem3A_239 : i32
    %dma_wait3A_241 = arith.constant 0 : i32
    %dma_wait3A_242 = arith.constant 0 : i32
    %dma_wait3A_243 = tpu.memref_slice %arg7[%rem3A_237, %dma_wait3A_241, %dma_wait3A_242] : memref<6x2x128xi32, #tpu.memory_space<vmem>> -> memref<1x2x128xi32, #tpu.memory_space<vmem>>
    %dma_wait3A_244 = tpu.memref_squeeze %dma_wait3A_243 : memref<1x2x128xi32, #tpu.memory_space<vmem>> -> memref<2x128xi32, #tpu.memory_space<vmem>>
    %dma_wait3A_245 = arith.constant 0 : i32
    %dma_wait3A_246 = arith.constant 0 : i32
    %dma_wait3A_247 = tpu.memref_slice %arg3[%add3A, %rem3A_234, %dma_wait3A_245, %dma_wait3A_246] : memref<32x79x2x128xi32, #tpu.memory_space<hbm>> -> memref<1x1x2x128xi32, #tpu.memory_space<hbm>>
    %dma_wait3A_248 = tpu.memref_squeeze %dma_wait3A_247 : memref<1x1x2x128xi32, #tpu.memory_space<hbm>> -> memref<2x128xi32, #tpu.memory_space<hbm>>
    %dma_wait3A_249 = tpu.memref_slice %arg9[%rem3A_240] : memref<6x!tpu.dma_semaphore, #tpu.memory_space<semaphore_mem>> -> memref<1x!tpu.dma_semaphore, #tpu.memory_space<semaphore_mem>>
    %dma_wait3A_250 = tpu.memref_squeeze %dma_wait3A_249 : memref<1x!tpu.dma_semaphore, #tpu.memory_space<semaphore_mem>> -> memref<!tpu.dma_semaphore, #tpu.memory_space<semaphore_mem>>
    %dma_wait3A_251 = arith.constant 0 : i32
    %dma_wait3A_252 = arith.constant 0 : i32
    %dma_wait3A_253 = tpu.memref_slice %arg7[%rem3A_237, %dma_wait3A_251, %dma_wait3A_252] : memref<6x2x128xi32, #tpu.memory_space<vmem>> -> memref<1x2x128xi32, #tpu.memory_space<vmem>>
    %dma_wait3A_254 = tpu.memref_squeeze %dma_wait3A_253 : memref<1x2x128xi32, #tpu.memory_space<vmem>> -> memref<2x128xi32, #tpu.memory_space<vmem>>
    %dma_wait3A_255 = arith.constant 0 : i32
    %dma_wait3A_256 = arith.constant 0 : i32
    %dma_wait3A_257 = tpu.memref_slice %arg3[%add3A, %rem3A_234, %dma_wait3A_255, %dma_wait3A_256] : memref<32x79x2x128xi32, #tpu.memory_space<hbm>> -> memref<1x1x2x128xi32, #tpu.memory_space<hbm>>
    %dma_wait3A_258 = tpu.memref_squeeze %dma_wait3A_257 : memref<1x1x2x128xi32, #tpu.memory_space<hbm>> -> memref<2x128xi32, #tpu.memory_space<hbm>>
    tpu.wait_dma2 semaphore(%dma_wait3A_250 : memref<!tpu.dma_semaphore, #tpu.memory_space<semaphore_mem>>) src(%dma_wait3A_258 : memref<2x128xi32, #tpu.memory_space<hbm>>) dst(%dma_wait3A_254 : memref<2x128xi32, #tpu.memory_space<vmem>>)
    %rem3A_259 = arith.constant 1 : i32
    %rem3A_260 = arith.constant 6 : i32
    %rem3A_261 = arith.remsi %rem3A_259, %rem3A_260 : i32
    %rem3A_262 = arith.constant 1 : i32
    %rem3A_263 = arith.constant 2 : i32
    %rem3A_264 = arith.remsi %rem3A_262, %rem3A_263 : i32
    %rem3A_265 = arith.constant 1 : i32
    %rem3A_266 = arith.constant 2 : i32
    %rem3A_267 = arith.remsi %rem3A_265, %rem3A_266 : i32
    %dma_start3A_268 = arith.constant 0 : i32
    %dma_start3A_269 = arith.constant 0 : i32
    %dma_start3A_270 = arith.constant 0 : i32
    %dma_start3A_271 = tpu.memref_slice %arg6[%rem3A_264, %dma_start3A_269, %dma_start3A_270] : memref<2x128x128xf32, #tpu.memory_space<vmem>> -> memref<1x128x128xf32, #tpu.memory_space<vmem>>
    %dma_start3A_272 = tpu.memref_squeeze %dma_start3A_271 : memref<1x128x128xf32, #tpu.memory_space<vmem>> -> memref<128x128xf32, #tpu.memory_space<vmem>>
    %dma_start3A_273 = arith.constant 0 : i32
    %dma_start3A_274 = tpu.memref_slice %arg7[%rem3A_261, %dma_start3A_268, %dma_start3A_273] : memref<6x2x128xi32, #tpu.memory_space<vmem>> -> memref<1x1x128xi32, #tpu.memory_space<vmem>>
    %dma_start3A_275 = tpu.memref_squeeze %dma_start3A_274 : memref<1x1x128xi32, #tpu.memory_space<vmem>> -> memref<128xi32, #tpu.memory_space<vmem>>
    %dma_start3A_276 = arith.constant 0 : i32
    %dma_start3A_277 = arith.constant 0 : i32
    %dma_start3A_278 = tpu.memref_slice %arg2[%dma_start3A_276, %dma_start3A_277] : memref<10000x128xf32, #tpu.memory_space<hbm>> -> memref<10000x128xf32, #tpu.memory_space<hbm>>
    %dma_start3A_279 = tpu.memref_slice %arg8[%rem3A_267] : memref<2x!tpu.dma_semaphore, #tpu.memory_space<semaphore_mem>> -> memref<1x!tpu.dma_semaphore, #tpu.memory_space<semaphore_mem>>
    %dma_start3A_280 = tpu.memref_squeeze %dma_start3A_279 : memref<1x!tpu.dma_semaphore, #tpu.memory_space<semaphore_mem>> -> memref<!tpu.dma_semaphore, #tpu.memory_space<semaphore_mem>>
    tpu.enqueue_indirect_dma source(%dma_start3A_278 : memref<10000x128xf32, #tpu.memory_space<hbm>>) target(%dma_start3A_272 : memref<128x128xf32, #tpu.memory_space<vmem>>) offsets(%dma_start3A_275 : memref<128xi32, #tpu.memory_space<vmem>>) semaphore(%dma_start3A_280 : memref<!tpu.dma_semaphore, #tpu.memory_space<semaphore_mem>>)
    %scan3A_281 = arith.constant 0 : i32
    %scan3A_282 = arith.constant 0 : i32
    %scan3A_283 = arith.constant 79 : i32
    %scan3A_284 = arith.addi %scan3A_282, %scan3A_283 : i32
    %scan3A_285 = arith.constant 1 : i32
    %scan3A_286 = scf.for %scan3A_289 = %scan3A_282 to %scan3A_284 step %scan3A_285 iter_args(%scan3A_290 = %scan3A_281) -> (i32)  : i32 {
      %rem3A_291 = arith.constant 6 : i32
      %rem3A_292 = arith.remsi %scan3A_289, %rem3A_291 : i32
      %rem3A_293 = arith.constant 2 : i32
      %rem3A_294 = arith.remsi %scan3A_289, %rem3A_293 : i32
      %rem3A_295 = arith.constant 2 : i32
      %rem3A_296 = arith.remsi %scan3A_289, %rem3A_295 : i32
      %dma_wait3A_297 = arith.constant 0 : i32
      %dma_wait3A_298 = arith.constant 0 : i32
      %dma_wait3A_299 = arith.constant 0 : i32
      %dma_wait3A_300 = tpu.memref_slice %arg6[%rem3A_294, %dma_wait3A_298, %dma_wait3A_299] : memref<2x128x128xf32, #tpu.memory_space<vmem>> -> memref<1x128x128xf32, #tpu.memory_space<vmem>>
      %dma_wait3A_301 = tpu.memref_squeeze %dma_wait3A_300 : memref<1x128x128xf32, #tpu.memory_space<vmem>> -> memref<128x128xf32, #tpu.memory_space<vmem>>
      %dma_wait3A_302 = arith.constant 0 : i32
      %dma_wait3A_303 = tpu.memref_slice %arg7[%rem3A_292, %dma_wait3A_297, %dma_wait3A_302] : memref<6x2x128xi32, #tpu.memory_space<vmem>> -> memref<1x1x128xi32, #tpu.memory_space<vmem>>
      %dma_wait3A_304 = tpu.memref_squeeze %dma_wait3A_303 : memref<1x1x128xi32, #tpu.memory_space<vmem>> -> memref<128xi32, #tpu.memory_space<vmem>>
      %dma_wait3A_305 = arith.constant 0 : i32
      %dma_wait3A_306 = arith.constant 0 : i32
      %dma_wait3A_307 = tpu.memref_slice %arg2[%dma_wait3A_305, %dma_wait3A_306] : memref<10000x128xf32, #tpu.memory_space<hbm>> -> memref<10000x128xf32, #tpu.memory_space<hbm>>
      %dma_wait3A_308 = tpu.memref_slice %arg8[%rem3A_296] : memref<2x!tpu.dma_semaphore, #tpu.memory_space<semaphore_mem>> -> memref<1x!tpu.dma_semaphore, #tpu.memory_space<semaphore_mem>>
      %dma_wait3A_309 = tpu.memref_squeeze %dma_wait3A_308 : memref<1x!tpu.dma_semaphore, #tpu.memory_space<semaphore_mem>> -> memref<!tpu.dma_semaphore, #tpu.memory_space<semaphore_mem>>
      tpu.wait_indirect_dma semaphore(%dma_wait3A_309 : memref<!tpu.dma_semaphore, #tpu.memory_space<semaphore_mem>>) src(%dma_wait3A_307 : memref<10000x128xf32, #tpu.memory_space<hbm>>) dst(%dma_wait3A_301 : memref<128x128xf32, #tpu.memory_space<vmem>>)
      %rem3A_310 = arith.constant 6 : i32
      %rem3A_311 = arith.remsi %scan3A_289, %rem3A_310 : i32
      %rem3A_312 = arith.constant 2 : i32
      %rem3A_313 = arith.remsi %scan3A_289, %rem3A_312 : i32
      %run_scoped3A_314 = arith.constant 1 : i32
      "tpu.region"() ({
        %run_scoped3A_327 = tpu.sem_alloc : memref<!tpu.dma_semaphore, #tpu.memory_space<semaphore_mem>>
        %dma_start3A_328 = arith.constant 0 : i32
        %dma_start3A_329 = arith.constant 0 : i32
        %dma_start3A_330 = tpu.memref_slice %arg6[%rem3A_313, %dma_start3A_328, %dma_start3A_329] : memref<2x128x128xf32, #tpu.memory_space<vmem>> -> memref<1x128x128xf32, #tpu.memory_space<vmem>>
        %dma_start3A_331 = tpu.memref_squeeze %dma_start3A_330 : memref<1x128x128xf32, #tpu.memory_space<vmem>> -> memref<128x128xf32, #tpu.memory_space<vmem>>
        %dma_start3A_332 = arith.constant 0 : i32
        %dma_start3A_333 = tpu.memref_slice %arg7[%rem3A_311, %run_scoped3A_314, %dma_start3A_332] : memref<6x2x128xi32, #tpu.memory_space<vmem>> -> memref<1x1x128xi32, #tpu.memory_space<vmem>>
        %dma_start3A_334 = tpu.memref_squeeze %dma_start3A_333 : memref<1x1x128xi32, #tpu.memory_space<vmem>> -> memref<128xi32, #tpu.memory_space<vmem>>
        %dma_start3A_335 = arith.constant 0 : i32
        %dma_start3A_336 = arith.constant 0 : i32
        %dma_start3A_337 = tpu.memref_slice %arg5[%dma_start3A_335, %dma_start3A_336] : memref<10240x128xf32, #tpu.memory_space<vmem_shared>> -> memref<10240x128xf32, #tpu.memory_space<vmem_shared>>
        tpu.enqueue_indirect_dma source(%dma_start3A_331 : memref<128x128xf32, #tpu.memory_space<vmem>>) target(%dma_start3A_337 : memref<10240x128xf32, #tpu.memory_space<vmem_shared>>) offsets(%dma_start3A_334 : memref<128xi32, #tpu.memory_space<vmem>>) semaphore(%run_scoped3A_327 : memref<!tpu.dma_semaphore, #tpu.memory_space<semaphore_mem>>) {add = true}
        %dma_wait3A_338 = arith.constant 0 : i32
        %dma_wait3A_339 = arith.constant 0 : i32
        %dma_wait3A_340 = tpu.memref_slice %arg6[%rem3A_313, %dma_wait3A_338, %dma_wait3A_339] : memref<2x128x128xf32, #tpu.memory_space<vmem>> -> memref<1x128x128xf32, #tpu.memory_space<vmem>>
        %dma_wait3A_341 = tpu.memref_squeeze %dma_wait3A_340 : memref<1x128x128xf32, #tpu.memory_space<vmem>> -> memref<128x128xf32, #tpu.memory_space<vmem>>
        %dma_wait3A_342 = arith.constant 0 : i32
        %dma_wait3A_343 = tpu.memref_slice %arg7[%rem3A_311, %run_scoped3A_314, %dma_wait3A_342] : memref<6x2x128xi32, #tpu.memory_space<vmem>> -> memref<1x1x128xi32, #tpu.memory_space<vmem>>
        %dma_wait3A_344 = tpu.memref_squeeze %dma_wait3A_343 : memref<1x1x128xi32, #tpu.memory_space<vmem>> -> memref<128xi32, #tpu.memory_space<vmem>>
        %dma_wait3A_345 = arith.constant 0 : i32
        %dma_wait3A_346 = arith.constant 0 : i32
        %dma_wait3A_347 = tpu.memref_slice %arg5[%dma_wait3A_345, %dma_wait3A_346] : memref<10240x128xf32, #tpu.memory_space<vmem_shared>> -> memref<10240x128xf32, #tpu.memory_space<vmem_shared>>
        tpu.wait_indirect_dma semaphore(%run_scoped3A_327 : memref<!tpu.dma_semaphore, #tpu.memory_space<semaphore_mem>>) src(%dma_wait3A_341 : memref<128x128xf32, #tpu.memory_space<vmem>>) dst(%dma_wait3A_347 : memref<10240x128xf32, #tpu.memory_space<vmem_shared>>)
        tpu.yield
      }) : () -> ()
      %add3A_315 = arith.constant 2 : i32
      %add3A_316 = arith.addi %scan3A_289, %add3A_315 : i32
      %lt3A = arith.constant 79 : i32
      %lt3A_317 = arith.cmpi slt, %add3A_316, %lt3A : i32
      %convert_element_type3A = arith.extui %lt3A_317 : i1 to i32
      %cond3A = arith.constant 0 : i32
      %cond3A_318 = arith.cmpi ne, %convert_element_type3A, %cond3A : i32
      scf.if %cond3A_318 {
        %add3A_327 = arith.constant 2 : i32
        %add3A_328 = arith.addi %scan3A_289, %add3A_327 : i32
        %rem3A_329 = arith.constant 79 : i32
        %rem3A_330 = arith.remsi %add3A_328, %rem3A_329 : i32
        %rem3A_331 = arith.constant 6 : i32
        %rem3A_332 = arith.remsi %add3A_328, %rem3A_331 : i32
        %rem3A_333 = arith.constant 6 : i32
        %rem3A_334 = arith.remsi %add3A_328, %rem3A_333 : i32
        %dma_wait3A_335 = arith.constant 0 : i32
        %dma_wait3A_336 = arith.constant 0 : i32
        %dma_wait3A_337 = tpu.memref_slice %arg7[%rem3A_332, %dma_wait3A_335, %dma_wait3A_336] : memref<6x2x128xi32, #tpu.memory_space<vmem>> -> memref<1x2x128xi32, #tpu.memory_space<vmem>>
        %dma_wait3A_338 = tpu.memref_squeeze %dma_wait3A_337 : memref<1x2x128xi32, #tpu.memory_space<vmem>> -> memref<2x128xi32, #tpu.memory_space<vmem>>
        %dma_wait3A_339 = arith.constant 0 : i32
        %dma_wait3A_340 = arith.constant 0 : i32
        %dma_wait3A_341 = tpu.memref_slice %arg3[%add3A, %rem3A_330, %dma_wait3A_339, %dma_wait3A_340] : memref<32x79x2x128xi32, #tpu.memory_space<hbm>> -> memref<1x1x2x128xi32, #tpu.memory_space<hbm>>
        %dma_wait3A_342 = tpu.memref_squeeze %dma_wait3A_341 : memref<1x1x2x128xi32, #tpu.memory_space<hbm>> -> memref<2x128xi32, #tpu.memory_space<hbm>>
        %dma_wait3A_343 = tpu.memref_slice %arg9[%rem3A_334] : memref<6x!tpu.dma_semaphore, #tpu.memory_space<semaphore_mem>> -> memref<1x!tpu.dma_semaphore, #tpu.memory_space<semaphore_mem>>
        %dma_wait3A_344 = tpu.memref_squeeze %dma_wait3A_343 : memref<1x!tpu.dma_semaphore, #tpu.memory_space<semaphore_mem>> -> memref<!tpu.dma_semaphore, #tpu.memory_space<semaphore_mem>>
        %dma_wait3A_345 = arith.constant 0 : i32
        %dma_wait3A_346 = arith.constant 0 : i32
        %dma_wait3A_347 = tpu.memref_slice %arg7[%rem3A_332, %dma_wait3A_345, %dma_wait3A_346] : memref<6x2x128xi32, #tpu.memory_space<vmem>> -> memref<1x2x128xi32, #tpu.memory_space<vmem>>
        %dma_wait3A_348 = tpu.memref_squeeze %dma_wait3A_347 : memref<1x2x128xi32, #tpu.memory_space<vmem>> -> memref<2x128xi32, #tpu.memory_space<vmem>>
        %dma_wait3A_349 = arith.constant 0 : i32
        %dma_wait3A_350 = arith.constant 0 : i32
        %dma_wait3A_351 = tpu.memref_slice %arg3[%add3A, %rem3A_330, %dma_wait3A_349, %dma_wait3A_350] : memref<32x79x2x128xi32, #tpu.memory_space<hbm>> -> memref<1x1x2x128xi32, #tpu.memory_space<hbm>>
        %dma_wait3A_352 = tpu.memref_squeeze %dma_wait3A_351 : memref<1x1x2x128xi32, #tpu.memory_space<hbm>> -> memref<2x128xi32, #tpu.memory_space<hbm>>
        tpu.wait_dma2 semaphore(%dma_wait3A_344 : memref<!tpu.dma_semaphore, #tpu.memory_space<semaphore_mem>>) src(%dma_wait3A_352 : memref<2x128xi32, #tpu.memory_space<hbm>>) dst(%dma_wait3A_348 : memref<2x128xi32, #tpu.memory_space<vmem>>)
        %add3A_353 = arith.constant 2 : i32
        %add3A_354 = arith.addi %scan3A_289, %add3A_353 : i32
        %rem3A_355 = arith.constant 6 : i32
        %rem3A_356 = arith.remsi %add3A_354, %rem3A_355 : i32
        %rem3A_357 = arith.constant 2 : i32
        %rem3A_358 = arith.remsi %add3A_354, %rem3A_357 : i32
        %rem3A_359 = arith.constant 2 : i32
        %rem3A_360 = arith.remsi %add3A_354, %rem3A_359 : i32
        %dma_start3A_361 = arith.constant 0 : i32
        %dma_start3A_362 = arith.constant 0 : i32
        %dma_start3A_363 = arith.constant 0 : i32
        %dma_start3A_364 = tpu.memref_slice %arg6[%rem3A_358, %dma_start3A_362, %dma_start3A_363] : memref<2x128x128xf32, #tpu.memory_space<vmem>> -> memref<1x128x128xf32, #tpu.memory_space<vmem>>
        %dma_start3A_365 = tpu.memref_squeeze %dma_start3A_364 : memref<1x128x128xf32, #tpu.memory_space<vmem>> -> memref<128x128xf32, #tpu.memory_space<vmem>>
        %dma_start3A_366 = arith.constant 0 : i32
        %dma_start3A_367 = tpu.memref_slice %arg7[%rem3A_356, %dma_start3A_361, %dma_start3A_366] : memref<6x2x128xi32, #tpu.memory_space<vmem>> -> memref<1x1x128xi32, #tpu.memory_space<vmem>>
        %dma_start3A_368 = tpu.memref_squeeze %dma_start3A_367 : memref<1x1x128xi32, #tpu.memory_space<vmem>> -> memref<128xi32, #tpu.memory_space<vmem>>
        %dma_start3A_369 = arith.constant 0 : i32
        %dma_start3A_370 = arith.constant 0 : i32
        %dma_start3A_371 = tpu.memref_slice %arg2[%dma_start3A_369, %dma_start3A_370] : memref<10000x128xf32, #tpu.memory_space<hbm>> -> memref<10000x128xf32, #tpu.memory_space<hbm>>
        %dma_start3A_372 = tpu.memref_slice %arg8[%rem3A_360] : memref<2x!tpu.dma_semaphore, #tpu.memory_space<semaphore_mem>> -> memref<1x!tpu.dma_semaphore, #tpu.memory_space<semaphore_mem>>
        %dma_start3A_373 = tpu.memref_squeeze %dma_start3A_372 : memref<1x!tpu.dma_semaphore, #tpu.memory_space<semaphore_mem>> -> memref<!tpu.dma_semaphore, #tpu.memory_space<semaphore_mem>>
        tpu.enqueue_indirect_dma source(%dma_start3A_371 : memref<10000x128xf32, #tpu.memory_space<hbm>>) target(%dma_start3A_365 : memref<128x128xf32, #tpu.memory_space<vmem>>) offsets(%dma_start3A_368 : memref<128xi32, #tpu.memory_space<vmem>>) semaphore(%dma_start3A_373 : memref<!tpu.dma_semaphore, #tpu.memory_space<semaphore_mem>>)
      } else {
      }
      %add3A_319 = arith.constant 6 : i32
      %add3A_320 = arith.addi %scan3A_289, %add3A_319 : i32
      %lt3A_321 = arith.constant 79 : i32
      %lt3A_322 = arith.cmpi slt, %add3A_320, %lt3A_321 : i32
      %convert_element_type3A_323 = arith.extui %lt3A_322 : i1 to i32
      %cond3A_324 = arith.constant 0 : i32
      %cond3A_325 = arith.cmpi ne, %convert_element_type3A_323, %cond3A_324 : i32
      scf.if %cond3A_325 {
        %add3A_327 = arith.constant 6 : i32
        %add3A_328 = arith.addi %scan3A_289, %add3A_327 : i32
        %rem3A_329 = arith.constant 79 : i32
        %rem3A_330 = arith.remsi %add3A_328, %rem3A_329 : i32
        %rem3A_331 = arith.constant 6 : i32
        %rem3A_332 = arith.remsi %add3A_328, %rem3A_331 : i32
        %rem3A_333 = arith.constant 6 : i32
        %rem3A_334 = arith.remsi %add3A_328, %rem3A_333 : i32
        %dma_start3A_335 = arith.constant 0 : i32
        %dma_start3A_336 = arith.constant 0 : i32
        %dma_start3A_337 = tpu.memref_slice %arg7[%rem3A_332, %dma_start3A_335, %dma_start3A_336] : memref<6x2x128xi32, #tpu.memory_space<vmem>> -> memref<1x2x128xi32, #tpu.memory_space<vmem>>
        %dma_start3A_338 = tpu.memref_squeeze %dma_start3A_337 : memref<1x2x128xi32, #tpu.memory_space<vmem>> -> memref<2x128xi32, #tpu.memory_space<vmem>>
        %dma_start3A_339 = arith.constant 0 : i32
        %dma_start3A_340 = arith.constant 0 : i32
        %dma_start3A_341 = tpu.memref_slice %arg3[%add3A, %rem3A_330, %dma_start3A_339, %dma_start3A_340] : memref<32x79x2x128xi32, #tpu.memory_space<hbm>> -> memref<1x1x2x128xi32, #tpu.memory_space<hbm>>
        %dma_start3A_342 = tpu.memref_squeeze %dma_start3A_341 : memref<1x1x2x128xi32, #tpu.memory_space<hbm>> -> memref<2x128xi32, #tpu.memory_space<hbm>>
        %dma_start3A_343 = tpu.memref_slice %arg9[%rem3A_334] : memref<6x!tpu.dma_semaphore, #tpu.memory_space<semaphore_mem>> -> memref<1x!tpu.dma_semaphore, #tpu.memory_space<semaphore_mem>>
        %dma_start3A_344 = tpu.memref_squeeze %dma_start3A_343 : memref<1x!tpu.dma_semaphore, #tpu.memory_space<semaphore_mem>> -> memref<!tpu.dma_semaphore, #tpu.memory_space<semaphore_mem>>
        %dma_start3A_345 = arith.constant 0 : i32
        %dma_start3A_346 = arith.constant 0 : i32
        %dma_start3A_347 = tpu.memref_slice %arg7[%rem3A_332, %dma_start3A_345, %dma_start3A_346] : memref<6x2x128xi32, #tpu.memory_space<vmem>> -> memref<1x2x128xi32, #tpu.memory_space<vmem>>
        %dma_start3A_348 = tpu.memref_squeeze %dma_start3A_347 : memref<1x2x128xi32, #tpu.memory_space<vmem>> -> memref<2x128xi32, #tpu.memory_space<vmem>>
        %dma_start3A_349 = arith.constant 0 : i32
        %dma_start3A_350 = arith.constant 0 : i32
        %dma_start3A_351 = tpu.memref_slice %arg3[%add3A, %rem3A_330, %dma_start3A_349, %dma_start3A_350] : memref<32x79x2x128xi32, #tpu.memory_space<hbm>> -> memref<1x1x2x128xi32, #tpu.memory_space<hbm>>
        %dma_start3A_352 = tpu.memref_squeeze %dma_start3A_351 : memref<1x1x2x128xi32, #tpu.memory_space<hbm>> -> memref<2x128xi32, #tpu.memory_space<hbm>>
        tpu.enqueue_dma source(%dma_start3A_352 : memref<2x128xi32, #tpu.memory_space<hbm>>) target(%dma_start3A_348 : memref<2x128xi32, #tpu.memory_space<vmem>>) target_semaphore(%dma_start3A_344 : memref<!tpu.dma_semaphore, #tpu.memory_space<semaphore_mem>>)
      } else {
      }
      %scan3A_326 = arith.constant 0 : i32
      scf.yield %scan3A_326 : i32
    }
    %scan3A_287 = arith.constant 79 : i32
    %barrier3A_288 = arith.constant 0 : index
    tpu.barrier barrier_id(%barrier3A_288)
    "tpu.region"() ({
      %run_scoped3A_289 = tpu.sem_alloc : memref<!tpu.dma_semaphore, #tpu.memory_space<semaphore_mem>>
      %dma_start3A_290 = arith.constant 0 : i32
      %dma_start3A_291 = tpu.memref_slice %arg4[%arg0, %mul3A_9, %dma_start3A_290] : memref<2x10240x128xf32, #tpu.memory_space<hbm>> -> memref<1x640x128xf32, #tpu.memory_space<hbm>>
      %dma_start3A_292 = tpu.memref_squeeze %dma_start3A_291 : memref<1x640x128xf32, #tpu.memory_space<hbm>> -> memref<640x128xf32, #tpu.memory_space<hbm>>
      %dma_start3A_293 = arith.constant 0 : i32
      %dma_start3A_294 = tpu.memref_slice %arg5[%mul3A_9, %dma_start3A_293] : memref<10240x128xf32, #tpu.memory_space<vmem_shared>> -> memref<640x128xf32, #tpu.memory_space<vmem_shared>>
      tpu.enqueue_dma source(%dma_start3A_294 : memref<640x128xf32, #tpu.memory_space<vmem_shared>>) target(%dma_start3A_292 : memref<640x128xf32, #tpu.memory_space<hbm>>) target_semaphore(%run_scoped3A_289 : memref<!tpu.dma_semaphore, #tpu.memory_space<semaphore_mem>>)
      %dma_wait3A_295 = arith.constant 0 : i32
      %dma_wait3A_296 = tpu.memref_slice %arg4[%arg0, %mul3A_9, %dma_wait3A_295] : memref<2x10240x128xf32, #tpu.memory_space<hbm>> -> memref<1x640x128xf32, #tpu.memory_space<hbm>>
      %dma_wait3A_297 = tpu.memref_squeeze %dma_wait3A_296 : memref<1x640x128xf32, #tpu.memory_space<hbm>> -> memref<640x128xf32, #tpu.memory_space<hbm>>
      %dma_wait3A_298 = arith.constant 0 : i32
      %dma_wait3A_299 = tpu.memref_slice %arg5[%mul3A_9, %dma_wait3A_298] : memref<10240x128xf32, #tpu.memory_space<vmem_shared>> -> memref<640x128xf32, #tpu.memory_space<vmem_shared>>
      tpu.wait_dma2 semaphore(%run_scoped3A_289 : memref<!tpu.dma_semaphore, #tpu.memory_space<semaphore_mem>>) src(%dma_wait3A_299 : memref<640x128xf32, #tpu.memory_space<vmem_shared>>) dst(%dma_wait3A_297 : memref<640x128xf32, #tpu.memory_space<hbm>>)
      tpu.yield
    }) : () -> ()
    return
  }
}

#map = affine_map<(d0, d1) -> (0, 0, 0, 0)>
#map1 = affine_map<(d0, d1) -> (0, 0, 0)>
module attributes {stable_mosaic.version = 14 : i64} {
  func.func @body(%arg0: i32, %arg1: i32, %arg2: memref<32x79x2x128xi32, #tpu.memory_space<hbm>>, %arg3: memref<2x10240x16xf32, #tpu.memory_space<hbm>>, %arg4: memref<10240x16xf32, #tpu.memory_space<vmem_shared>>, %arg5: memref<128x16xf32, #tpu.memory_space<vmem>>, %arg6: memref<128x16xf32, #tpu.memory_space<vmem>>, %arg7: memref<6x2x128xi32, #tpu.memory_space<vmem>>, %arg8: memref<6x!tpu.dma_semaphore, #tpu.memory_space<semaphore_mem>>) attributes {dimension_semantics = [#tpu.dimension_semantics<core_parallel>, #tpu.dimension_semantics<subcore_parallel>], iteration_bounds = array<i64: 2, 16>, scalar_prefetch = 0 : i64, scratch_operands = 5 : i64, tpu.core_type = #tpu.core_type<sc_vector_subcore>, window_params = [{transform_indices = #map}, {transform_indices = #map1}]} {
    %mul3A = arith.constant 16 : i32
    %mul3A_0 = arith.muli %arg0, %mul3A : i32
    %add3A = arith.addi %mul3A_0, %arg1 : i32
    %broadcast_in_dim3A = arith.constant 0.000000e+00 : f32
    %broadcast_in_dim3A_1 = vector.broadcast %broadcast_in_dim3A : f32 to vector<16xf32>
    %broadcast_in_dim3A_2 = arith.constant 1.000000e+00 : f32
    %broadcast_in_dim3A_3 = vector.broadcast %broadcast_in_dim3A_2 : f32 to vector<16xf32>
    %scan3A = arith.constant 0 : i32
    %scan3A_4 = arith.constant 0 : i32
    %scan3A_5 = arith.constant 128 : i32
    %scan3A_6 = arith.addi %scan3A_4, %scan3A_5 : i32
    %scan3A_7 = arith.constant 1 : i32
    %scan3A_8 = scf.for %scan3A_190 = %scan3A_4 to %scan3A_6 step %scan3A_7 iter_args(%scan3A_191 = %scan3A) -> (i32)  : i32 {
      %jit3A = arith.constant 1 : i32
      %div3A = arith.divsi %scan3A_190, %jit3A : i32
      %sign3A = arith.constant 0 : i32
      %sign3A_192 = arith.cmpi sgt, %scan3A_190, %sign3A : i32
      %sign3A_193 = arith.extui %sign3A_192 : i1 to i32
      %sign3A_194 = arith.constant 0 : i32
      %sign3A_195 = arith.cmpi slt, %scan3A_190, %sign3A_194 : i32
      %sign3A_196 = arith.extui %sign3A_195 : i1 to i32
      %sign3A_197 = arith.subi %sign3A_193, %sign3A_196 : i32
      %sign3A_198 = arith.constant 0 : i32
      %sign3A_199 = arith.cmpi sgt, %jit3A, %sign3A_198 : i32
      %sign3A_200 = arith.extui %sign3A_199 : i1 to i32
      %sign3A_201 = arith.constant 0 : i32
      %sign3A_202 = arith.cmpi slt, %jit3A, %sign3A_201 : i32
      %sign3A_203 = arith.extui %sign3A_202 : i1 to i32
      %sign3A_204 = arith.subi %sign3A_200, %sign3A_203 : i32
      %ne3A = arith.cmpi ne, %sign3A_197, %sign3A_204 : i32
      %rem3A_205 = arith.remsi %scan3A_190, %jit3A : i32
      %ne3A_206 = arith.constant 0 : i32
      %ne3A_207 = arith.cmpi ne, %rem3A_205, %ne3A_206 : i32
      %and3A = arith.andi %ne3A, %ne3A_207 : i1
      %sub3A = arith.constant 1 : i32
      %sub3A_208 = arith.subi %div3A, %sub3A : i32
      %select_n3A = arith.select %and3A, %sub3A_208, %div3A : i32
      %rem3A_209 = arith.constant 1 : i32
      %rem3A_210 = arith.remsi %scan3A_190, %rem3A_209 : i32
      %mul3A_211 = arith.constant 16 : i32
      %mul3A_212 = arith.muli %rem3A_210, %mul3A_211 : i32
      %swap3A = arith.index_cast %select_n3A : i32 to index
      %swap3A_213 = arith.index_cast %mul3A_212 : i32 to index
      %swap3A_214 = tpu.vector_load %arg5[%swap3A, %swap3A_213] {strides = array<i32>} : memref<128x16xf32, #tpu.memory_space<vmem>>, vector<1x16xf32>,
      %swap3A_215 = vector.shape_cast %swap3A_214 : vector<1x16xf32> to vector<16xf32>
      %swap3A_216 = vector.shape_cast %broadcast_in_dim3A_1 : vector<16xf32> to vector<1x16xf32>
      tpu.vector_store %arg5[%swap3A, %swap3A_213], %swap3A_216 {strides = array<i32>} : memref<128x16xf32, #tpu.memory_space<vmem>>, vector<1x16xf32>,
      %swap3A_217 = arith.index_cast %select_n3A : i32 to index
      %swap3A_218 = arith.index_cast %mul3A_212 : i32 to index
      %swap3A_219 = tpu.vector_load %arg6[%swap3A_217, %swap3A_218] {strides = array<i32>} : memref<128x16xf32, #tpu.memory_space<vmem>>, vector<1x16xf32>,
      %swap3A_220 = vector.shape_cast %swap3A_219 : vector<1x16xf32> to vector<16xf32>
      %swap3A_221 = vector.shape_cast %broadcast_in_dim3A_3 : vector<16xf32> to vector<1x16xf32>
      tpu.vector_store %arg6[%swap3A_217, %swap3A_218], %swap3A_221 {strides = array<i32>} : memref<128x16xf32, #tpu.memory_space<vmem>>, vector<1x16xf32>,
      %scan3A_222 = arith.constant 0 : i32
      scf.yield %scan3A_222 : i32
    }
    %scan3A_9 = arith.constant 128 : i32
    %mul3A_10 = arith.constant 640 : i32
    %mul3A_11 = arith.muli %arg1, %mul3A_10 : i32
    %add3A_12 = arith.constant 0 : i32
    %add3A_13 = arith.addi %mul3A_11, %add3A_12 : i32
    "tpu.region"() ({
      %run_scoped3A = tpu.sem_alloc : memref<!tpu.dma_semaphore, #tpu.memory_space<semaphore_mem>>
      %dma_start3A_190 = arith.constant 0 : i32
      %dma_start3A_191 = tpu.memref_slice %arg4[%add3A_13, %dma_start3A_190] : memref<10240x16xf32, #tpu.memory_space<vmem_shared>> -> memref<128x16xf32, #tpu.memory_space<vmem_shared>>
      %dma_start3A_192 = arith.constant 0 : i32
      %dma_start3A_193 = tpu.memref_slice %arg4[%add3A_13, %dma_start3A_192] : memref<10240x16xf32, #tpu.memory_space<vmem_shared>> -> memref<128x16xf32, #tpu.memory_space<vmem_shared>>
      tpu.enqueue_dma source(%arg5 : memref<128x16xf32, #tpu.memory_space<vmem>>) target(%dma_start3A_193 : memref<128x16xf32, #tpu.memory_space<vmem_shared>>) target_semaphore(%run_scoped3A : memref<!tpu.dma_semaphore, #tpu.memory_space<semaphore_mem>>)
      %dma_wait3A = arith.constant 0 : i32
      %dma_wait3A_194 = tpu.memref_slice %arg4[%add3A_13, %dma_wait3A] : memref<10240x16xf32, #tpu.memory_space<vmem_shared>> -> memref<128x16xf32, #tpu.memory_space<vmem_shared>>
      %dma_wait3A_195 = arith.constant 0 : i32
      %dma_wait3A_196 = tpu.memref_slice %arg4[%add3A_13, %dma_wait3A_195] : memref<10240x16xf32, #tpu.memory_space<vmem_shared>> -> memref<128x16xf32, #tpu.memory_space<vmem_shared>>
      tpu.wait_dma2 semaphore(%run_scoped3A : memref<!tpu.dma_semaphore, #tpu.memory_space<semaphore_mem>>) src(%arg5 : memref<128x16xf32, #tpu.memory_space<vmem>>) dst(%dma_wait3A_196 : memref<128x16xf32, #tpu.memory_space<vmem_shared>>)
      tpu.yield
    }) : () -> ()
    %add3A_14 = arith.constant 128 : i32
    %add3A_15 = arith.addi %mul3A_11, %add3A_14 : i32
    "tpu.region"() ({
      %run_scoped3A = tpu.sem_alloc : memref<!tpu.dma_semaphore, #tpu.memory_space<semaphore_mem>>
      %dma_start3A_190 = arith.constant 0 : i32
      %dma_start3A_191 = tpu.memref_slice %arg4[%add3A_15, %dma_start3A_190] : memref<10240x16xf32, #tpu.memory_space<vmem_shared>> -> memref<128x16xf32, #tpu.memory_space<vmem_shared>>
      %dma_start3A_192 = arith.constant 0 : i32
      %dma_start3A_193 = tpu.memref_slice %arg4[%add3A_15, %dma_start3A_192] : memref<10240x16xf32, #tpu.memory_space<vmem_shared>> -> memref<128x16xf32, #tpu.memory_space<vmem_shared>>
      tpu.enqueue_dma source(%arg5 : memref<128x16xf32, #tpu.memory_space<vmem>>) target(%dma_start3A_193 : memref<128x16xf32, #tpu.memory_space<vmem_shared>>) target_semaphore(%run_scoped3A : memref<!tpu.dma_semaphore, #tpu.memory_space<semaphore_mem>>)
      %dma_wait3A = arith.constant 0 : i32
      %dma_wait3A_194 = tpu.memref_slice %arg4[%add3A_15, %dma_wait3A] : memref<10240x16xf32, #tpu.memory_space<vmem_shared>> -> memref<128x16xf32, #tpu.memory_space<vmem_shared>>
      %dma_wait3A_195 = arith.constant 0 : i32
      %dma_wait3A_196 = tpu.memref_slice %arg4[%add3A_15, %dma_wait3A_195] : memref<10240x16xf32, #tpu.memory_space<vmem_shared>> -> memref<128x16xf32, #tpu.memory_space<vmem_shared>>
      tpu.wait_dma2 semaphore(%run_scoped3A : memref<!tpu.dma_semaphore, #tpu.memory_space<semaphore_mem>>) src(%arg5 : memref<128x16xf32, #tpu.memory_space<vmem>>) dst(%dma_wait3A_196 : memref<128x16xf32, #tpu.memory_space<vmem_shared>>)
      tpu.yield
    }) : () -> ()
    %add3A_16 = arith.constant 256 : i32
    %add3A_17 = arith.addi %mul3A_11, %add3A_16 : i32
    "tpu.region"() ({
      %run_scoped3A = tpu.sem_alloc : memref<!tpu.dma_semaphore, #tpu.memory_space<semaphore_mem>>
      %dma_start3A_190 = arith.constant 0 : i32
      %dma_start3A_191 = tpu.memref_slice %arg4[%add3A_17, %dma_start3A_190] : memref<10240x16xf32, #tpu.memory_space<vmem_shared>> -> memref<128x16xf32, #tpu.memory_space<vmem_shared>>
      %dma_start3A_192 = arith.constant 0 : i32
      %dma_start3A_193 = tpu.memref_slice %arg4[%add3A_17, %dma_start3A_192] : memref<10240x16xf32, #tpu.memory_space<vmem_shared>> -> memref<128x16xf32, #tpu.memory_space<vmem_shared>>
      tpu.enqueue_dma source(%arg5 : memref<128x16xf32, #tpu.memory_space<vmem>>) target(%dma_start3A_193 : memref<128x16xf32, #tpu.memory_space<vmem_shared>>) target_semaphore(%run_scoped3A : memref<!tpu.dma_semaphore, #tpu.memory_space<semaphore_mem>>)
      %dma_wait3A = arith.constant 0 : i32
      %dma_wait3A_194 = tpu.memref_slice %arg4[%add3A_17, %dma_wait3A] : memref<10240x16xf32, #tpu.memory_space<vmem_shared>> -> memref<128x16xf32, #tpu.memory_space<vmem_shared>>
      %dma_wait3A_195 = arith.constant 0 : i32
      %dma_wait3A_196 = tpu.memref_slice %arg4[%add3A_17, %dma_wait3A_195] : memref<10240x16xf32, #tpu.memory_space<vmem_shared>> -> memref<128x16xf32, #tpu.memory_space<vmem_shared>>
      tpu.wait_dma2 semaphore(%run_scoped3A : memref<!tpu.dma_semaphore, #tpu.memory_space<semaphore_mem>>) src(%arg5 : memref<128x16xf32, #tpu.memory_space<vmem>>) dst(%dma_wait3A_196 : memref<128x16xf32, #tpu.memory_space<vmem_shared>>)
      tpu.yield
    }) : () -> ()
    %add3A_18 = arith.constant 384 : i32
    %add3A_19 = arith.addi %mul3A_11, %add3A_18 : i32
    "tpu.region"() ({
      %run_scoped3A = tpu.sem_alloc : memref<!tpu.dma_semaphore, #tpu.memory_space<semaphore_mem>>
      %dma_start3A_190 = arith.constant 0 : i32
      %dma_start3A_191 = tpu.memref_slice %arg4[%add3A_19, %dma_start3A_190] : memref<10240x16xf32, #tpu.memory_space<vmem_shared>> -> memref<128x16xf32, #tpu.memory_space<vmem_shared>>
      %dma_start3A_192 = arith.constant 0 : i32
      %dma_start3A_193 = tpu.memref_slice %arg4[%add3A_19, %dma_start3A_192] : memref<10240x16xf32, #tpu.memory_space<vmem_shared>> -> memref<128x16xf32, #tpu.memory_space<vmem_shared>>
      tpu.enqueue_dma source(%arg5 : memref<128x16xf32, #tpu.memory_space<vmem>>) target(%dma_start3A_193 : memref<128x16xf32, #tpu.memory_space<vmem_shared>>) target_semaphore(%run_scoped3A : memref<!tpu.dma_semaphore, #tpu.memory_space<semaphore_mem>>)
      %dma_wait3A = arith.constant 0 : i32
      %dma_wait3A_194 = tpu.memref_slice %arg4[%add3A_19, %dma_wait3A] : memref<10240x16xf32, #tpu.memory_space<vmem_shared>> -> memref<128x16xf32, #tpu.memory_space<vmem_shared>>
      %dma_wait3A_195 = arith.constant 0 : i32
      %dma_wait3A_196 = tpu.memref_slice %arg4[%add3A_19, %dma_wait3A_195] : memref<10240x16xf32, #tpu.memory_space<vmem_shared>> -> memref<128x16xf32, #tpu.memory_space<vmem_shared>>
      tpu.wait_dma2 semaphore(%run_scoped3A : memref<!tpu.dma_semaphore, #tpu.memory_space<semaphore_mem>>) src(%arg5 : memref<128x16xf32, #tpu.memory_space<vmem>>) dst(%dma_wait3A_196 : memref<128x16xf32, #tpu.memory_space<vmem_shared>>)
      tpu.yield
    }) : () -> ()
    %add3A_20 = arith.constant 512 : i32
    %add3A_21 = arith.addi %mul3A_11, %add3A_20 : i32
    "tpu.region"() ({
      %run_scoped3A = tpu.sem_alloc : memref<!tpu.dma_semaphore, #tpu.memory_space<semaphore_mem>>
      %dma_start3A_190 = arith.constant 0 : i32
      %dma_start3A_191 = tpu.memref_slice %arg4[%add3A_21, %dma_start3A_190] : memref<10240x16xf32, #tpu.memory_space<vmem_shared>> -> memref<128x16xf32, #tpu.memory_space<vmem_shared>>
      %dma_start3A_192 = arith.constant 0 : i32
      %dma_start3A_193 = tpu.memref_slice %arg4[%add3A_21, %dma_start3A_192] : memref<10240x16xf32, #tpu.memory_space<vmem_shared>> -> memref<128x16xf32, #tpu.memory_space<vmem_shared>>
      tpu.enqueue_dma source(%arg5 : memref<128x16xf32, #tpu.memory_space<vmem>>) target(%dma_start3A_193 : memref<128x16xf32, #tpu.memory_space<vmem_shared>>) target_semaphore(%run_scoped3A : memref<!tpu.dma_semaphore, #tpu.memory_space<semaphore_mem>>)
      %dma_wait3A = arith.constant 0 : i32
      %dma_wait3A_194 = tpu.memref_slice %arg4[%add3A_21, %dma_wait3A] : memref<10240x16xf32, #tpu.memory_space<vmem_shared>> -> memref<128x16xf32, #tpu.memory_space<vmem_shared>>
      %dma_wait3A_195 = arith.constant 0 : i32
      %dma_wait3A_196 = tpu.memref_slice %arg4[%add3A_21, %dma_wait3A_195] : memref<10240x16xf32, #tpu.memory_space<vmem_shared>> -> memref<128x16xf32, #tpu.memory_space<vmem_shared>>
      tpu.wait_dma2 semaphore(%run_scoped3A : memref<!tpu.dma_semaphore, #tpu.memory_space<semaphore_mem>>) src(%arg5 : memref<128x16xf32, #tpu.memory_space<vmem>>) dst(%dma_wait3A_196 : memref<128x16xf32, #tpu.memory_space<vmem_shared>>)
      tpu.yield
    }) : () -> ()
    %barrier3A = arith.constant 0 : index
    tpu.barrier barrier_id(%barrier3A)
    %rem3A = arith.constant 0 : i32
    %rem3A_22 = arith.constant 79 : i32
    %rem3A_23 = arith.remsi %rem3A, %rem3A_22 : i32
    %rem3A_24 = arith.constant 0 : i32
    %rem3A_25 = arith.constant 6 : i32
    %rem3A_26 = arith.remsi %rem3A_24, %rem3A_25 : i32
    %rem3A_27 = arith.constant 0 : i32
    %rem3A_28 = arith.constant 6 : i32
    %rem3A_29 = arith.remsi %rem3A_27, %rem3A_28 : i32
    %dma_start3A = arith.constant 0 : i32
    %dma_start3A_30 = arith.constant 0 : i32
    %dma_start3A_31 = tpu.memref_slice %arg7[%rem3A_26, %dma_start3A, %dma_start3A_30] : memref<6x2x128xi32, #tpu.memory_space<vmem>> -> memref<1x2x128xi32, #tpu.memory_space<vmem>>
    %dma_start3A_32 = tpu.memref_squeeze %dma_start3A_31 : memref<1x2x128xi32, #tpu.memory_space<vmem>> -> memref<2x128xi32, #tpu.memory_space<vmem>>
    %dma_start3A_33 = arith.constant 0 : i32
    %dma_start3A_34 = arith.constant 0 : i32
    %dma_start3A_35 = tpu.memref_slice %arg2[%add3A, %rem3A_23, %dma_start3A_33, %dma_start3A_34] : memref<32x79x2x128xi32, #tpu.memory_space<hbm>> -> memref<1x1x2x128xi32, #tpu.memory_space<hbm>>
    %dma_start3A_36 = tpu.memref_squeeze %dma_start3A_35 : memref<1x1x2x128xi32, #tpu.memory_space<hbm>> -> memref<2x128xi32, #tpu.memory_space<hbm>>
    %dma_start3A_37 = tpu.memref_slice %arg8[%rem3A_29] : memref<6x!tpu.dma_semaphore, #tpu.memory_space<semaphore_mem>> -> memref<1x!tpu.dma_semaphore, #tpu.memory_space<semaphore_mem>>
    %dma_start3A_38 = tpu.memref_squeeze %dma_start3A_37 : memref<1x!tpu.dma_semaphore, #tpu.memory_space<semaphore_mem>> -> memref<!tpu.dma_semaphore, #tpu.memory_space<semaphore_mem>>
    %dma_start3A_39 = arith.constant 0 : i32
    %dma_start3A_40 = arith.constant 0 : i32
    %dma_start3A_41 = tpu.memref_slice %arg7[%rem3A_26, %dma_start3A_39, %dma_start3A_40] : memref<6x2x128xi32, #tpu.memory_space<vmem>> -> memref<1x2x128xi32, #tpu.memory_space<vmem>>
    %dma_start3A_42 = tpu.memref_squeeze %dma_start3A_41 : memref<1x2x128xi32, #tpu.memory_space<vmem>> -> memref<2x128xi32, #tpu.memory_space<vmem>>
    %dma_start3A_43 = arith.constant 0 : i32
    %dma_start3A_44 = arith.constant 0 : i32
    %dma_start3A_45 = tpu.memref_slice %arg2[%add3A, %rem3A_23, %dma_start3A_43, %dma_start3A_44] : memref<32x79x2x128xi32, #tpu.memory_space<hbm>> -> memref<1x1x2x128xi32, #tpu.memory_space<hbm>>
    %dma_start3A_46 = tpu.memref_squeeze %dma_start3A_45 : memref<1x1x2x128xi32, #tpu.memory_space<hbm>> -> memref<2x128xi32, #tpu.memory_space<hbm>>
    tpu.enqueue_dma source(%dma_start3A_46 : memref<2x128xi32, #tpu.memory_space<hbm>>) target(%dma_start3A_42 : memref<2x128xi32, #tpu.memory_space<vmem>>) target_semaphore(%dma_start3A_38 : memref<!tpu.dma_semaphore, #tpu.memory_space<semaphore_mem>>)
    %rem3A_47 = arith.constant 1 : i32
    %rem3A_48 = arith.constant 79 : i32
    %rem3A_49 = arith.remsi %rem3A_47, %rem3A_48 : i32
    %rem3A_50 = arith.constant 1 : i32
    %rem3A_51 = arith.constant 6 : i32
    %rem3A_52 = arith.remsi %rem3A_50, %rem3A_51 : i32
    %rem3A_53 = arith.constant 1 : i32
    %rem3A_54 = arith.constant 6 : i32
    %rem3A_55 = arith.remsi %rem3A_53, %rem3A_54 : i32
    %dma_start3A_56 = arith.constant 0 : i32
    %dma_start3A_57 = arith.constant 0 : i32
    %dma_start3A_58 = tpu.memref_slice %arg7[%rem3A_52, %dma_start3A_56, %dma_start3A_57] : memref<6x2x128xi32, #tpu.memory_space<vmem>> -> memref<1x2x128xi32, #tpu.memory_space<vmem>>
    %dma_start3A_59 = tpu.memref_squeeze %dma_start3A_58 : memref<1x2x128xi32, #tpu.memory_space<vmem>> -> memref<2x128xi32, #tpu.memory_space<vmem>>
    %dma_start3A_60 = arith.constant 0 : i32
    %dma_start3A_61 = arith.constant 0 : i32
    %dma_start3A_62 = tpu.memref_slice %arg2[%add3A, %rem3A_49, %dma_start3A_60, %dma_start3A_61] : memref<32x79x2x128xi32, #tpu.memory_space<hbm>> -> memref<1x1x2x128xi32, #tpu.memory_space<hbm>>
    %dma_start3A_63 = tpu.memref_squeeze %dma_start3A_62 : memref<1x1x2x128xi32, #tpu.memory_space<hbm>> -> memref<2x128xi32, #tpu.memory_space<hbm>>
    %dma_start3A_64 = tpu.memref_slice %arg8[%rem3A_55] : memref<6x!tpu.dma_semaphore, #tpu.memory_space<semaphore_mem>> -> memref<1x!tpu.dma_semaphore, #tpu.memory_space<semaphore_mem>>
    %dma_start3A_65 = tpu.memref_squeeze %dma_start3A_64 : memref<1x!tpu.dma_semaphore, #tpu.memory_space<semaphore_mem>> -> memref<!tpu.dma_semaphore, #tpu.memory_space<semaphore_mem>>
    %dma_start3A_66 = arith.constant 0 : i32
    %dma_start3A_67 = arith.constant 0 : i32
    %dma_start3A_68 = tpu.memref_slice %arg7[%rem3A_52, %dma_start3A_66, %dma_start3A_67] : memref<6x2x128xi32, #tpu.memory_space<vmem>> -> memref<1x2x128xi32, #tpu.memory_space<vmem>>
    %dma_start3A_69 = tpu.memref_squeeze %dma_start3A_68 : memref<1x2x128xi32, #tpu.memory_space<vmem>> -> memref<2x128xi32, #tpu.memory_space<vmem>>
    %dma_start3A_70 = arith.constant 0 : i32
    %dma_start3A_71 = arith.constant 0 : i32
    %dma_start3A_72 = tpu.memref_slice %arg2[%add3A, %rem3A_49, %dma_start3A_70, %dma_start3A_71] : memref<32x79x2x128xi32, #tpu.memory_space<hbm>> -> memref<1x1x2x128xi32, #tpu.memory_space<hbm>>
    %dma_start3A_73 = tpu.memref_squeeze %dma_start3A_72 : memref<1x1x2x128xi32, #tpu.memory_space<hbm>> -> memref<2x128xi32, #tpu.memory_space<hbm>>
    tpu.enqueue_dma source(%dma_start3A_73 : memref<2x128xi32, #tpu.memory_space<hbm>>) target(%dma_start3A_69 : memref<2x128xi32, #tpu.memory_space<vmem>>) target_semaphore(%dma_start3A_65 : memref<!tpu.dma_semaphore, #tpu.memory_space<semaphore_mem>>)
    %rem3A_74 = arith.constant 2 : i32
    %rem3A_75 = arith.constant 79 : i32
    %rem3A_76 = arith.remsi %rem3A_74, %rem3A_75 : i32
    %rem3A_77 = arith.constant 2 : i32
    %rem3A_78 = arith.constant 6 : i32
    %rem3A_79 = arith.remsi %rem3A_77, %rem3A_78 : i32
    %rem3A_80 = arith.constant 2 : i32
    %rem3A_81 = arith.constant 6 : i32
    %rem3A_82 = arith.remsi %rem3A_80, %rem3A_81 : i32
    %dma_start3A_83 = arith.constant 0 : i32
    %dma_start3A_84 = arith.constant 0 : i32
    %dma_start3A_85 = tpu.memref_slice %arg7[%rem3A_79, %dma_start3A_83, %dma_start3A_84] : memref<6x2x128xi32, #tpu.memory_space<vmem>> -> memref<1x2x128xi32, #tpu.memory_space<vmem>>
    %dma_start3A_86 = tpu.memref_squeeze %dma_start3A_85 : memref<1x2x128xi32, #tpu.memory_space<vmem>> -> memref<2x128xi32, #tpu.memory_space<vmem>>
    %dma_start3A_87 = arith.constant 0 : i32
    %dma_start3A_88 = arith.constant 0 : i32
    %dma_start3A_89 = tpu.memref_slice %arg2[%add3A, %rem3A_76, %dma_start3A_87, %dma_start3A_88] : memref<32x79x2x128xi32, #tpu.memory_space<hbm>> -> memref<1x1x2x128xi32, #tpu.memory_space<hbm>>
    %dma_start3A_90 = tpu.memref_squeeze %dma_start3A_89 : memref<1x1x2x128xi32, #tpu.memory_space<hbm>> -> memref<2x128xi32, #tpu.memory_space<hbm>>
    %dma_start3A_91 = tpu.memref_slice %arg8[%rem3A_82] : memref<6x!tpu.dma_semaphore, #tpu.memory_space<semaphore_mem>> -> memref<1x!tpu.dma_semaphore, #tpu.memory_space<semaphore_mem>>
    %dma_start3A_92 = tpu.memref_squeeze %dma_start3A_91 : memref<1x!tpu.dma_semaphore, #tpu.memory_space<semaphore_mem>> -> memref<!tpu.dma_semaphore, #tpu.memory_space<semaphore_mem>>
    %dma_start3A_93 = arith.constant 0 : i32
    %dma_start3A_94 = arith.constant 0 : i32
    %dma_start3A_95 = tpu.memref_slice %arg7[%rem3A_79, %dma_start3A_93, %dma_start3A_94] : memref<6x2x128xi32, #tpu.memory_space<vmem>> -> memref<1x2x128xi32, #tpu.memory_space<vmem>>
    %dma_start3A_96 = tpu.memref_squeeze %dma_start3A_95 : memref<1x2x128xi32, #tpu.memory_space<vmem>> -> memref<2x128xi32, #tpu.memory_space<vmem>>
    %dma_start3A_97 = arith.constant 0 : i32
    %dma_start3A_98 = arith.constant 0 : i32
    %dma_start3A_99 = tpu.memref_slice %arg2[%add3A, %rem3A_76, %dma_start3A_97, %dma_start3A_98] : memref<32x79x2x128xi32, #tpu.memory_space<hbm>> -> memref<1x1x2x128xi32, #tpu.memory_space<hbm>>
    %dma_start3A_100 = tpu.memref_squeeze %dma_start3A_99 : memref<1x1x2x128xi32, #tpu.memory_space<hbm>> -> memref<2x128xi32, #tpu.memory_space<hbm>>
    tpu.enqueue_dma source(%dma_start3A_100 : memref<2x128xi32, #tpu.memory_space<hbm>>) target(%dma_start3A_96 : memref<2x128xi32, #tpu.memory_space<vmem>>) target_semaphore(%dma_start3A_92 : memref<!tpu.dma_semaphore, #tpu.memory_space<semaphore_mem>>)
    %rem3A_101 = arith.constant 3 : i32
    %rem3A_102 = arith.constant 79 : i32
    %rem3A_103 = arith.remsi %rem3A_101, %rem3A_102 : i32
    %rem3A_104 = arith.constant 3 : i32
    %rem3A_105 = arith.constant 6 : i32
    %rem3A_106 = arith.remsi %rem3A_104, %rem3A_105 : i32
    %rem3A_107 = arith.constant 3 : i32
    %rem3A_108 = arith.constant 6 : i32
    %rem3A_109 = arith.remsi %rem3A_107, %rem3A_108 : i32
    %dma_start3A_110 = arith.constant 0 : i32
    %dma_start3A_111 = arith.constant 0 : i32
    %dma_start3A_112 = tpu.memref_slice %arg7[%rem3A_106, %dma_start3A_110, %dma_start3A_111] : memref<6x2x128xi32, #tpu.memory_space<vmem>> -> memref<1x2x128xi32, #tpu.memory_space<vmem>>
    %dma_start3A_113 = tpu.memref_squeeze %dma_start3A_112 : memref<1x2x128xi32, #tpu.memory_space<vmem>> -> memref<2x128xi32, #tpu.memory_space<vmem>>
    %dma_start3A_114 = arith.constant 0 : i32
    %dma_start3A_115 = arith.constant 0 : i32
    %dma_start3A_116 = tpu.memref_slice %arg2[%add3A, %rem3A_103, %dma_start3A_114, %dma_start3A_115] : memref<32x79x2x128xi32, #tpu.memory_space<hbm>> -> memref<1x1x2x128xi32, #tpu.memory_space<hbm>>
    %dma_start3A_117 = tpu.memref_squeeze %dma_start3A_116 : memref<1x1x2x128xi32, #tpu.memory_space<hbm>> -> memref<2x128xi32, #tpu.memory_space<hbm>>
    %dma_start3A_118 = tpu.memref_slice %arg8[%rem3A_109] : memref<6x!tpu.dma_semaphore, #tpu.memory_space<semaphore_mem>> -> memref<1x!tpu.dma_semaphore, #tpu.memory_space<semaphore_mem>>
    %dma_start3A_119 = tpu.memref_squeeze %dma_start3A_118 : memref<1x!tpu.dma_semaphore, #tpu.memory_space<semaphore_mem>> -> memref<!tpu.dma_semaphore, #tpu.memory_space<semaphore_mem>>
    %dma_start3A_120 = arith.constant 0 : i32
    %dma_start3A_121 = arith.constant 0 : i32
    %dma_start3A_122 = tpu.memref_slice %arg7[%rem3A_106, %dma_start3A_120, %dma_start3A_121] : memref<6x2x128xi32, #tpu.memory_space<vmem>> -> memref<1x2x128xi32, #tpu.memory_space<vmem>>
    %dma_start3A_123 = tpu.memref_squeeze %dma_start3A_122 : memref<1x2x128xi32, #tpu.memory_space<vmem>> -> memref<2x128xi32, #tpu.memory_space<vmem>>
    %dma_start3A_124 = arith.constant 0 : i32
    %dma_start3A_125 = arith.constant 0 : i32
    %dma_start3A_126 = tpu.memref_slice %arg2[%add3A, %rem3A_103, %dma_start3A_124, %dma_start3A_125] : memref<32x79x2x128xi32, #tpu.memory_space<hbm>> -> memref<1x1x2x128xi32, #tpu.memory_space<hbm>>
    %dma_start3A_127 = tpu.memref_squeeze %dma_start3A_126 : memref<1x1x2x128xi32, #tpu.memory_space<hbm>> -> memref<2x128xi32, #tpu.memory_space<hbm>>
    tpu.enqueue_dma source(%dma_start3A_127 : memref<2x128xi32, #tpu.memory_space<hbm>>) target(%dma_start3A_123 : memref<2x128xi32, #tpu.memory_space<vmem>>) target_semaphore(%dma_start3A_119 : memref<!tpu.dma_semaphore, #tpu.memory_space<semaphore_mem>>)
    %rem3A_128 = arith.constant 4 : i32
    %rem3A_129 = arith.constant 79 : i32
    %rem3A_130 = arith.remsi %rem3A_128, %rem3A_129 : i32
    %rem3A_131 = arith.constant 4 : i32
    %rem3A_132 = arith.constant 6 : i32
    %rem3A_133 = arith.remsi %rem3A_131, %rem3A_132 : i32
    %rem3A_134 = arith.constant 4 : i32
    %rem3A_135 = arith.constant 6 : i32
    %rem3A_136 = arith.remsi %rem3A_134, %rem3A_135 : i32
    %dma_start3A_137 = arith.constant 0 : i32
    %dma_start3A_138 = arith.constant 0 : i32
    %dma_start3A_139 = tpu.memref_slice %arg7[%rem3A_133, %dma_start3A_137, %dma_start3A_138] : memref<6x2x128xi32, #tpu.memory_space<vmem>> -> memref<1x2x128xi32, #tpu.memory_space<vmem>>
    %dma_start3A_140 = tpu.memref_squeeze %dma_start3A_139 : memref<1x2x128xi32, #tpu.memory_space<vmem>> -> memref<2x128xi32, #tpu.memory_space<vmem>>
    %dma_start3A_141 = arith.constant 0 : i32
    %dma_start3A_142 = arith.constant 0 : i32
    %dma_start3A_143 = tpu.memref_slice %arg2[%add3A, %rem3A_130, %dma_start3A_141, %dma_start3A_142] : memref<32x79x2x128xi32, #tpu.memory_space<hbm>> -> memref<1x1x2x128xi32, #tpu.memory_space<hbm>>
    %dma_start3A_144 = tpu.memref_squeeze %dma_start3A_143 : memref<1x1x2x128xi32, #tpu.memory_space<hbm>> -> memref<2x128xi32, #tpu.memory_space<hbm>>
    %dma_start3A_145 = tpu.memref_slice %arg8[%rem3A_136] : memref<6x!tpu.dma_semaphore, #tpu.memory_space<semaphore_mem>> -> memref<1x!tpu.dma_semaphore, #tpu.memory_space<semaphore_mem>>
    %dma_start3A_146 = tpu.memref_squeeze %dma_start3A_145 : memref<1x!tpu.dma_semaphore, #tpu.memory_space<semaphore_mem>> -> memref<!tpu.dma_semaphore, #tpu.memory_space<semaphore_mem>>
    %dma_start3A_147 = arith.constant 0 : i32
    %dma_start3A_148 = arith.constant 0 : i32
    %dma_start3A_149 = tpu.memref_slice %arg7[%rem3A_133, %dma_start3A_147, %dma_start3A_148] : memref<6x2x128xi32, #tpu.memory_space<vmem>> -> memref<1x2x128xi32, #tpu.memory_space<vmem>>
    %dma_start3A_150 = tpu.memref_squeeze %dma_start3A_149 : memref<1x2x128xi32, #tpu.memory_space<vmem>> -> memref<2x128xi32, #tpu.memory_space<vmem>>
    %dma_start3A_151 = arith.constant 0 : i32
    %dma_start3A_152 = arith.constant 0 : i32
    %dma_start3A_153 = tpu.memref_slice %arg2[%add3A, %rem3A_130, %dma_start3A_151, %dma_start3A_152] : memref<32x79x2x128xi32, #tpu.memory_space<hbm>> -> memref<1x1x2x128xi32, #tpu.memory_space<hbm>>
    %dma_start3A_154 = tpu.memref_squeeze %dma_start3A_153 : memref<1x1x2x128xi32, #tpu.memory_space<hbm>> -> memref<2x128xi32, #tpu.memory_space<hbm>>
    tpu.enqueue_dma source(%dma_start3A_154 : memref<2x128xi32, #tpu.memory_space<hbm>>) target(%dma_start3A_150 : memref<2x128xi32, #tpu.memory_space<vmem>>) target_semaphore(%dma_start3A_146 : memref<!tpu.dma_semaphore, #tpu.memory_space<semaphore_mem>>)
    %rem3A_155 = arith.constant 5 : i32
    %rem3A_156 = arith.constant 79 : i32
    %rem3A_157 = arith.remsi %rem3A_155, %rem3A_156 : i32
    %rem3A_158 = arith.constant 5 : i32
    %rem3A_159 = arith.constant 6 : i32
    %rem3A_160 = arith.remsi %rem3A_158, %rem3A_159 : i32
    %rem3A_161 = arith.constant 5 : i32
    %rem3A_162 = arith.constant 6 : i32
    %rem3A_163 = arith.remsi %rem3A_161, %rem3A_162 : i32
    %dma_start3A_164 = arith.constant 0 : i32
    %dma_start3A_165 = arith.constant 0 : i32
    %dma_start3A_166 = tpu.memref_slice %arg7[%rem3A_160, %dma_start3A_164, %dma_start3A_165] : memref<6x2x128xi32, #tpu.memory_space<vmem>> -> memref<1x2x128xi32, #tpu.memory_space<vmem>>
    %dma_start3A_167 = tpu.memref_squeeze %dma_start3A_166 : memref<1x2x128xi32, #tpu.memory_space<vmem>> -> memref<2x128xi32, #tpu.memory_space<vmem>>
    %dma_start3A_168 = arith.constant 0 : i32
    %dma_start3A_169 = arith.constant 0 : i32
    %dma_start3A_170 = tpu.memref_slice %arg2[%add3A, %rem3A_157, %dma_start3A_168, %dma_start3A_169] : memref<32x79x2x128xi32, #tpu.memory_space<hbm>> -> memref<1x1x2x128xi32, #tpu.memory_space<hbm>>
    %dma_start3A_171 = tpu.memref_squeeze %dma_start3A_170 : memref<1x1x2x128xi32, #tpu.memory_space<hbm>> -> memref<2x128xi32, #tpu.memory_space<hbm>>
    %dma_start3A_172 = tpu.memref_slice %arg8[%rem3A_163] : memref<6x!tpu.dma_semaphore, #tpu.memory_space<semaphore_mem>> -> memref<1x!tpu.dma_semaphore, #tpu.memory_space<semaphore_mem>>
    %dma_start3A_173 = tpu.memref_squeeze %dma_start3A_172 : memref<1x!tpu.dma_semaphore, #tpu.memory_space<semaphore_mem>> -> memref<!tpu.dma_semaphore, #tpu.memory_space<semaphore_mem>>
    %dma_start3A_174 = arith.constant 0 : i32
    %dma_start3A_175 = arith.constant 0 : i32
    %dma_start3A_176 = tpu.memref_slice %arg7[%rem3A_160, %dma_start3A_174, %dma_start3A_175] : memref<6x2x128xi32, #tpu.memory_space<vmem>> -> memref<1x2x128xi32, #tpu.memory_space<vmem>>
    %dma_start3A_177 = tpu.memref_squeeze %dma_start3A_176 : memref<1x2x128xi32, #tpu.memory_space<vmem>> -> memref<2x128xi32, #tpu.memory_space<vmem>>
    %dma_start3A_178 = arith.constant 0 : i32
    %dma_start3A_179 = arith.constant 0 : i32
    %dma_start3A_180 = tpu.memref_slice %arg2[%add3A, %rem3A_157, %dma_start3A_178, %dma_start3A_179] : memref<32x79x2x128xi32, #tpu.memory_space<hbm>> -> memref<1x1x2x128xi32, #tpu.memory_space<hbm>>
    %dma_start3A_181 = tpu.memref_squeeze %dma_start3A_180 : memref<1x1x2x128xi32, #tpu.memory_space<hbm>> -> memref<2x128xi32, #tpu.memory_space<hbm>>
    tpu.enqueue_dma source(%dma_start3A_181 : memref<2x128xi32, #tpu.memory_space<hbm>>) target(%dma_start3A_177 : memref<2x128xi32, #tpu.memory_space<vmem>>) target_semaphore(%dma_start3A_173 : memref<!tpu.dma_semaphore, #tpu.memory_space<semaphore_mem>>)
    %scan3A_182 = arith.constant 0 : i32
    %scan3A_183 = arith.constant 0 : i32
    %scan3A_184 = arith.constant 79 : i32
    %scan3A_185 = arith.addi %scan3A_183, %scan3A_184 : i32
    %scan3A_186 = arith.constant 1 : i32
    %scan3A_187 = scf.for %scan3A_190 = %scan3A_183 to %scan3A_185 step %scan3A_186 iter_args(%scan3A_191 = %scan3A_182) -> (i32)  : i32 {
      %rem3A_192 = arith.constant 79 : i32
      %rem3A_193 = arith.remsi %scan3A_190, %rem3A_192 : i32
      %rem3A_194 = arith.constant 6 : i32
      %rem3A_195 = arith.remsi %scan3A_190, %rem3A_194 : i32
      %rem3A_196 = arith.constant 6 : i32
      %rem3A_197 = arith.remsi %scan3A_190, %rem3A_196 : i32
      %dma_wait3A = arith.constant 0 : i32
      %dma_wait3A_198 = arith.constant 0 : i32
      %dma_wait3A_199 = tpu.memref_slice %arg7[%rem3A_195, %dma_wait3A, %dma_wait3A_198] : memref<6x2x128xi32, #tpu.memory_space<vmem>> -> memref<1x2x128xi32, #tpu.memory_space<vmem>>
      %dma_wait3A_200 = tpu.memref_squeeze %dma_wait3A_199 : memref<1x2x128xi32, #tpu.memory_space<vmem>> -> memref<2x128xi32, #tpu.memory_space<vmem>>
      %dma_wait3A_201 = arith.constant 0 : i32
      %dma_wait3A_202 = arith.constant 0 : i32
      %dma_wait3A_203 = tpu.memref_slice %arg2[%add3A, %rem3A_193, %dma_wait3A_201, %dma_wait3A_202] : memref<32x79x2x128xi32, #tpu.memory_space<hbm>> -> memref<1x1x2x128xi32, #tpu.memory_space<hbm>>
      %dma_wait3A_204 = tpu.memref_squeeze %dma_wait3A_203 : memref<1x1x2x128xi32, #tpu.memory_space<hbm>> -> memref<2x128xi32, #tpu.memory_space<hbm>>
      %dma_wait3A_205 = tpu.memref_slice %arg8[%rem3A_197] : memref<6x!tpu.dma_semaphore, #tpu.memory_space<semaphore_mem>> -> memref<1x!tpu.dma_semaphore, #tpu.memory_space<semaphore_mem>>
      %dma_wait3A_206 = tpu.memref_squeeze %dma_wait3A_205 : memref<1x!tpu.dma_semaphore, #tpu.memory_space<semaphore_mem>> -> memref<!tpu.dma_semaphore, #tpu.memory_space<semaphore_mem>>
      %dma_wait3A_207 = arith.constant 0 : i32
      %dma_wait3A_208 = arith.constant 0 : i32
      %dma_wait3A_209 = tpu.memref_slice %arg7[%rem3A_195, %dma_wait3A_207, %dma_wait3A_208] : memref<6x2x128xi32, #tpu.memory_space<vmem>> -> memref<1x2x128xi32, #tpu.memory_space<vmem>>
      %dma_wait3A_210 = tpu.memref_squeeze %dma_wait3A_209 : memref<1x2x128xi32, #tpu.memory_space<vmem>> -> memref<2x128xi32, #tpu.memory_space<vmem>>
      %dma_wait3A_211 = arith.constant 0 : i32
      %dma_wait3A_212 = arith.constant 0 : i32
      %dma_wait3A_213 = tpu.memref_slice %arg2[%add3A, %rem3A_193, %dma_wait3A_211, %dma_wait3A_212] : memref<32x79x2x128xi32, #tpu.memory_space<hbm>> -> memref<1x1x2x128xi32, #tpu.memory_space<hbm>>
      %dma_wait3A_214 = tpu.memref_squeeze %dma_wait3A_213 : memref<1x1x2x128xi32, #tpu.memory_space<hbm>> -> memref<2x128xi32, #tpu.memory_space<hbm>>
      tpu.wait_dma2 semaphore(%dma_wait3A_206 : memref<!tpu.dma_semaphore, #tpu.memory_space<semaphore_mem>>) src(%dma_wait3A_214 : memref<2x128xi32, #tpu.memory_space<hbm>>) dst(%dma_wait3A_210 : memref<2x128xi32, #tpu.memory_space<vmem>>)
      %rem3A_215 = arith.constant 6 : i32
      %rem3A_216 = arith.remsi %scan3A_190, %rem3A_215 : i32
      %run_scoped3A = arith.constant 1 : i32
      "tpu.region"() ({
        %run_scoped3A_222 = tpu.sem_alloc : memref<!tpu.dma_semaphore, #tpu.memory_space<semaphore_mem>>
        %dma_start3A_223 = arith.constant 0 : i32
        %dma_start3A_224 = tpu.memref_slice %arg7[%rem3A_216, %run_scoped3A, %dma_start3A_223] : memref<6x2x128xi32, #tpu.memory_space<vmem>> -> memref<1x1x128xi32, #tpu.memory_space<vmem>>
        %dma_start3A_225 = tpu.memref_squeeze %dma_start3A_224 : memref<1x1x128xi32, #tpu.memory_space<vmem>> -> memref<128xi32, #tpu.memory_space<vmem>>
        %dma_start3A_226 = arith.constant 0 : i32
        %dma_start3A_227 = arith.constant 0 : i32
        %dma_start3A_228 = tpu.memref_slice %arg4[%dma_start3A_226, %dma_start3A_227] : memref<10240x16xf32, #tpu.memory_space<vmem_shared>> -> memref<10240x16xf32, #tpu.memory_space<vmem_shared>>
        tpu.enqueue_indirect_dma source(%arg6 : memref<128x16xf32, #tpu.memory_space<vmem>>) target(%dma_start3A_228 : memref<10240x16xf32, #tpu.memory_space<vmem_shared>>) offsets(%dma_start3A_225 : memref<128xi32, #tpu.memory_space<vmem>>) semaphore(%run_scoped3A_222 : memref<!tpu.dma_semaphore, #tpu.memory_space<semaphore_mem>>) {add = true}
        %dma_wait3A_229 = arith.constant 0 : i32
        %dma_wait3A_230 = tpu.memref_slice %arg7[%rem3A_216, %run_scoped3A, %dma_wait3A_229] : memref<6x2x128xi32, #tpu.memory_space<vmem>> -> memref<1x1x128xi32, #tpu.memory_space<vmem>>
        %dma_wait3A_231 = tpu.memref_squeeze %dma_wait3A_230 : memref<1x1x128xi32, #tpu.memory_space<vmem>> -> memref<128xi32, #tpu.memory_space<vmem>>
        %dma_wait3A_232 = arith.constant 0 : i32
        %dma_wait3A_233 = arith.constant 0 : i32
        %dma_wait3A_234 = tpu.memref_slice %arg4[%dma_wait3A_232, %dma_wait3A_233] : memref<10240x16xf32, #tpu.memory_space<vmem_shared>> -> memref<10240x16xf32, #tpu.memory_space<vmem_shared>>
        tpu.wait_indirect_dma semaphore(%run_scoped3A_222 : memref<!tpu.dma_semaphore, #tpu.memory_space<semaphore_mem>>) src(%arg6 : memref<128x16xf32, #tpu.memory_space<vmem>>) dst(%dma_wait3A_234 : memref<10240x16xf32, #tpu.memory_space<vmem_shared>>)
        tpu.yield
      }) : () -> ()
      %add3A_217 = arith.constant 6 : i32
      %add3A_218 = arith.addi %scan3A_190, %add3A_217 : i32
      %lt3A = arith.constant 79 : i32
      %lt3A_219 = arith.cmpi slt, %add3A_218, %lt3A : i32
      %convert_element_type3A = arith.extui %lt3A_219 : i1 to i32
      %cond3A = arith.constant 0 : i32
      %cond3A_220 = arith.cmpi ne, %convert_element_type3A, %cond3A : i32
      scf.if %cond3A_220 {
        %add3A_222 = arith.constant 6 : i32
        %add3A_223 = arith.addi %scan3A_190, %add3A_222 : i32
        %rem3A_224 = arith.constant 79 : i32
        %rem3A_225 = arith.remsi %add3A_223, %rem3A_224 : i32
        %rem3A_226 = arith.constant 6 : i32
        %rem3A_227 = arith.remsi %add3A_223, %rem3A_226 : i32
        %rem3A_228 = arith.constant 6 : i32
        %rem3A_229 = arith.remsi %add3A_223, %rem3A_228 : i32
        %dma_start3A_230 = arith.constant 0 : i32
        %dma_start3A_231 = arith.constant 0 : i32
        %dma_start3A_232 = tpu.memref_slice %arg7[%rem3A_227, %dma_start3A_230, %dma_start3A_231] : memref<6x2x128xi32, #tpu.memory_space<vmem>> -> memref<1x2x128xi32, #tpu.memory_space<vmem>>
        %dma_start3A_233 = tpu.memref_squeeze %dma_start3A_232 : memref<1x2x128xi32, #tpu.memory_space<vmem>> -> memref<2x128xi32, #tpu.memory_space<vmem>>
        %dma_start3A_234 = arith.constant 0 : i32
        %dma_start3A_235 = arith.constant 0 : i32
        %dma_start3A_236 = tpu.memref_slice %arg2[%add3A, %rem3A_225, %dma_start3A_234, %dma_start3A_235] : memref<32x79x2x128xi32, #tpu.memory_space<hbm>> -> memref<1x1x2x128xi32, #tpu.memory_space<hbm>>
        %dma_start3A_237 = tpu.memref_squeeze %dma_start3A_236 : memref<1x1x2x128xi32, #tpu.memory_space<hbm>> -> memref<2x128xi32, #tpu.memory_space<hbm>>
        %dma_start3A_238 = tpu.memref_slice %arg8[%rem3A_229] : memref<6x!tpu.dma_semaphore, #tpu.memory_space<semaphore_mem>> -> memref<1x!tpu.dma_semaphore, #tpu.memory_space<semaphore_mem>>
        %dma_start3A_239 = tpu.memref_squeeze %dma_start3A_238 : memref<1x!tpu.dma_semaphore, #tpu.memory_space<semaphore_mem>> -> memref<!tpu.dma_semaphore, #tpu.memory_space<semaphore_mem>>
        %dma_start3A_240 = arith.constant 0 : i32
        %dma_start3A_241 = arith.constant 0 : i32
        %dma_start3A_242 = tpu.memref_slice %arg7[%rem3A_227, %dma_start3A_240, %dma_start3A_241] : memref<6x2x128xi32, #tpu.memory_space<vmem>> -> memref<1x2x128xi32, #tpu.memory_space<vmem>>
        %dma_start3A_243 = tpu.memref_squeeze %dma_start3A_242 : memref<1x2x128xi32, #tpu.memory_space<vmem>> -> memref<2x128xi32, #tpu.memory_space<vmem>>
        %dma_start3A_244 = arith.constant 0 : i32
        %dma_start3A_245 = arith.constant 0 : i32
        %dma_start3A_246 = tpu.memref_slice %arg2[%add3A, %rem3A_225, %dma_start3A_244, %dma_start3A_245] : memref<32x79x2x128xi32, #tpu.memory_space<hbm>> -> memref<1x1x2x128xi32, #tpu.memory_space<hbm>>
        %dma_start3A_247 = tpu.memref_squeeze %dma_start3A_246 : memref<1x1x2x128xi32, #tpu.memory_space<hbm>> -> memref<2x128xi32, #tpu.memory_space<hbm>>
        tpu.enqueue_dma source(%dma_start3A_247 : memref<2x128xi32, #tpu.memory_space<hbm>>) target(%dma_start3A_243 : memref<2x128xi32, #tpu.memory_space<vmem>>) target_semaphore(%dma_start3A_239 : memref<!tpu.dma_semaphore, #tpu.memory_space<semaphore_mem>>)
      } else {
      }
      %scan3A_221 = arith.constant 0 : i32
      scf.yield %scan3A_221 : i32
    }
    %scan3A_188 = arith.constant 79 : i32
    %barrier3A_189 = arith.constant 0 : index
    tpu.barrier barrier_id(%barrier3A_189)
    "tpu.region"() ({
      %run_scoped3A = tpu.sem_alloc : memref<!tpu.dma_semaphore, #tpu.memory_space<semaphore_mem>>
      %dma_start3A_190 = arith.constant 0 : i32
      %dma_start3A_191 = tpu.memref_slice %arg3[%arg0, %mul3A_11, %dma_start3A_190] : memref<2x10240x16xf32, #tpu.memory_space<hbm>> -> memref<1x640x16xf32, #tpu.memory_space<hbm>>
      %dma_start3A_192 = tpu.memref_squeeze %dma_start3A_191 : memref<1x640x16xf32, #tpu.memory_space<hbm>> -> memref<640x16xf32, #tpu.memory_space<hbm>>
      %dma_start3A_193 = arith.constant 0 : i32
      %dma_start3A_194 = tpu.memref_slice %arg4[%mul3A_11, %dma_start3A_193] : memref<10240x16xf32, #tpu.memory_space<vmem_shared>> -> memref<640x16xf32, #tpu.memory_space<vmem_shared>>
      tpu.enqueue_dma source(%dma_start3A_194 : memref<640x16xf32, #tpu.memory_space<vmem_shared>>) target(%dma_start3A_192 : memref<640x16xf32, #tpu.memory_space<hbm>>) target_semaphore(%run_scoped3A : memref<!tpu.dma_semaphore, #tpu.memory_space<semaphore_mem>>)
      %dma_wait3A = arith.constant 0 : i32
      %dma_wait3A_195 = tpu.memref_slice %arg3[%arg0, %mul3A_11, %dma_wait3A] : memref<2x10240x16xf32, #tpu.memory_space<hbm>> -> memref<1x640x16xf32, #tpu.memory_space<hbm>>
      %dma_wait3A_196 = tpu.memref_squeeze %dma_wait3A_195 : memref<1x640x16xf32, #tpu.memory_space<hbm>> -> memref<640x16xf32, #tpu.memory_space<hbm>>
      %dma_wait3A_197 = arith.constant 0 : i32
      %dma_wait3A_198 = tpu.memref_slice %arg4[%mul3A_11, %dma_wait3A_197] : memref<10240x16xf32, #tpu.memory_space<vmem_shared>> -> memref<640x16xf32, #tpu.memory_space<vmem_shared>>
      tpu.wait_dma2 semaphore(%run_scoped3A : memref<!tpu.dma_semaphore, #tpu.memory_space<semaphore_mem>>) src(%dma_wait3A_198 : memref<640x16xf32, #tpu.memory_space<vmem_shared>>) dst(%dma_wait3A_196 : memref<640x16xf32, #tpu.memory_space<hbm>>)
      tpu.yield
    }) : () -> ()
    return
  }
}

#map = affine_map<(d0, d1) -> (0, 0)>
#map1 = affine_map<(d0, d1) -> (0, 0, 0, 0)>
#map2 = affine_map<(d0, d1) -> (0, 0, 0)>
module attributes {stable_mosaic.version = 14 : i64} {
  func.func @body(%arg0: i32, %arg1: i32, %arg2: memref<10000x128xf32, #tpu.memory_space<hbm>>, %arg3: memref<32x79x2x128xi32, #tpu.memory_space<hbm>>, %arg4: memref<2x10240x128xf32, #tpu.memory_space<hbm>>, %arg5: memref<10240x128xf32, #tpu.memory_space<vmem_shared>>, %arg6: memref<2x128x128xf32, #tpu.memory_space<vmem>>, %arg7: memref<6x2x128xi32, #tpu.memory_space<vmem>>, %arg8: memref<2x!tpu.dma_semaphore, #tpu.memory_space<semaphore_mem>>, %arg9: memref<6x!tpu.dma_semaphore, #tpu.memory_space<semaphore_mem>>) attributes {dimension_semantics = [#tpu.dimension_semantics<core_parallel>, #tpu.dimension_semantics<subcore_parallel>], iteration_bounds = array<i64: 2, 16>, scalar_prefetch = 0 : i64, scratch_operands = 5 : i64, tpu.core_type = #tpu.core_type<sc_vector_subcore>, window_params = [{transform_indices = #map}, {transform_indices = #map1}, {transform_indices = #map2}]} {
    %mul3A = arith.constant 16 : i32
    %mul3A_0 = arith.muli %arg0, %mul3A : i32
    %add3A = arith.addi %mul3A_0, %arg1 : i32
    %broadcast_in_dim3A = arith.constant 0.000000e+00 : f32
    %broadcast_in_dim3A_1 = vector.broadcast %broadcast_in_dim3A : f32 to vector<16xf32>
    %scan3A = arith.constant 0 : i32
    %scan3A_2 = arith.constant 0 : i32
    %scan3A_3 = arith.constant 1024 : i32
    %scan3A_4 = arith.addi %scan3A_2, %scan3A_3 : i32
    %scan3A_5 = arith.constant 1 : i32
    %scan3A_6 = scf.for %scan3A_289 = %scan3A_2 to %scan3A_4 step %scan3A_5 iter_args(%scan3A_290 = %scan3A) -> (i32)  : i32 {
      %jit3A = arith.constant 8 : i32
      %div3A = arith.divsi %scan3A_289, %jit3A : i32
      %sign3A = arith.constant 0 : i32
      %sign3A_291 = arith.cmpi sgt, %scan3A_289, %sign3A : i32
      %sign3A_292 = arith.extui %sign3A_291 : i1 to i32
      %sign3A_293 = arith.constant 0 : i32
      %sign3A_294 = arith.cmpi slt, %scan3A_289, %sign3A_293 : i32
      %sign3A_295 = arith.extui %sign3A_294 : i1 to i32
      %sign3A_296 = arith.subi %sign3A_292, %sign3A_295 : i32
      %sign3A_297 = arith.constant 0 : i32
      %sign3A_298 = arith.cmpi sgt, %jit3A, %sign3A_297 : i32
      %sign3A_299 = arith.extui %sign3A_298 : i1 to i32
      %sign3A_300 = arith.constant 0 : i32
      %sign3A_301 = arith.cmpi slt, %jit3A, %sign3A_300 : i32
      %sign3A_302 = arith.extui %sign3A_301 : i1 to i32
      %sign3A_303 = arith.subi %sign3A_299, %sign3A_302 : i32
      %ne3A = arith.cmpi ne, %sign3A_296, %sign3A_303 : i32
      %rem3A_304 = arith.remsi %scan3A_289, %jit3A : i32
      %ne3A_305 = arith.constant 0 : i32
      %ne3A_306 = arith.cmpi ne, %rem3A_304, %ne3A_305 : i32
      %and3A = arith.andi %ne3A, %ne3A_306 : i1
      %sub3A = arith.constant 1 : i32
      %sub3A_307 = arith.subi %div3A, %sub3A : i32
      %select_n3A = arith.select %and3A, %sub3A_307, %div3A : i32
      %rem3A_308 = arith.constant 8 : i32
      %rem3A_309 = arith.remsi %scan3A_289, %rem3A_308 : i32
      %mul3A_310 = arith.constant 16 : i32
      %mul3A_311 = arith.muli %rem3A_309, %mul3A_310 : i32
      %swap3A = arith.constant 0 : i32
      %swap3A_312 = arith.index_cast %swap3A : i32 to index
      %swap3A_313 = arith.index_cast %select_n3A : i32 to index
      %swap3A_314 = arith.index_cast %mul3A_311 : i32 to index
      %swap3A_315 = tpu.vector_load %arg6[%swap3A_312, %swap3A_313, %swap3A_314] {strides = array<i32>} : memref<2x128x128xf32, #tpu.memory_space<vmem>>, vector<1x1x16xf32>,
      %swap3A_316 = vector.shape_cast %swap3A_315 : vector<1x1x16xf32> to vector<16xf32>
      %swap3A_317 = vector.shape_cast %broadcast_in_dim3A_1 : vector<16xf32> to vector<1x1x16xf32>
      tpu.vector_store %arg6[%swap3A_312, %swap3A_313, %swap3A_314], %swap3A_317 {strides = array<i32>} : memref<2x128x128xf32, #tpu.memory_space<vmem>>, vector<1x1x16xf32>,
      %scan3A_318 = arith.constant 0 : i32
      scf.yield %scan3A_318 : i32
    }
    %scan3A_7 = arith.constant 1024 : i32
    %mul3A_8 = arith.constant 640 : i32
    %mul3A_9 = arith.muli %arg1, %mul3A_8 : i32
    %add3A_10 = arith.constant 0 : i32
    %add3A_11 = arith.addi %mul3A_9, %add3A_10 : i32
    %run_scoped3A = arith.constant 0 : i32
    "tpu.region"() ({
      %run_scoped3A_289 = tpu.sem_alloc : memref<!tpu.dma_semaphore, #tpu.memory_space<semaphore_mem>>
      %dma_start3A_290 = arith.constant 0 : i32
      %dma_start3A_291 = arith.constant 0 : i32
      %dma_start3A_292 = tpu.memref_slice %arg6[%run_scoped3A, %dma_start3A_290, %dma_start3A_291] : memref<2x128x128xf32, #tpu.memory_space<vmem>> -> memref<1x128x128xf32, #tpu.memory_space<vmem>>
      %dma_start3A_293 = tpu.memref_squeeze %dma_start3A_292 : memref<1x128x128xf32, #tpu.memory_space<vmem>> -> memref<128x128xf32, #tpu.memory_space<vmem>>
      %dma_start3A_294 = arith.constant 0 : i32
      %dma_start3A_295 = tpu.memref_slice %arg5[%add3A_11, %dma_start3A_294] : memref<10240x128xf32, #tpu.memory_space<vmem_shared>> -> memref<128x128xf32, #tpu.memory_space<vmem_shared>>
      %dma_start3A_296 = arith.constant 0 : i32
      %dma_start3A_297 = tpu.memref_slice %arg5[%add3A_11, %dma_start3A_296] : memref<10240x128xf32, #tpu.memory_space<vmem_shared>> -> memref<128x128xf32, #tpu.memory_space<vmem_shared>>
      %dma_start3A_298 = arith.constant 0 : i32
      %dma_start3A_299 = arith.constant 0 : i32
      %dma_start3A_300 = tpu.memref_slice %arg6[%run_scoped3A, %dma_start3A_298, %dma_start3A_299] : memref<2x128x128xf32, #tpu.memory_space<vmem>> -> memref<1x128x128xf32, #tpu.memory_space<vmem>>
      %dma_start3A_301 = tpu.memref_squeeze %dma_start3A_300 : memref<1x128x128xf32, #tpu.memory_space<vmem>> -> memref<128x128xf32, #tpu.memory_space<vmem>>
      tpu.enqueue_dma source(%dma_start3A_301 : memref<128x128xf32, #tpu.memory_space<vmem>>) target(%dma_start3A_297 : memref<128x128xf32, #tpu.memory_space<vmem_shared>>) target_semaphore(%run_scoped3A_289 : memref<!tpu.dma_semaphore, #tpu.memory_space<semaphore_mem>>)
      %dma_wait3A_302 = arith.constant 0 : i32
      %dma_wait3A_303 = arith.constant 0 : i32
      %dma_wait3A_304 = tpu.memref_slice %arg6[%run_scoped3A, %dma_wait3A_302, %dma_wait3A_303] : memref<2x128x128xf32, #tpu.memory_space<vmem>> -> memref<1x128x128xf32, #tpu.memory_space<vmem>>
      %dma_wait3A_305 = tpu.memref_squeeze %dma_wait3A_304 : memref<1x128x128xf32, #tpu.memory_space<vmem>> -> memref<128x128xf32, #tpu.memory_space<vmem>>
      %dma_wait3A_306 = arith.constant 0 : i32
      %dma_wait3A_307 = tpu.memref_slice %arg5[%add3A_11, %dma_wait3A_306] : memref<10240x128xf32, #tpu.memory_space<vmem_shared>> -> memref<128x128xf32, #tpu.memory_space<vmem_shared>>
      %dma_wait3A_308 = arith.constant 0 : i32
      %dma_wait3A_309 = tpu.memref_slice %arg5[%add3A_11, %dma_wait3A_308] : memref<10240x128xf32, #tpu.memory_space<vmem_shared>> -> memref<128x128xf32, #tpu.memory_space<vmem_shared>>
      %dma_wait3A_310 = arith.constant 0 : i32
      %dma_wait3A_311 = arith.constant 0 : i32
      %dma_wait3A_312 = tpu.memref_slice %arg6[%run_scoped3A, %dma_wait3A_310, %dma_wait3A_311] : memref<2x128x128xf32, #tpu.memory_space<vmem>> -> memref<1x128x128xf32, #tpu.memory_space<vmem>>
      %dma_wait3A_313 = tpu.memref_squeeze %dma_wait3A_312 : memref<1x128x128xf32, #tpu.memory_space<vmem>> -> memref<128x128xf32, #tpu.memory_space<vmem>>
      tpu.wait_dma2 semaphore(%run_scoped3A_289 : memref<!tpu.dma_semaphore, #tpu.memory_space<semaphore_mem>>) src(%dma_wait3A_313 : memref<128x128xf32, #tpu.memory_space<vmem>>) dst(%dma_wait3A_309 : memref<128x128xf32, #tpu.memory_space<vmem_shared>>)
      tpu.yield
    }) : () -> ()
    %add3A_12 = arith.constant 128 : i32
    %add3A_13 = arith.addi %mul3A_9, %add3A_12 : i32
    %run_scoped3A_14 = arith.constant 0 : i32
    "tpu.region"() ({
      %run_scoped3A_289 = tpu.sem_alloc : memref<!tpu.dma_semaphore, #tpu.memory_space<semaphore_mem>>
      %dma_start3A_290 = arith.constant 0 : i32
      %dma_start3A_291 = arith.constant 0 : i32
      %dma_start3A_292 = tpu.memref_slice %arg6[%run_scoped3A_14, %dma_start3A_290, %dma_start3A_291] : memref<2x128x128xf32, #tpu.memory_space<vmem>> -> memref<1x128x128xf32, #tpu.memory_space<vmem>>
      %dma_start3A_293 = tpu.memref_squeeze %dma_start3A_292 : memref<1x128x128xf32, #tpu.memory_space<vmem>> -> memref<128x128xf32, #tpu.memory_space<vmem>>
      %dma_start3A_294 = arith.constant 0 : i32
      %dma_start3A_295 = tpu.memref_slice %arg5[%add3A_13, %dma_start3A_294] : memref<10240x128xf32, #tpu.memory_space<vmem_shared>> -> memref<128x128xf32, #tpu.memory_space<vmem_shared>>
      %dma_start3A_296 = arith.constant 0 : i32
      %dma_start3A_297 = tpu.memref_slice %arg5[%add3A_13, %dma_start3A_296] : memref<10240x128xf32, #tpu.memory_space<vmem_shared>> -> memref<128x128xf32, #tpu.memory_space<vmem_shared>>
      %dma_start3A_298 = arith.constant 0 : i32
      %dma_start3A_299 = arith.constant 0 : i32
      %dma_start3A_300 = tpu.memref_slice %arg6[%run_scoped3A_14, %dma_start3A_298, %dma_start3A_299] : memref<2x128x128xf32, #tpu.memory_space<vmem>> -> memref<1x128x128xf32, #tpu.memory_space<vmem>>
      %dma_start3A_301 = tpu.memref_squeeze %dma_start3A_300 : memref<1x128x128xf32, #tpu.memory_space<vmem>> -> memref<128x128xf32, #tpu.memory_space<vmem>>
      tpu.enqueue_dma source(%dma_start3A_301 : memref<128x128xf32, #tpu.memory_space<vmem>>) target(%dma_start3A_297 : memref<128x128xf32, #tpu.memory_space<vmem_shared>>) target_semaphore(%run_scoped3A_289 : memref<!tpu.dma_semaphore, #tpu.memory_space<semaphore_mem>>)
      %dma_wait3A_302 = arith.constant 0 : i32
      %dma_wait3A_303 = arith.constant 0 : i32
      %dma_wait3A_304 = tpu.memref_slice %arg6[%run_scoped3A_14, %dma_wait3A_302, %dma_wait3A_303] : memref<2x128x128xf32, #tpu.memory_space<vmem>> -> memref<1x128x128xf32, #tpu.memory_space<vmem>>
      %dma_wait3A_305 = tpu.memref_squeeze %dma_wait3A_304 : memref<1x128x128xf32, #tpu.memory_space<vmem>> -> memref<128x128xf32, #tpu.memory_space<vmem>>
      %dma_wait3A_306 = arith.constant 0 : i32
      %dma_wait3A_307 = tpu.memref_slice %arg5[%add3A_13, %dma_wait3A_306] : memref<10240x128xf32, #tpu.memory_space<vmem_shared>> -> memref<128x128xf32, #tpu.memory_space<vmem_shared>>
      %dma_wait3A_308 = arith.constant 0 : i32
      %dma_wait3A_309 = tpu.memref_slice %arg5[%add3A_13, %dma_wait3A_308] : memref<10240x128xf32, #tpu.memory_space<vmem_shared>> -> memref<128x128xf32, #tpu.memory_space<vmem_shared>>
      %dma_wait3A_310 = arith.constant 0 : i32
      %dma_wait3A_311 = arith.constant 0 : i32
      %dma_wait3A_312 = tpu.memref_slice %arg6[%run_scoped3A_14, %dma_wait3A_310, %dma_wait3A_311] : memref<2x128x128xf32, #tpu.memory_space<vmem>> -> memref<1x128x128xf32, #tpu.memory_space<vmem>>
      %dma_wait3A_313 = tpu.memref_squeeze %dma_wait3A_312 : memref<1x128x128xf32, #tpu.memory_space<vmem>> -> memref<128x128xf32, #tpu.memory_space<vmem>>
      tpu.wait_dma2 semaphore(%run_scoped3A_289 : memref<!tpu.dma_semaphore, #tpu.memory_space<semaphore_mem>>) src(%dma_wait3A_313 : memref<128x128xf32, #tpu.memory_space<vmem>>) dst(%dma_wait3A_309 : memref<128x128xf32, #tpu.memory_space<vmem_shared>>)
      tpu.yield
    }) : () -> ()
    %add3A_15 = arith.constant 256 : i32
    %add3A_16 = arith.addi %mul3A_9, %add3A_15 : i32
    %run_scoped3A_17 = arith.constant 0 : i32
    "tpu.region"() ({
      %run_scoped3A_289 = tpu.sem_alloc : memref<!tpu.dma_semaphore, #tpu.memory_space<semaphore_mem>>
      %dma_start3A_290 = arith.constant 0 : i32
      %dma_start3A_291 = arith.constant 0 : i32
      %dma_start3A_292 = tpu.memref_slice %arg6[%run_scoped3A_17, %dma_start3A_290, %dma_start3A_291] : memref<2x128x128xf32, #tpu.memory_space<vmem>> -> memref<1x128x128xf32, #tpu.memory_space<vmem>>
      %dma_start3A_293 = tpu.memref_squeeze %dma_start3A_292 : memref<1x128x128xf32, #tpu.memory_space<vmem>> -> memref<128x128xf32, #tpu.memory_space<vmem>>
      %dma_start3A_294 = arith.constant 0 : i32
      %dma_start3A_295 = tpu.memref_slice %arg5[%add3A_16, %dma_start3A_294] : memref<10240x128xf32, #tpu.memory_space<vmem_shared>> -> memref<128x128xf32, #tpu.memory_space<vmem_shared>>
      %dma_start3A_296 = arith.constant 0 : i32
      %dma_start3A_297 = tpu.memref_slice %arg5[%add3A_16, %dma_start3A_296] : memref<10240x128xf32, #tpu.memory_space<vmem_shared>> -> memref<128x128xf32, #tpu.memory_space<vmem_shared>>
      %dma_start3A_298 = arith.constant 0 : i32
      %dma_start3A_299 = arith.constant 0 : i32
      %dma_start3A_300 = tpu.memref_slice %arg6[%run_scoped3A_17, %dma_start3A_298, %dma_start3A_299] : memref<2x128x128xf32, #tpu.memory_space<vmem>> -> memref<1x128x128xf32, #tpu.memory_space<vmem>>
      %dma_start3A_301 = tpu.memref_squeeze %dma_start3A_300 : memref<1x128x128xf32, #tpu.memory_space<vmem>> -> memref<128x128xf32, #tpu.memory_space<vmem>>
      tpu.enqueue_dma source(%dma_start3A_301 : memref<128x128xf32, #tpu.memory_space<vmem>>) target(%dma_start3A_297 : memref<128x128xf32, #tpu.memory_space<vmem_shared>>) target_semaphore(%run_scoped3A_289 : memref<!tpu.dma_semaphore, #tpu.memory_space<semaphore_mem>>)
      %dma_wait3A_302 = arith.constant 0 : i32
      %dma_wait3A_303 = arith.constant 0 : i32
      %dma_wait3A_304 = tpu.memref_slice %arg6[%run_scoped3A_17, %dma_wait3A_302, %dma_wait3A_303] : memref<2x128x128xf32, #tpu.memory_space<vmem>> -> memref<1x128x128xf32, #tpu.memory_space<vmem>>
      %dma_wait3A_305 = tpu.memref_squeeze %dma_wait3A_304 : memref<1x128x128xf32, #tpu.memory_space<vmem>> -> memref<128x128xf32, #tpu.memory_space<vmem>>
      %dma_wait3A_306 = arith.constant 0 : i32
      %dma_wait3A_307 = tpu.memref_slice %arg5[%add3A_16, %dma_wait3A_306] : memref<10240x128xf32, #tpu.memory_space<vmem_shared>> -> memref<128x128xf32, #tpu.memory_space<vmem_shared>>
      %dma_wait3A_308 = arith.constant 0 : i32
      %dma_wait3A_309 = tpu.memref_slice %arg5[%add3A_16, %dma_wait3A_308] : memref<10240x128xf32, #tpu.memory_space<vmem_shared>> -> memref<128x128xf32, #tpu.memory_space<vmem_shared>>
      %dma_wait3A_310 = arith.constant 0 : i32
      %dma_wait3A_311 = arith.constant 0 : i32
      %dma_wait3A_312 = tpu.memref_slice %arg6[%run_scoped3A_17, %dma_wait3A_310, %dma_wait3A_311] : memref<2x128x128xf32, #tpu.memory_space<vmem>> -> memref<1x128x128xf32, #tpu.memory_space<vmem>>
      %dma_wait3A_313 = tpu.memref_squeeze %dma_wait3A_312 : memref<1x128x128xf32, #tpu.memory_space<vmem>> -> memref<128x128xf32, #tpu.memory_space<vmem>>
      tpu.wait_dma2 semaphore(%run_scoped3A_289 : memref<!tpu.dma_semaphore, #tpu.memory_space<semaphore_mem>>) src(%dma_wait3A_313 : memref<128x128xf32, #tpu.memory_space<vmem>>) dst(%dma_wait3A_309 : memref<128x128xf32, #tpu.memory_space<vmem_shared>>)
      tpu.yield
    }) : () -> ()
    %add3A_18 = arith.constant 384 : i32
    %add3A_19 = arith.addi %mul3A_9, %add3A_18 : i32
    %run_scoped3A_20 = arith.constant 0 : i32
    "tpu.region"() ({
      %run_scoped3A_289 = tpu.sem_alloc : memref<!tpu.dma_semaphore, #tpu.memory_space<semaphore_mem>>
      %dma_start3A_290 = arith.constant 0 : i32
      %dma_start3A_291 = arith.constant 0 : i32
      %dma_start3A_292 = tpu.memref_slice %arg6[%run_scoped3A_20, %dma_start3A_290, %dma_start3A_291] : memref<2x128x128xf32, #tpu.memory_space<vmem>> -> memref<1x128x128xf32, #tpu.memory_space<vmem>>
      %dma_start3A_293 = tpu.memref_squeeze %dma_start3A_292 : memref<1x128x128xf32, #tpu.memory_space<vmem>> -> memref<128x128xf32, #tpu.memory_space<vmem>>
      %dma_start3A_294 = arith.constant 0 : i32
      %dma_start3A_295 = tpu.memref_slice %arg5[%add3A_19, %dma_start3A_294] : memref<10240x128xf32, #tpu.memory_space<vmem_shared>> -> memref<128x128xf32, #tpu.memory_space<vmem_shared>>
      %dma_start3A_296 = arith.constant 0 : i32
      %dma_start3A_297 = tpu.memref_slice %arg5[%add3A_19, %dma_start3A_296] : memref<10240x128xf32, #tpu.memory_space<vmem_shared>> -> memref<128x128xf32, #tpu.memory_space<vmem_shared>>
      %dma_start3A_298 = arith.constant 0 : i32
      %dma_start3A_299 = arith.constant 0 : i32
      %dma_start3A_300 = tpu.memref_slice %arg6[%run_scoped3A_20, %dma_start3A_298, %dma_start3A_299] : memref<2x128x128xf32, #tpu.memory_space<vmem>> -> memref<1x128x128xf32, #tpu.memory_space<vmem>>
      %dma_start3A_301 = tpu.memref_squeeze %dma_start3A_300 : memref<1x128x128xf32, #tpu.memory_space<vmem>> -> memref<128x128xf32, #tpu.memory_space<vmem>>
      tpu.enqueue_dma source(%dma_start3A_301 : memref<128x128xf32, #tpu.memory_space<vmem>>) target(%dma_start3A_297 : memref<128x128xf32, #tpu.memory_space<vmem_shared>>) target_semaphore(%run_scoped3A_289 : memref<!tpu.dma_semaphore, #tpu.memory_space<semaphore_mem>>)
      %dma_wait3A_302 = arith.constant 0 : i32
      %dma_wait3A_303 = arith.constant 0 : i32
      %dma_wait3A_304 = tpu.memref_slice %arg6[%run_scoped3A_20, %dma_wait3A_302, %dma_wait3A_303] : memref<2x128x128xf32, #tpu.memory_space<vmem>> -> memref<1x128x128xf32, #tpu.memory_space<vmem>>
      %dma_wait3A_305 = tpu.memref_squeeze %dma_wait3A_304 : memref<1x128x128xf32, #tpu.memory_space<vmem>> -> memref<128x128xf32, #tpu.memory_space<vmem>>
      %dma_wait3A_306 = arith.constant 0 : i32
      %dma_wait3A_307 = tpu.memref_slice %arg5[%add3A_19, %dma_wait3A_306] : memref<10240x128xf32, #tpu.memory_space<vmem_shared>> -> memref<128x128xf32, #tpu.memory_space<vmem_shared>>
      %dma_wait3A_308 = arith.constant 0 : i32
      %dma_wait3A_309 = tpu.memref_slice %arg5[%add3A_19, %dma_wait3A_308] : memref<10240x128xf32, #tpu.memory_space<vmem_shared>> -> memref<128x128xf32, #tpu.memory_space<vmem_shared>>
      %dma_wait3A_310 = arith.constant 0 : i32
      %dma_wait3A_311 = arith.constant 0 : i32
      %dma_wait3A_312 = tpu.memref_slice %arg6[%run_scoped3A_20, %dma_wait3A_310, %dma_wait3A_311] : memref<2x128x128xf32, #tpu.memory_space<vmem>> -> memref<1x128x128xf32, #tpu.memory_space<vmem>>
      %dma_wait3A_313 = tpu.memref_squeeze %dma_wait3A_312 : memref<1x128x128xf32, #tpu.memory_space<vmem>> -> memref<128x128xf32, #tpu.memory_space<vmem>>
      tpu.wait_dma2 semaphore(%run_scoped3A_289 : memref<!tpu.dma_semaphore, #tpu.memory_space<semaphore_mem>>) src(%dma_wait3A_313 : memref<128x128xf32, #tpu.memory_space<vmem>>) dst(%dma_wait3A_309 : memref<128x128xf32, #tpu.memory_space<vmem_shared>>)
      tpu.yield
    }) : () -> ()
    %add3A_21 = arith.constant 512 : i32
    %add3A_22 = arith.addi %mul3A_9, %add3A_21 : i32
    %run_scoped3A_23 = arith.constant 0 : i32
    "tpu.region"() ({
      %run_scoped3A_289 = tpu.sem_alloc : memref<!tpu.dma_semaphore, #tpu.memory_space<semaphore_mem>>
      %dma_start3A_290 = arith.constant 0 : i32
      %dma_start3A_291 = arith.constant 0 : i32
      %dma_start3A_292 = tpu.memref_slice %arg6[%run_scoped3A_23, %dma_start3A_290, %dma_start3A_291] : memref<2x128x128xf32, #tpu.memory_space<vmem>> -> memref<1x128x128xf32, #tpu.memory_space<vmem>>
      %dma_start3A_293 = tpu.memref_squeeze %dma_start3A_292 : memref<1x128x128xf32, #tpu.memory_space<vmem>> -> memref<128x128xf32, #tpu.memory_space<vmem>>
      %dma_start3A_294 = arith.constant 0 : i32
      %dma_start3A_295 = tpu.memref_slice %arg5[%add3A_22, %dma_start3A_294] : memref<10240x128xf32, #tpu.memory_space<vmem_shared>> -> memref<128x128xf32, #tpu.memory_space<vmem_shared>>
      %dma_start3A_296 = arith.constant 0 : i32
      %dma_start3A_297 = tpu.memref_slice %arg5[%add3A_22, %dma_start3A_296] : memref<10240x128xf32, #tpu.memory_space<vmem_shared>> -> memref<128x128xf32, #tpu.memory_space<vmem_shared>>
      %dma_start3A_298 = arith.constant 0 : i32
      %dma_start3A_299 = arith.constant 0 : i32
      %dma_start3A_300 = tpu.memref_slice %arg6[%run_scoped3A_23, %dma_start3A_298, %dma_start3A_299] : memref<2x128x128xf32, #tpu.memory_space<vmem>> -> memref<1x128x128xf32, #tpu.memory_space<vmem>>
      %dma_start3A_301 = tpu.memref_squeeze %dma_start3A_300 : memref<1x128x128xf32, #tpu.memory_space<vmem>> -> memref<128x128xf32, #tpu.memory_space<vmem>>
      tpu.enqueue_dma source(%dma_start3A_301 : memref<128x128xf32, #tpu.memory_space<vmem>>) target(%dma_start3A_297 : memref<128x128xf32, #tpu.memory_space<vmem_shared>>) target_semaphore(%run_scoped3A_289 : memref<!tpu.dma_semaphore, #tpu.memory_space<semaphore_mem>>)
      %dma_wait3A_302 = arith.constant 0 : i32
      %dma_wait3A_303 = arith.constant 0 : i32
      %dma_wait3A_304 = tpu.memref_slice %arg6[%run_scoped3A_23, %dma_wait3A_302, %dma_wait3A_303] : memref<2x128x128xf32, #tpu.memory_space<vmem>> -> memref<1x128x128xf32, #tpu.memory_space<vmem>>
      %dma_wait3A_305 = tpu.memref_squeeze %dma_wait3A_304 : memref<1x128x128xf32, #tpu.memory_space<vmem>> -> memref<128x128xf32, #tpu.memory_space<vmem>>
      %dma_wait3A_306 = arith.constant 0 : i32
      %dma_wait3A_307 = tpu.memref_slice %arg5[%add3A_22, %dma_wait3A_306] : memref<10240x128xf32, #tpu.memory_space<vmem_shared>> -> memref<128x128xf32, #tpu.memory_space<vmem_shared>>
      %dma_wait3A_308 = arith.constant 0 : i32
      %dma_wait3A_309 = tpu.memref_slice %arg5[%add3A_22, %dma_wait3A_308] : memref<10240x128xf32, #tpu.memory_space<vmem_shared>> -> memref<128x128xf32, #tpu.memory_space<vmem_shared>>
      %dma_wait3A_310 = arith.constant 0 : i32
      %dma_wait3A_311 = arith.constant 0 : i32
      %dma_wait3A_312 = tpu.memref_slice %arg6[%run_scoped3A_23, %dma_wait3A_310, %dma_wait3A_311] : memref<2x128x128xf32, #tpu.memory_space<vmem>> -> memref<1x128x128xf32, #tpu.memory_space<vmem>>
      %dma_wait3A_313 = tpu.memref_squeeze %dma_wait3A_312 : memref<1x128x128xf32, #tpu.memory_space<vmem>> -> memref<128x128xf32, #tpu.memory_space<vmem>>
      tpu.wait_dma2 semaphore(%run_scoped3A_289 : memref<!tpu.dma_semaphore, #tpu.memory_space<semaphore_mem>>) src(%dma_wait3A_313 : memref<128x128xf32, #tpu.memory_space<vmem>>) dst(%dma_wait3A_309 : memref<128x128xf32, #tpu.memory_space<vmem_shared>>)
      tpu.yield
    }) : () -> ()
    %barrier3A = arith.constant 0 : index
    tpu.barrier barrier_id(%barrier3A)
    %rem3A = arith.constant 0 : i32
    %rem3A_24 = arith.constant 79 : i32
    %rem3A_25 = arith.remsi %rem3A, %rem3A_24 : i32
    %rem3A_26 = arith.constant 0 : i32
    %rem3A_27 = arith.constant 6 : i32
    %rem3A_28 = arith.remsi %rem3A_26, %rem3A_27 : i32
    %rem3A_29 = arith.constant 0 : i32
    %rem3A_30 = arith.constant 6 : i32
    %rem3A_31 = arith.remsi %rem3A_29, %rem3A_30 : i32
    %dma_start3A = arith.constant 0 : i32
    %dma_start3A_32 = arith.constant 0 : i32
    %dma_start3A_33 = tpu.memref_slice %arg7[%rem3A_28, %dma_start3A, %dma_start3A_32] : memref<6x2x128xi32, #tpu.memory_space<vmem>> -> memref<1x2x128xi32, #tpu.memory_space<vmem>>
    %dma_start3A_34 = tpu.memref_squeeze %dma_start3A_33 : memref<1x2x128xi32, #tpu.memory_space<vmem>> -> memref<2x128xi32, #tpu.memory_space<vmem>>
    %dma_start3A_35 = arith.constant 0 : i32
    %dma_start3A_36 = arith.constant 0 : i32
    %dma_start3A_37 = tpu.memref_slice %arg3[%add3A, %rem3A_25, %dma_start3A_35, %dma_start3A_36] : memref<32x79x2x128xi32, #tpu.memory_space<hbm>> -> memref<1x1x2x128xi32, #tpu.memory_space<hbm>>
    %dma_start3A_38 = tpu.memref_squeeze %dma_start3A_37 : memref<1x1x2x128xi32, #tpu.memory_space<hbm>> -> memref<2x128xi32, #tpu.memory_space<hbm>>
    %dma_start3A_39 = tpu.memref_slice %arg9[%rem3A_31] : memref<6x!tpu.dma_semaphore, #tpu.memory_space<semaphore_mem>> -> memref<1x!tpu.dma_semaphore, #tpu.memory_space<semaphore_mem>>
    %dma_start3A_40 = tpu.memref_squeeze %dma_start3A_39 : memref<1x!tpu.dma_semaphore, #tpu.memory_space<semaphore_mem>> -> memref<!tpu.dma_semaphore, #tpu.memory_space<semaphore_mem>>
    %dma_start3A_41 = arith.constant 0 : i32
    %dma_start3A_42 = arith.constant 0 : i32
    %dma_start3A_43 = tpu.memref_slice %arg7[%rem3A_28, %dma_start3A_41, %dma_start3A_42] : memref<6x2x128xi32, #tpu.memory_space<vmem>> -> memref<1x2x128xi32, #tpu.memory_space<vmem>>
    %dma_start3A_44 = tpu.memref_squeeze %dma_start3A_43 : memref<1x2x128xi32, #tpu.memory_space<vmem>> -> memref<2x128xi32, #tpu.memory_space<vmem>>
    %dma_start3A_45 = arith.constant 0 : i32
    %dma_start3A_46 = arith.constant 0 : i32
    %dma_start3A_47 = tpu.memref_slice %arg3[%add3A, %rem3A_25, %dma_start3A_45, %dma_start3A_46] : memref<32x79x2x128xi32, #tpu.memory_space<hbm>> -> memref<1x1x2x128xi32, #tpu.memory_space<hbm>>
    %dma_start3A_48 = tpu.memref_squeeze %dma_start3A_47 : memref<1x1x2x128xi32, #tpu.memory_space<hbm>> -> memref<2x128xi32, #tpu.memory_space<hbm>>
    tpu.enqueue_dma source(%dma_start3A_48 : memref<2x128xi32, #tpu.memory_space<hbm>>) target(%dma_start3A_44 : memref<2x128xi32, #tpu.memory_space<vmem>>) target_semaphore(%dma_start3A_40 : memref<!tpu.dma_semaphore, #tpu.memory_space<semaphore_mem>>)
    %rem3A_49 = arith.constant 1 : i32
    %rem3A_50 = arith.constant 79 : i32
    %rem3A_51 = arith.remsi %rem3A_49, %rem3A_50 : i32
    %rem3A_52 = arith.constant 1 : i32
    %rem3A_53 = arith.constant 6 : i32
    %rem3A_54 = arith.remsi %rem3A_52, %rem3A_53 : i32
    %rem3A_55 = arith.constant 1 : i32
    %rem3A_56 = arith.constant 6 : i32
    %rem3A_57 = arith.remsi %rem3A_55, %rem3A_56 : i32
    %dma_start3A_58 = arith.constant 0 : i32
    %dma_start3A_59 = arith.constant 0 : i32
    %dma_start3A_60 = tpu.memref_slice %arg7[%rem3A_54, %dma_start3A_58, %dma_start3A_59] : memref<6x2x128xi32, #tpu.memory_space<vmem>> -> memref<1x2x128xi32, #tpu.memory_space<vmem>>
    %dma_start3A_61 = tpu.memref_squeeze %dma_start3A_60 : memref<1x2x128xi32, #tpu.memory_space<vmem>> -> memref<2x128xi32, #tpu.memory_space<vmem>>
    %dma_start3A_62 = arith.constant 0 : i32
    %dma_start3A_63 = arith.constant 0 : i32
    %dma_start3A_64 = tpu.memref_slice %arg3[%add3A, %rem3A_51, %dma_start3A_62, %dma_start3A_63] : memref<32x79x2x128xi32, #tpu.memory_space<hbm>> -> memref<1x1x2x128xi32, #tpu.memory_space<hbm>>
    %dma_start3A_65 = tpu.memref_squeeze %dma_start3A_64 : memref<1x1x2x128xi32, #tpu.memory_space<hbm>> -> memref<2x128xi32, #tpu.memory_space<hbm>>
    %dma_start3A_66 = tpu.memref_slice %arg9[%rem3A_57] : memref<6x!tpu.dma_semaphore, #tpu.memory_space<semaphore_mem>> -> memref<1x!tpu.dma_semaphore, #tpu.memory_space<semaphore_mem>>
    %dma_start3A_67 = tpu.memref_squeeze %dma_start3A_66 : memref<1x!tpu.dma_semaphore, #tpu.memory_space<semaphore_mem>> -> memref<!tpu.dma_semaphore, #tpu.memory_space<semaphore_mem>>
    %dma_start3A_68 = arith.constant 0 : i32
    %dma_start3A_69 = arith.constant 0 : i32
    %dma_start3A_70 = tpu.memref_slice %arg7[%rem3A_54, %dma_start3A_68, %dma_start3A_69] : memref<6x2x128xi32, #tpu.memory_space<vmem>> -> memref<1x2x128xi32, #tpu.memory_space<vmem>>
    %dma_start3A_71 = tpu.memref_squeeze %dma_start3A_70 : memref<1x2x128xi32, #tpu.memory_space<vmem>> -> memref<2x128xi32, #tpu.memory_space<vmem>>
    %dma_start3A_72 = arith.constant 0 : i32
    %dma_start3A_73 = arith.constant 0 : i32
    %dma_start3A_74 = tpu.memref_slice %arg3[%add3A, %rem3A_51, %dma_start3A_72, %dma_start3A_73] : memref<32x79x2x128xi32, #tpu.memory_space<hbm>> -> memref<1x1x2x128xi32, #tpu.memory_space<hbm>>
    %dma_start3A_75 = tpu.memref_squeeze %dma_start3A_74 : memref<1x1x2x128xi32, #tpu.memory_space<hbm>> -> memref<2x128xi32, #tpu.memory_space<hbm>>
    tpu.enqueue_dma source(%dma_start3A_75 : memref<2x128xi32, #tpu.memory_space<hbm>>) target(%dma_start3A_71 : memref<2x128xi32, #tpu.memory_space<vmem>>) target_semaphore(%dma_start3A_67 : memref<!tpu.dma_semaphore, #tpu.memory_space<semaphore_mem>>)
    %rem3A_76 = arith.constant 2 : i32
    %rem3A_77 = arith.constant 79 : i32
    %rem3A_78 = arith.remsi %rem3A_76, %rem3A_77 : i32
    %rem3A_79 = arith.constant 2 : i32
    %rem3A_80 = arith.constant 6 : i32
    %rem3A_81 = arith.remsi %rem3A_79, %rem3A_80 : i32
    %rem3A_82 = arith.constant 2 : i32
    %rem3A_83 = arith.constant 6 : i32
    %rem3A_84 = arith.remsi %rem3A_82, %rem3A_83 : i32
    %dma_start3A_85 = arith.constant 0 : i32
    %dma_start3A_86 = arith.constant 0 : i32
    %dma_start3A_87 = tpu.memref_slice %arg7[%rem3A_81, %dma_start3A_85, %dma_start3A_86] : memref<6x2x128xi32, #tpu.memory_space<vmem>> -> memref<1x2x128xi32, #tpu.memory_space<vmem>>
    %dma_start3A_88 = tpu.memref_squeeze %dma_start3A_87 : memref<1x2x128xi32, #tpu.memory_space<vmem>> -> memref<2x128xi32, #tpu.memory_space<vmem>>
    %dma_start3A_89 = arith.constant 0 : i32
    %dma_start3A_90 = arith.constant 0 : i32
    %dma_start3A_91 = tpu.memref_slice %arg3[%add3A, %rem3A_78, %dma_start3A_89, %dma_start3A_90] : memref<32x79x2x128xi32, #tpu.memory_space<hbm>> -> memref<1x1x2x128xi32, #tpu.memory_space<hbm>>
    %dma_start3A_92 = tpu.memref_squeeze %dma_start3A_91 : memref<1x1x2x128xi32, #tpu.memory_space<hbm>> -> memref<2x128xi32, #tpu.memory_space<hbm>>
    %dma_start3A_93 = tpu.memref_slice %arg9[%rem3A_84] : memref<6x!tpu.dma_semaphore, #tpu.memory_space<semaphore_mem>> -> memref<1x!tpu.dma_semaphore, #tpu.memory_space<semaphore_mem>>
    %dma_start3A_94 = tpu.memref_squeeze %dma_start3A_93 : memref<1x!tpu.dma_semaphore, #tpu.memory_space<semaphore_mem>> -> memref<!tpu.dma_semaphore, #tpu.memory_space<semaphore_mem>>
    %dma_start3A_95 = arith.constant 0 : i32
    %dma_start3A_96 = arith.constant 0 : i32
    %dma_start3A_97 = tpu.memref_slice %arg7[%rem3A_81, %dma_start3A_95, %dma_start3A_96] : memref<6x2x128xi32, #tpu.memory_space<vmem>> -> memref<1x2x128xi32, #tpu.memory_space<vmem>>
    %dma_start3A_98 = tpu.memref_squeeze %dma_start3A_97 : memref<1x2x128xi32, #tpu.memory_space<vmem>> -> memref<2x128xi32, #tpu.memory_space<vmem>>
    %dma_start3A_99 = arith.constant 0 : i32
    %dma_start3A_100 = arith.constant 0 : i32
    %dma_start3A_101 = tpu.memref_slice %arg3[%add3A, %rem3A_78, %dma_start3A_99, %dma_start3A_100] : memref<32x79x2x128xi32, #tpu.memory_space<hbm>> -> memref<1x1x2x128xi32, #tpu.memory_space<hbm>>
    %dma_start3A_102 = tpu.memref_squeeze %dma_start3A_101 : memref<1x1x2x128xi32, #tpu.memory_space<hbm>> -> memref<2x128xi32, #tpu.memory_space<hbm>>
    tpu.enqueue_dma source(%dma_start3A_102 : memref<2x128xi32, #tpu.memory_space<hbm>>) target(%dma_start3A_98 : memref<2x128xi32, #tpu.memory_space<vmem>>) target_semaphore(%dma_start3A_94 : memref<!tpu.dma_semaphore, #tpu.memory_space<semaphore_mem>>)
    %rem3A_103 = arith.constant 3 : i32
    %rem3A_104 = arith.constant 79 : i32
    %rem3A_105 = arith.remsi %rem3A_103, %rem3A_104 : i32
    %rem3A_106 = arith.constant 3 : i32
    %rem3A_107 = arith.constant 6 : i32
    %rem3A_108 = arith.remsi %rem3A_106, %rem3A_107 : i32
    %rem3A_109 = arith.constant 3 : i32
    %rem3A_110 = arith.constant 6 : i32
    %rem3A_111 = arith.remsi %rem3A_109, %rem3A_110 : i32
    %dma_start3A_112 = arith.constant 0 : i32
    %dma_start3A_113 = arith.constant 0 : i32
    %dma_start3A_114 = tpu.memref_slice %arg7[%rem3A_108, %dma_start3A_112, %dma_start3A_113] : memref<6x2x128xi32, #tpu.memory_space<vmem>> -> memref<1x2x128xi32, #tpu.memory_space<vmem>>
    %dma_start3A_115 = tpu.memref_squeeze %dma_start3A_114 : memref<1x2x128xi32, #tpu.memory_space<vmem>> -> memref<2x128xi32, #tpu.memory_space<vmem>>
    %dma_start3A_116 = arith.constant 0 : i32
    %dma_start3A_117 = arith.constant 0 : i32
    %dma_start3A_118 = tpu.memref_slice %arg3[%add3A, %rem3A_105, %dma_start3A_116, %dma_start3A_117] : memref<32x79x2x128xi32, #tpu.memory_space<hbm>> -> memref<1x1x2x128xi32, #tpu.memory_space<hbm>>
    %dma_start3A_119 = tpu.memref_squeeze %dma_start3A_118 : memref<1x1x2x128xi32, #tpu.memory_space<hbm>> -> memref<2x128xi32, #tpu.memory_space<hbm>>
    %dma_start3A_120 = tpu.memref_slice %arg9[%rem3A_111] : memref<6x!tpu.dma_semaphore, #tpu.memory_space<semaphore_mem>> -> memref<1x!tpu.dma_semaphore, #tpu.memory_space<semaphore_mem>>
    %dma_start3A_121 = tpu.memref_squeeze %dma_start3A_120 : memref<1x!tpu.dma_semaphore, #tpu.memory_space<semaphore_mem>> -> memref<!tpu.dma_semaphore, #tpu.memory_space<semaphore_mem>>
    %dma_start3A_122 = arith.constant 0 : i32
    %dma_start3A_123 = arith.constant 0 : i32
    %dma_start3A_124 = tpu.memref_slice %arg7[%rem3A_108, %dma_start3A_122, %dma_start3A_123] : memref<6x2x128xi32, #tpu.memory_space<vmem>> -> memref<1x2x128xi32, #tpu.memory_space<vmem>>
    %dma_start3A_125 = tpu.memref_squeeze %dma_start3A_124 : memref<1x2x128xi32, #tpu.memory_space<vmem>> -> memref<2x128xi32, #tpu.memory_space<vmem>>
    %dma_start3A_126 = arith.constant 0 : i32
    %dma_start3A_127 = arith.constant 0 : i32
    %dma_start3A_128 = tpu.memref_slice %arg3[%add3A, %rem3A_105, %dma_start3A_126, %dma_start3A_127] : memref<32x79x2x128xi32, #tpu.memory_space<hbm>> -> memref<1x1x2x128xi32, #tpu.memory_space<hbm>>
    %dma_start3A_129 = tpu.memref_squeeze %dma_start3A_128 : memref<1x1x2x128xi32, #tpu.memory_space<hbm>> -> memref<2x128xi32, #tpu.memory_space<hbm>>
    tpu.enqueue_dma source(%dma_start3A_129 : memref<2x128xi32, #tpu.memory_space<hbm>>) target(%dma_start3A_125 : memref<2x128xi32, #tpu.memory_space<vmem>>) target_semaphore(%dma_start3A_121 : memref<!tpu.dma_semaphore, #tpu.memory_space<semaphore_mem>>)
    %rem3A_130 = arith.constant 4 : i32
    %rem3A_131 = arith.constant 79 : i32
    %rem3A_132 = arith.remsi %rem3A_130, %rem3A_131 : i32
    %rem3A_133 = arith.constant 4 : i32
    %rem3A_134 = arith.constant 6 : i32
    %rem3A_135 = arith.remsi %rem3A_133, %rem3A_134 : i32
    %rem3A_136 = arith.constant 4 : i32
    %rem3A_137 = arith.constant 6 : i32
    %rem3A_138 = arith.remsi %rem3A_136, %rem3A_137 : i32
    %dma_start3A_139 = arith.constant 0 : i32
    %dma_start3A_140 = arith.constant 0 : i32
    %dma_start3A_141 = tpu.memref_slice %arg7[%rem3A_135, %dma_start3A_139, %dma_start3A_140] : memref<6x2x128xi32, #tpu.memory_space<vmem>> -> memref<1x2x128xi32, #tpu.memory_space<vmem>>
    %dma_start3A_142 = tpu.memref_squeeze %dma_start3A_141 : memref<1x2x128xi32, #tpu.memory_space<vmem>> -> memref<2x128xi32, #tpu.memory_space<vmem>>
    %dma_start3A_143 = arith.constant 0 : i32
    %dma_start3A_144 = arith.constant 0 : i32
    %dma_start3A_145 = tpu.memref_slice %arg3[%add3A, %rem3A_132, %dma_start3A_143, %dma_start3A_144] : memref<32x79x2x128xi32, #tpu.memory_space<hbm>> -> memref<1x1x2x128xi32, #tpu.memory_space<hbm>>
    %dma_start3A_146 = tpu.memref_squeeze %dma_start3A_145 : memref<1x1x2x128xi32, #tpu.memory_space<hbm>> -> memref<2x128xi32, #tpu.memory_space<hbm>>
    %dma_start3A_147 = tpu.memref_slice %arg9[%rem3A_138] : memref<6x!tpu.dma_semaphore, #tpu.memory_space<semaphore_mem>> -> memref<1x!tpu.dma_semaphore, #tpu.memory_space<semaphore_mem>>
    %dma_start3A_148 = tpu.memref_squeeze %dma_start3A_147 : memref<1x!tpu.dma_semaphore, #tpu.memory_space<semaphore_mem>> -> memref<!tpu.dma_semaphore, #tpu.memory_space<semaphore_mem>>
    %dma_start3A_149 = arith.constant 0 : i32
    %dma_start3A_150 = arith.constant 0 : i32
    %dma_start3A_151 = tpu.memref_slice %arg7[%rem3A_135, %dma_start3A_149, %dma_start3A_150] : memref<6x2x128xi32, #tpu.memory_space<vmem>> -> memref<1x2x128xi32, #tpu.memory_space<vmem>>
    %dma_start3A_152 = tpu.memref_squeeze %dma_start3A_151 : memref<1x2x128xi32, #tpu.memory_space<vmem>> -> memref<2x128xi32, #tpu.memory_space<vmem>>
    %dma_start3A_153 = arith.constant 0 : i32
    %dma_start3A_154 = arith.constant 0 : i32
    %dma_start3A_155 = tpu.memref_slice %arg3[%add3A, %rem3A_132, %dma_start3A_153, %dma_start3A_154] : memref<32x79x2x128xi32, #tpu.memory_space<hbm>> -> memref<1x1x2x128xi32, #tpu.memory_space<hbm>>
    %dma_start3A_156 = tpu.memref_squeeze %dma_start3A_155 : memref<1x1x2x128xi32, #tpu.memory_space<hbm>> -> memref<2x128xi32, #tpu.memory_space<hbm>>
    tpu.enqueue_dma source(%dma_start3A_156 : memref<2x128xi32, #tpu.memory_space<hbm>>) target(%dma_start3A_152 : memref<2x128xi32, #tpu.memory_space<vmem>>) target_semaphore(%dma_start3A_148 : memref<!tpu.dma_semaphore, #tpu.memory_space<semaphore_mem>>)
    %rem3A_157 = arith.constant 5 : i32
    %rem3A_158 = arith.constant 79 : i32
    %rem3A_159 = arith.remsi %rem3A_157, %rem3A_158 : i32
    %rem3A_160 = arith.constant 5 : i32
    %rem3A_161 = arith.constant 6 : i32
    %rem3A_162 = arith.remsi %rem3A_160, %rem3A_161 : i32
    %rem3A_163 = arith.constant 5 : i32
    %rem3A_164 = arith.constant 6 : i32
    %rem3A_165 = arith.remsi %rem3A_163, %rem3A_164 : i32
    %dma_start3A_166 = arith.constant 0 : i32
    %dma_start3A_167 = arith.constant 0 : i32
    %dma_start3A_168 = tpu.memref_slice %arg7[%rem3A_162, %dma_start3A_166, %dma_start3A_167] : memref<6x2x128xi32, #tpu.memory_space<vmem>> -> memref<1x2x128xi32, #tpu.memory_space<vmem>>
    %dma_start3A_169 = tpu.memref_squeeze %dma_start3A_168 : memref<1x2x128xi32, #tpu.memory_space<vmem>> -> memref<2x128xi32, #tpu.memory_space<vmem>>
    %dma_start3A_170 = arith.constant 0 : i32
    %dma_start3A_171 = arith.constant 0 : i32
    %dma_start3A_172 = tpu.memref_slice %arg3[%add3A, %rem3A_159, %dma_start3A_170, %dma_start3A_171] : memref<32x79x2x128xi32, #tpu.memory_space<hbm>> -> memref<1x1x2x128xi32, #tpu.memory_space<hbm>>
    %dma_start3A_173 = tpu.memref_squeeze %dma_start3A_172 : memref<1x1x2x128xi32, #tpu.memory_space<hbm>> -> memref<2x128xi32, #tpu.memory_space<hbm>>
    %dma_start3A_174 = tpu.memref_slice %arg9[%rem3A_165] : memref<6x!tpu.dma_semaphore, #tpu.memory_space<semaphore_mem>> -> memref<1x!tpu.dma_semaphore, #tpu.memory_space<semaphore_mem>>
    %dma_start3A_175 = tpu.memref_squeeze %dma_start3A_174 : memref<1x!tpu.dma_semaphore, #tpu.memory_space<semaphore_mem>> -> memref<!tpu.dma_semaphore, #tpu.memory_space<semaphore_mem>>
    %dma_start3A_176 = arith.constant 0 : i32
    %dma_start3A_177 = arith.constant 0 : i32
    %dma_start3A_178 = tpu.memref_slice %arg7[%rem3A_162, %dma_start3A_176, %dma_start3A_177] : memref<6x2x128xi32, #tpu.memory_space<vmem>> -> memref<1x2x128xi32, #tpu.memory_space<vmem>>
    %dma_start3A_179 = tpu.memref_squeeze %dma_start3A_178 : memref<1x2x128xi32, #tpu.memory_space<vmem>> -> memref<2x128xi32, #tpu.memory_space<vmem>>
    %dma_start3A_180 = arith.constant 0 : i32
    %dma_start3A_181 = arith.constant 0 : i32
    %dma_start3A_182 = tpu.memref_slice %arg3[%add3A, %rem3A_159, %dma_start3A_180, %dma_start3A_181] : memref<32x79x2x128xi32, #tpu.memory_space<hbm>> -> memref<1x1x2x128xi32, #tpu.memory_space<hbm>>
    %dma_start3A_183 = tpu.memref_squeeze %dma_start3A_182 : memref<1x1x2x128xi32, #tpu.memory_space<hbm>> -> memref<2x128xi32, #tpu.memory_space<hbm>>
    tpu.enqueue_dma source(%dma_start3A_183 : memref<2x128xi32, #tpu.memory_space<hbm>>) target(%dma_start3A_179 : memref<2x128xi32, #tpu.memory_space<vmem>>) target_semaphore(%dma_start3A_175 : memref<!tpu.dma_semaphore, #tpu.memory_space<semaphore_mem>>)
    %rem3A_184 = arith.constant 0 : i32
    %rem3A_185 = arith.constant 79 : i32
    %rem3A_186 = arith.remsi %rem3A_184, %rem3A_185 : i32
    %rem3A_187 = arith.constant 0 : i32
    %rem3A_188 = arith.constant 6 : i32
    %rem3A_189 = arith.remsi %rem3A_187, %rem3A_188 : i32
    %rem3A_190 = arith.constant 0 : i32
    %rem3A_191 = arith.constant 6 : i32
    %rem3A_192 = arith.remsi %rem3A_190, %rem3A_191 : i32
    %dma_wait3A = arith.constant 0 : i32
    %dma_wait3A_193 = arith.constant 0 : i32
    %dma_wait3A_194 = tpu.memref_slice %arg7[%rem3A_189, %dma_wait3A, %dma_wait3A_193] : memref<6x2x128xi32, #tpu.memory_space<vmem>> -> memref<1x2x128xi32, #tpu.memory_space<vmem>>
    %dma_wait3A_195 = tpu.memref_squeeze %dma_wait3A_194 : memref<1x2x128xi32, #tpu.memory_space<vmem>> -> memref<2x128xi32, #tpu.memory_space<vmem>>
    %dma_wait3A_196 = arith.constant 0 : i32
    %dma_wait3A_197 = arith.constant 0 : i32
    %dma_wait3A_198 = tpu.memref_slice %arg3[%add3A, %rem3A_186, %dma_wait3A_196, %dma_wait3A_197] : memref<32x79x2x128xi32, #tpu.memory_space<hbm>> -> memref<1x1x2x128xi32, #tpu.memory_space<hbm>>
    %dma_wait3A_199 = tpu.memref_squeeze %dma_wait3A_198 : memref<1x1x2x128xi32, #tpu.memory_space<hbm>> -> memref<2x128xi32, #tpu.memory_space<hbm>>
    %dma_wait3A_200 = tpu.memref_slice %arg9[%rem3A_192] : memref<6x!tpu.dma_semaphore, #tpu.memory_space<semaphore_mem>> -> memref<1x!tpu.dma_semaphore, #tpu.memory_space<semaphore_mem>>
    %dma_wait3A_201 = tpu.memref_squeeze %dma_wait3A_200 : memref<1x!tpu.dma_semaphore, #tpu.memory_space<semaphore_mem>> -> memref<!tpu.dma_semaphore, #tpu.memory_space<semaphore_mem>>
    %dma_wait3A_202 = arith.constant 0 : i32
    %dma_wait3A_203 = arith.constant 0 : i32
    %dma_wait3A_204 = tpu.memref_slice %arg7[%rem3A_189, %dma_wait3A_202, %dma_wait3A_203] : memref<6x2x128xi32, #tpu.memory_space<vmem>> -> memref<1x2x128xi32, #tpu.memory_space<vmem>>
    %dma_wait3A_205 = tpu.memref_squeeze %dma_wait3A_204 : memref<1x2x128xi32, #tpu.memory_space<vmem>> -> memref<2x128xi32, #tpu.memory_space<vmem>>
    %dma_wait3A_206 = arith.constant 0 : i32
    %dma_wait3A_207 = arith.constant 0 : i32
    %dma_wait3A_208 = tpu.memref_slice %arg3[%add3A, %rem3A_186, %dma_wait3A_206, %dma_wait3A_207] : memref<32x79x2x128xi32, #tpu.memory_space<hbm>> -> memref<1x1x2x128xi32, #tpu.memory_space<hbm>>
    %dma_wait3A_209 = tpu.memref_squeeze %dma_wait3A_208 : memref<1x1x2x128xi32, #tpu.memory_space<hbm>> -> memref<2x128xi32, #tpu.memory_space<hbm>>
    tpu.wait_dma2 semaphore(%dma_wait3A_201 : memref<!tpu.dma_semaphore, #tpu.memory_space<semaphore_mem>>) src(%dma_wait3A_209 : memref<2x128xi32, #tpu.memory_space<hbm>>) dst(%dma_wait3A_205 : memref<2x128xi32, #tpu.memory_space<vmem>>)
    %rem3A_210 = arith.constant 0 : i32
    %rem3A_211 = arith.constant 6 : i32
    %rem3A_212 = arith.remsi %rem3A_210, %rem3A_211 : i32
    %rem3A_213 = arith.constant 0 : i32
    %rem3A_214 = arith.constant 2 : i32
    %rem3A_215 = arith.remsi %rem3A_213, %rem3A_214 : i32
    %rem3A_216 = arith.constant 0 : i32
    %rem3A_217 = arith.constant 2 : i32
    %rem3A_218 = arith.remsi %rem3A_216, %rem3A_217 : i32
    %dma_start3A_219 = arith.constant 0 : i32
    %dma_start3A_220 = arith.constant 0 : i32
    %dma_start3A_221 = arith.constant 0 : i32
    %dma_start3A_222 = tpu.memref_slice %arg6[%rem3A_215, %dma_start3A_220, %dma_start3A_221] : memref<2x128x128xf32, #tpu.memory_space<vmem>> -> memref<1x128x128xf32, #tpu.memory_space<vmem>>
    %dma_start3A_223 = tpu.memref_squeeze %dma_start3A_222 : memref<1x128x128xf32, #tpu.memory_space<vmem>> -> memref<128x128xf32, #tpu.memory_space<vmem>>
    %dma_start3A_224 = arith.constant 0 : i32
    %dma_start3A_225 = tpu.memref_slice %arg7[%rem3A_212, %dma_start3A_219, %dma_start3A_224] : memref<6x2x128xi32, #tpu.memory_space<vmem>> -> memref<1x1x128xi32, #tpu.memory_space<vmem>>
    %dma_start3A_226 = tpu.memref_squeeze %dma_start3A_225 : memref<1x1x128xi32, #tpu.memory_space<vmem>> -> memref<128xi32, #tpu.memory_space<vmem>>
    %dma_start3A_227 = arith.constant 0 : i32
    %dma_start3A_228 = arith.constant 0 : i32
    %dma_start3A_229 = tpu.memref_slice %arg2[%dma_start3A_227, %dma_start3A_228] : memref<10000x128xf32, #tpu.memory_space<hbm>> -> memref<10000x128xf32, #tpu.memory_space<hbm>>
    %dma_start3A_230 = tpu.memref_slice %arg8[%rem3A_218] : memref<2x!tpu.dma_semaphore, #tpu.memory_space<semaphore_mem>> -> memref<1x!tpu.dma_semaphore, #tpu.memory_space<semaphore_mem>>
    %dma_start3A_231 = tpu.memref_squeeze %dma_start3A_230 : memref<1x!tpu.dma_semaphore, #tpu.memory_space<semaphore_mem>> -> memref<!tpu.dma_semaphore, #tpu.memory_space<semaphore_mem>>
    tpu.enqueue_indirect_dma source(%dma_start3A_229 : memref<10000x128xf32, #tpu.memory_space<hbm>>) target(%dma_start3A_223 : memref<128x128xf32, #tpu.memory_space<vmem>>) offsets(%dma_start3A_226 : memref<128xi32, #tpu.memory_space<vmem>>) semaphore(%dma_start3A_231 : memref<!tpu.dma_semaphore, #tpu.memory_space<semaphore_mem>>)
    %rem3A_232 = arith.constant 1 : i32
    %rem3A_233 = arith.constant 79 : i32
    %rem3A_234 = arith.remsi %rem3A_232, %rem3A_233 : i32
    %rem3A_235 = arith.constant 1 : i32
    %rem3A_236 = arith.constant 6 : i32
    %rem3A_237 = arith.remsi %rem3A_235, %rem3A_236 : i32
    %rem3A_238 = arith.constant 1 : i32
    %rem3A_239 = arith.constant 6 : i32
    %rem3A_240 = arith.remsi %rem3A_238, %rem3A_239 : i32
    %dma_wait3A_241 = arith.constant 0 : i32
    %dma_wait3A_242 = arith.constant 0 : i32
    %dma_wait3A_243 = tpu.memref_slice %arg7[%rem3A_237, %dma_wait3A_241, %dma_wait3A_242] : memref<6x2x128xi32, #tpu.memory_space<vmem>> -> memref<1x2x128xi32, #tpu.memory_space<vmem>>
    %dma_wait3A_244 = tpu.memref_squeeze %dma_wait3A_243 : memref<1x2x128xi32, #tpu.memory_space<vmem>> -> memref<2x128xi32, #tpu.memory_space<vmem>>
    %dma_wait3A_245 = arith.constant 0 : i32
    %dma_wait3A_246 = arith.constant 0 : i32
    %dma_wait3A_247 = tpu.memref_slice %arg3[%add3A, %rem3A_234, %dma_wait3A_245, %dma_wait3A_246] : memref<32x79x2x128xi32, #tpu.memory_space<hbm>> -> memref<1x1x2x128xi32, #tpu.memory_space<hbm>>
    %dma_wait3A_248 = tpu.memref_squeeze %dma_wait3A_247 : memref<1x1x2x128xi32, #tpu.memory_space<hbm>> -> memref<2x128xi32, #tpu.memory_space<hbm>>
    %dma_wait3A_249 = tpu.memref_slice %arg9[%rem3A_240] : memref<6x!tpu.dma_semaphore, #tpu.memory_space<semaphore_mem>> -> memref<1x!tpu.dma_semaphore, #tpu.memory_space<semaphore_mem>>
    %dma_wait3A_250 = tpu.memref_squeeze %dma_wait3A_249 : memref<1x!tpu.dma_semaphore, #tpu.memory_space<semaphore_mem>> -> memref<!tpu.dma_semaphore, #tpu.memory_space<semaphore_mem>>
    %dma_wait3A_251 = arith.constant 0 : i32
    %dma_wait3A_252 = arith.constant 0 : i32
    %dma_wait3A_253 = tpu.memref_slice %arg7[%rem3A_237, %dma_wait3A_251, %dma_wait3A_252] : memref<6x2x128xi32, #tpu.memory_space<vmem>> -> memref<1x2x128xi32, #tpu.memory_space<vmem>>
    %dma_wait3A_254 = tpu.memref_squeeze %dma_wait3A_253 : memref<1x2x128xi32, #tpu.memory_space<vmem>> -> memref<2x128xi32, #tpu.memory_space<vmem>>
    %dma_wait3A_255 = arith.constant 0 : i32
    %dma_wait3A_256 = arith.constant 0 : i32
    %dma_wait3A_257 = tpu.memref_slice %arg3[%add3A, %rem3A_234, %dma_wait3A_255, %dma_wait3A_256] : memref<32x79x2x128xi32, #tpu.memory_space<hbm>> -> memref<1x1x2x128xi32, #tpu.memory_space<hbm>>
    %dma_wait3A_258 = tpu.memref_squeeze %dma_wait3A_257 : memref<1x1x2x128xi32, #tpu.memory_space<hbm>> -> memref<2x128xi32, #tpu.memory_space<hbm>>
    tpu.wait_dma2 semaphore(%dma_wait3A_250 : memref<!tpu.dma_semaphore, #tpu.memory_space<semaphore_mem>>) src(%dma_wait3A_258 : memref<2x128xi32, #tpu.memory_space<hbm>>) dst(%dma_wait3A_254 : memref<2x128xi32, #tpu.memory_space<vmem>>)
    %rem3A_259 = arith.constant 1 : i32
    %rem3A_260 = arith.constant 6 : i32
    %rem3A_261 = arith.remsi %rem3A_259, %rem3A_260 : i32
    %rem3A_262 = arith.constant 1 : i32
    %rem3A_263 = arith.constant 2 : i32
    %rem3A_264 = arith.remsi %rem3A_262, %rem3A_263 : i32
    %rem3A_265 = arith.constant 1 : i32
    %rem3A_266 = arith.constant 2 : i32
    %rem3A_267 = arith.remsi %rem3A_265, %rem3A_266 : i32
    %dma_start3A_268 = arith.constant 0 : i32
    %dma_start3A_269 = arith.constant 0 : i32
    %dma_start3A_270 = arith.constant 0 : i32
    %dma_start3A_271 = tpu.memref_slice %arg6[%rem3A_264, %dma_start3A_269, %dma_start3A_270] : memref<2x128x128xf32, #tpu.memory_space<vmem>> -> memref<1x128x128xf32, #tpu.memory_space<vmem>>
    %dma_start3A_272 = tpu.memref_squeeze %dma_start3A_271 : memref<1x128x128xf32, #tpu.memory_space<vmem>> -> memref<128x128xf32, #tpu.memory_space<vmem>>
    %dma_start3A_273 = arith.constant 0 : i32
    %dma_start3A_274 = tpu.memref_slice %arg7[%rem3A_261, %dma_start3A_268, %dma_start3A_273] : memref<6x2x128xi32, #tpu.memory_space<vmem>> -> memref<1x1x128xi32, #tpu.memory_space<vmem>>
    %dma_start3A_275 = tpu.memref_squeeze %dma_start3A_274 : memref<1x1x128xi32, #tpu.memory_space<vmem>> -> memref<128xi32, #tpu.memory_space<vmem>>
    %dma_start3A_276 = arith.constant 0 : i32
    %dma_start3A_277 = arith.constant 0 : i32
    %dma_start3A_278 = tpu.memref_slice %arg2[%dma_start3A_276, %dma_start3A_277] : memref<10000x128xf32, #tpu.memory_space<hbm>> -> memref<10000x128xf32, #tpu.memory_space<hbm>>
    %dma_start3A_279 = tpu.memref_slice %arg8[%rem3A_267] : memref<2x!tpu.dma_semaphore, #tpu.memory_space<semaphore_mem>> -> memref<1x!tpu.dma_semaphore, #tpu.memory_space<semaphore_mem>>
    %dma_start3A_280 = tpu.memref_squeeze %dma_start3A_279 : memref<1x!tpu.dma_semaphore, #tpu.memory_space<semaphore_mem>> -> memref<!tpu.dma_semaphore, #tpu.memory_space<semaphore_mem>>
    tpu.enqueue_indirect_dma source(%dma_start3A_278 : memref<10000x128xf32, #tpu.memory_space<hbm>>) target(%dma_start3A_272 : memref<128x128xf32, #tpu.memory_space<vmem>>) offsets(%dma_start3A_275 : memref<128xi32, #tpu.memory_space<vmem>>) semaphore(%dma_start3A_280 : memref<!tpu.dma_semaphore, #tpu.memory_space<semaphore_mem>>)
    %scan3A_281 = arith.constant 0 : i32
    %scan3A_282 = arith.constant 0 : i32
    %scan3A_283 = arith.constant 79 : i32
    %scan3A_284 = arith.addi %scan3A_282, %scan3A_283 : i32
    %scan3A_285 = arith.constant 1 : i32
    %scan3A_286 = scf.for %scan3A_289 = %scan3A_282 to %scan3A_284 step %scan3A_285 iter_args(%scan3A_290 = %scan3A_281) -> (i32)  : i32 {
      %rem3A_291 = arith.constant 6 : i32
      %rem3A_292 = arith.remsi %scan3A_289, %rem3A_291 : i32
      %rem3A_293 = arith.constant 2 : i32
      %rem3A_294 = arith.remsi %scan3A_289, %rem3A_293 : i32
      %rem3A_295 = arith.constant 2 : i32
      %rem3A_296 = arith.remsi %scan3A_289, %rem3A_295 : i32
      %dma_wait3A_297 = arith.constant 0 : i32
      %dma_wait3A_298 = arith.constant 0 : i32
      %dma_wait3A_299 = arith.constant 0 : i32
      %dma_wait3A_300 = tpu.memref_slice %arg6[%rem3A_294, %dma_wait3A_298, %dma_wait3A_299] : memref<2x128x128xf32, #tpu.memory_space<vmem>> -> memref<1x128x128xf32, #tpu.memory_space<vmem>>
      %dma_wait3A_301 = tpu.memref_squeeze %dma_wait3A_300 : memref<1x128x128xf32, #tpu.memory_space<vmem>> -> memref<128x128xf32, #tpu.memory_space<vmem>>
      %dma_wait3A_302 = arith.constant 0 : i32
      %dma_wait3A_303 = tpu.memref_slice %arg7[%rem3A_292, %dma_wait3A_297, %dma_wait3A_302] : memref<6x2x128xi32, #tpu.memory_space<vmem>> -> memref<1x1x128xi32, #tpu.memory_space<vmem>>
      %dma_wait3A_304 = tpu.memref_squeeze %dma_wait3A_303 : memref<1x1x128xi32, #tpu.memory_space<vmem>> -> memref<128xi32, #tpu.memory_space<vmem>>
      %dma_wait3A_305 = arith.constant 0 : i32
      %dma_wait3A_306 = arith.constant 0 : i32
      %dma_wait3A_307 = tpu.memref_slice %arg2[%dma_wait3A_305, %dma_wait3A_306] : memref<10000x128xf32, #tpu.memory_space<hbm>> -> memref<10000x128xf32, #tpu.memory_space<hbm>>
      %dma_wait3A_308 = tpu.memref_slice %arg8[%rem3A_296] : memref<2x!tpu.dma_semaphore, #tpu.memory_space<semaphore_mem>> -> memref<1x!tpu.dma_semaphore, #tpu.memory_space<semaphore_mem>>
      %dma_wait3A_309 = tpu.memref_squeeze %dma_wait3A_308 : memref<1x!tpu.dma_semaphore, #tpu.memory_space<semaphore_mem>> -> memref<!tpu.dma_semaphore, #tpu.memory_space<semaphore_mem>>
      tpu.wait_indirect_dma semaphore(%dma_wait3A_309 : memref<!tpu.dma_semaphore, #tpu.memory_space<semaphore_mem>>) src(%dma_wait3A_307 : memref<10000x128xf32, #tpu.memory_space<hbm>>) dst(%dma_wait3A_301 : memref<128x128xf32, #tpu.memory_space<vmem>>)
      %rem3A_310 = arith.constant 6 : i32
      %rem3A_311 = arith.remsi %scan3A_289, %rem3A_310 : i32
      %rem3A_312 = arith.constant 2 : i32
      %rem3A_313 = arith.remsi %scan3A_289, %rem3A_312 : i32
      %run_scoped3A_314 = arith.constant 1 : i32
      "tpu.region"() ({
        %run_scoped3A_327 = tpu.sem_alloc : memref<!tpu.dma_semaphore, #tpu.memory_space<semaphore_mem>>
        %dma_start3A_328 = arith.constant 0 : i32
        %dma_start3A_329 = arith.constant 0 : i32
        %dma_start3A_330 = tpu.memref_slice %arg6[%rem3A_313, %dma_start3A_328, %dma_start3A_329] : memref<2x128x128xf32, #tpu.memory_space<vmem>> -> memref<1x128x128xf32, #tpu.memory_space<vmem>>
        %dma_start3A_331 = tpu.memref_squeeze %dma_start3A_330 : memref<1x128x128xf32, #tpu.memory_space<vmem>> -> memref<128x128xf32, #tpu.memory_space<vmem>>
        %dma_start3A_332 = arith.constant 0 : i32
        %dma_start3A_333 = tpu.memref_slice %arg7[%rem3A_311, %run_scoped3A_314, %dma_start3A_332] : memref<6x2x128xi32, #tpu.memory_space<vmem>> -> memref<1x1x128xi32, #tpu.memory_space<vmem>>
        %dma_start3A_334 = tpu.memref_squeeze %dma_start3A_333 : memref<1x1x128xi32, #tpu.memory_space<vmem>> -> memref<128xi32, #tpu.memory_space<vmem>>
        %dma_start3A_335 = arith.constant 0 : i32
        %dma_start3A_336 = arith.constant 0 : i32
        %dma_start3A_337 = tpu.memref_slice %arg5[%dma_start3A_335, %dma_start3A_336] : memref<10240x128xf32, #tpu.memory_space<vmem_shared>> -> memref<10240x128xf32, #tpu.memory_space<vmem_shared>>
        tpu.enqueue_indirect_dma source(%dma_start3A_331 : memref<128x128xf32, #tpu.memory_space<vmem>>) target(%dma_start3A_337 : memref<10240x128xf32, #tpu.memory_space<vmem_shared>>) offsets(%dma_start3A_334 : memref<128xi32, #tpu.memory_space<vmem>>) semaphore(%run_scoped3A_327 : memref<!tpu.dma_semaphore, #tpu.memory_space<semaphore_mem>>) {add = true}
        %dma_wait3A_338 = arith.constant 0 : i32
        %dma_wait3A_339 = arith.constant 0 : i32
        %dma_wait3A_340 = tpu.memref_slice %arg6[%rem3A_313, %dma_wait3A_338, %dma_wait3A_339] : memref<2x128x128xf32, #tpu.memory_space<vmem>> -> memref<1x128x128xf32, #tpu.memory_space<vmem>>
        %dma_wait3A_341 = tpu.memref_squeeze %dma_wait3A_340 : memref<1x128x128xf32, #tpu.memory_space<vmem>> -> memref<128x128xf32, #tpu.memory_space<vmem>>
        %dma_wait3A_342 = arith.constant 0 : i32
        %dma_wait3A_343 = tpu.memref_slice %arg7[%rem3A_311, %run_scoped3A_314, %dma_wait3A_342] : memref<6x2x128xi32, #tpu.memory_space<vmem>> -> memref<1x1x128xi32, #tpu.memory_space<vmem>>
        %dma_wait3A_344 = tpu.memref_squeeze %dma_wait3A_343 : memref<1x1x128xi32, #tpu.memory_space<vmem>> -> memref<128xi32, #tpu.memory_space<vmem>>
        %dma_wait3A_345 = arith.constant 0 : i32
        %dma_wait3A_346 = arith.constant 0 : i32
        %dma_wait3A_347 = tpu.memref_slice %arg5[%dma_wait3A_345, %dma_wait3A_346] : memref<10240x128xf32, #tpu.memory_space<vmem_shared>> -> memref<10240x128xf32, #tpu.memory_space<vmem_shared>>
        tpu.wait_indirect_dma semaphore(%run_scoped3A_327 : memref<!tpu.dma_semaphore, #tpu.memory_space<semaphore_mem>>) src(%dma_wait3A_341 : memref<128x128xf32, #tpu.memory_space<vmem>>) dst(%dma_wait3A_347 : memref<10240x128xf32, #tpu.memory_space<vmem_shared>>)
        tpu.yield
      }) : () -> ()
      %add3A_315 = arith.constant 2 : i32
      %add3A_316 = arith.addi %scan3A_289, %add3A_315 : i32
      %lt3A = arith.constant 79 : i32
      %lt3A_317 = arith.cmpi slt, %add3A_316, %lt3A : i32
      %convert_element_type3A = arith.extui %lt3A_317 : i1 to i32
      %cond3A = arith.constant 0 : i32
      %cond3A_318 = arith.cmpi ne, %convert_element_type3A, %cond3A : i32
      scf.if %cond3A_318 {
        %add3A_327 = arith.constant 2 : i32
        %add3A_328 = arith.addi %scan3A_289, %add3A_327 : i32
        %rem3A_329 = arith.constant 79 : i32
        %rem3A_330 = arith.remsi %add3A_328, %rem3A_329 : i32
        %rem3A_331 = arith.constant 6 : i32
        %rem3A_332 = arith.remsi %add3A_328, %rem3A_331 : i32
        %rem3A_333 = arith.constant 6 : i32
        %rem3A_334 = arith.remsi %add3A_328, %rem3A_333 : i32
        %dma_wait3A_335 = arith.constant 0 : i32
        %dma_wait3A_336 = arith.constant 0 : i32
        %dma_wait3A_337 = tpu.memref_slice %arg7[%rem3A_332, %dma_wait3A_335, %dma_wait3A_336] : memref<6x2x128xi32, #tpu.memory_space<vmem>> -> memref<1x2x128xi32, #tpu.memory_space<vmem>>
        %dma_wait3A_338 = tpu.memref_squeeze %dma_wait3A_337 : memref<1x2x128xi32, #tpu.memory_space<vmem>> -> memref<2x128xi32, #tpu.memory_space<vmem>>
        %dma_wait3A_339 = arith.constant 0 : i32
        %dma_wait3A_340 = arith.constant 0 : i32
        %dma_wait3A_341 = tpu.memref_slice %arg3[%add3A, %rem3A_330, %dma_wait3A_339, %dma_wait3A_340] : memref<32x79x2x128xi32, #tpu.memory_space<hbm>> -> memref<1x1x2x128xi32, #tpu.memory_space<hbm>>
        %dma_wait3A_342 = tpu.memref_squeeze %dma_wait3A_341 : memref<1x1x2x128xi32, #tpu.memory_space<hbm>> -> memref<2x128xi32, #tpu.memory_space<hbm>>
        %dma_wait3A_343 = tpu.memref_slice %arg9[%rem3A_334] : memref<6x!tpu.dma_semaphore, #tpu.memory_space<semaphore_mem>> -> memref<1x!tpu.dma_semaphore, #tpu.memory_space<semaphore_mem>>
        %dma_wait3A_344 = tpu.memref_squeeze %dma_wait3A_343 : memref<1x!tpu.dma_semaphore, #tpu.memory_space<semaphore_mem>> -> memref<!tpu.dma_semaphore, #tpu.memory_space<semaphore_mem>>
        %dma_wait3A_345 = arith.constant 0 : i32
        %dma_wait3A_346 = arith.constant 0 : i32
        %dma_wait3A_347 = tpu.memref_slice %arg7[%rem3A_332, %dma_wait3A_345, %dma_wait3A_346] : memref<6x2x128xi32, #tpu.memory_space<vmem>> -> memref<1x2x128xi32, #tpu.memory_space<vmem>>
        %dma_wait3A_348 = tpu.memref_squeeze %dma_wait3A_347 : memref<1x2x128xi32, #tpu.memory_space<vmem>> -> memref<2x128xi32, #tpu.memory_space<vmem>>
        %dma_wait3A_349 = arith.constant 0 : i32
        %dma_wait3A_350 = arith.constant 0 : i32
        %dma_wait3A_351 = tpu.memref_slice %arg3[%add3A, %rem3A_330, %dma_wait3A_349, %dma_wait3A_350] : memref<32x79x2x128xi32, #tpu.memory_space<hbm>> -> memref<1x1x2x128xi32, #tpu.memory_space<hbm>>
        %dma_wait3A_352 = tpu.memref_squeeze %dma_wait3A_351 : memref<1x1x2x128xi32, #tpu.memory_space<hbm>> -> memref<2x128xi32, #tpu.memory_space<hbm>>
        tpu.wait_dma2 semaphore(%dma_wait3A_344 : memref<!tpu.dma_semaphore, #tpu.memory_space<semaphore_mem>>) src(%dma_wait3A_352 : memref<2x128xi32, #tpu.memory_space<hbm>>) dst(%dma_wait3A_348 : memref<2x128xi32, #tpu.memory_space<vmem>>)
        %add3A_353 = arith.constant 2 : i32
        %add3A_354 = arith.addi %scan3A_289, %add3A_353 : i32
        %rem3A_355 = arith.constant 6 : i32
        %rem3A_356 = arith.remsi %add3A_354, %rem3A_355 : i32
        %rem3A_357 = arith.constant 2 : i32
        %rem3A_358 = arith.remsi %add3A_354, %rem3A_357 : i32
        %rem3A_359 = arith.constant 2 : i32
        %rem3A_360 = arith.remsi %add3A_354, %rem3A_359 : i32
        %dma_start3A_361 = arith.constant 0 : i32
        %dma_start3A_362 = arith.constant 0 : i32
        %dma_start3A_363 = arith.constant 0 : i32
        %dma_start3A_364 = tpu.memref_slice %arg6[%rem3A_358, %dma_start3A_362, %dma_start3A_363] : memref<2x128x128xf32, #tpu.memory_space<vmem>> -> memref<1x128x128xf32, #tpu.memory_space<vmem>>
        %dma_start3A_365 = tpu.memref_squeeze %dma_start3A_364 : memref<1x128x128xf32, #tpu.memory_space<vmem>> -> memref<128x128xf32, #tpu.memory_space<vmem>>
        %dma_start3A_366 = arith.constant 0 : i32
        %dma_start3A_367 = tpu.memref_slice %arg7[%rem3A_356, %dma_start3A_361, %dma_start3A_366] : memref<6x2x128xi32, #tpu.memory_space<vmem>> -> memref<1x1x128xi32, #tpu.memory_space<vmem>>
        %dma_start3A_368 = tpu.memref_squeeze %dma_start3A_367 : memref<1x1x128xi32, #tpu.memory_space<vmem>> -> memref<128xi32, #tpu.memory_space<vmem>>
        %dma_start3A_369 = arith.constant 0 : i32
        %dma_start3A_370 = arith.constant 0 : i32
        %dma_start3A_371 = tpu.memref_slice %arg2[%dma_start3A_369, %dma_start3A_370] : memref<10000x128xf32, #tpu.memory_space<hbm>> -> memref<10000x128xf32, #tpu.memory_space<hbm>>
        %dma_start3A_372 = tpu.memref_slice %arg8[%rem3A_360] : memref<2x!tpu.dma_semaphore, #tpu.memory_space<semaphore_mem>> -> memref<1x!tpu.dma_semaphore, #tpu.memory_space<semaphore_mem>>
        %dma_start3A_373 = tpu.memref_squeeze %dma_start3A_372 : memref<1x!tpu.dma_semaphore, #tpu.memory_space<semaphore_mem>> -> memref<!tpu.dma_semaphore, #tpu.memory_space<semaphore_mem>>
        tpu.enqueue_indirect_dma source(%dma_start3A_371 : memref<10000x128xf32, #tpu.memory_space<hbm>>) target(%dma_start3A_365 : memref<128x128xf32, #tpu.memory_space<vmem>>) offsets(%dma_start3A_368 : memref<128xi32, #tpu.memory_space<vmem>>) semaphore(%dma_start3A_373 : memref<!tpu.dma_semaphore, #tpu.memory_space<semaphore_mem>>)
      } else {
      }
      %add3A_319 = arith.constant 6 : i32
      %add3A_320 = arith.addi %scan3A_289, %add3A_319 : i32
      %lt3A_321 = arith.constant 79 : i32
      %lt3A_322 = arith.cmpi slt, %add3A_320, %lt3A_321 : i32
      %convert_element_type3A_323 = arith.extui %lt3A_322 : i1 to i32
      %cond3A_324 = arith.constant 0 : i32
      %cond3A_325 = arith.cmpi ne, %convert_element_type3A_323, %cond3A_324 : i32
      scf.if %cond3A_325 {
        %add3A_327 = arith.constant 6 : i32
        %add3A_328 = arith.addi %scan3A_289, %add3A_327 : i32
        %rem3A_329 = arith.constant 79 : i32
        %rem3A_330 = arith.remsi %add3A_328, %rem3A_329 : i32
        %rem3A_331 = arith.constant 6 : i32
        %rem3A_332 = arith.remsi %add3A_328, %rem3A_331 : i32
        %rem3A_333 = arith.constant 6 : i32
        %rem3A_334 = arith.remsi %add3A_328, %rem3A_333 : i32
        %dma_start3A_335 = arith.constant 0 : i32
        %dma_start3A_336 = arith.constant 0 : i32
        %dma_start3A_337 = tpu.memref_slice %arg7[%rem3A_332, %dma_start3A_335, %dma_start3A_336] : memref<6x2x128xi32, #tpu.memory_space<vmem>> -> memref<1x2x128xi32, #tpu.memory_space<vmem>>
        %dma_start3A_338 = tpu.memref_squeeze %dma_start3A_337 : memref<1x2x128xi32, #tpu.memory_space<vmem>> -> memref<2x128xi32, #tpu.memory_space<vmem>>
        %dma_start3A_339 = arith.constant 0 : i32
        %dma_start3A_340 = arith.constant 0 : i32
        %dma_start3A_341 = tpu.memref_slice %arg3[%add3A, %rem3A_330, %dma_start3A_339, %dma_start3A_340] : memref<32x79x2x128xi32, #tpu.memory_space<hbm>> -> memref<1x1x2x128xi32, #tpu.memory_space<hbm>>
        %dma_start3A_342 = tpu.memref_squeeze %dma_start3A_341 : memref<1x1x2x128xi32, #tpu.memory_space<hbm>> -> memref<2x128xi32, #tpu.memory_space<hbm>>
        %dma_start3A_343 = tpu.memref_slice %arg9[%rem3A_334] : memref<6x!tpu.dma_semaphore, #tpu.memory_space<semaphore_mem>> -> memref<1x!tpu.dma_semaphore, #tpu.memory_space<semaphore_mem>>
        %dma_start3A_344 = tpu.memref_squeeze %dma_start3A_343 : memref<1x!tpu.dma_semaphore, #tpu.memory_space<semaphore_mem>> -> memref<!tpu.dma_semaphore, #tpu.memory_space<semaphore_mem>>
        %dma_start3A_345 = arith.constant 0 : i32
        %dma_start3A_346 = arith.constant 0 : i32
        %dma_start3A_347 = tpu.memref_slice %arg7[%rem3A_332, %dma_start3A_345, %dma_start3A_346] : memref<6x2x128xi32, #tpu.memory_space<vmem>> -> memref<1x2x128xi32, #tpu.memory_space<vmem>>
        %dma_start3A_348 = tpu.memref_squeeze %dma_start3A_347 : memref<1x2x128xi32, #tpu.memory_space<vmem>> -> memref<2x128xi32, #tpu.memory_space<vmem>>
        %dma_start3A_349 = arith.constant 0 : i32
        %dma_start3A_350 = arith.constant 0 : i32
        %dma_start3A_351 = tpu.memref_slice %arg3[%add3A, %rem3A_330, %dma_start3A_349, %dma_start3A_350] : memref<32x79x2x128xi32, #tpu.memory_space<hbm>> -> memref<1x1x2x128xi32, #tpu.memory_space<hbm>>
        %dma_start3A_352 = tpu.memref_squeeze %dma_start3A_351 : memref<1x1x2x128xi32, #tpu.memory_space<hbm>> -> memref<2x128xi32, #tpu.memory_space<hbm>>
        tpu.enqueue_dma source(%dma_start3A_352 : memref<2x128xi32, #tpu.memory_space<hbm>>) target(%dma_start3A_348 : memref<2x128xi32, #tpu.memory_space<vmem>>) target_semaphore(%dma_start3A_344 : memref<!tpu.dma_semaphore, #tpu.memory_space<semaphore_mem>>)
      } else {
      }
      %scan3A_326 = arith.constant 0 : i32
      scf.yield %scan3A_326 : i32
    }
    %scan3A_287 = arith.constant 79 : i32
    %barrier3A_288 = arith.constant 0 : index
    tpu.barrier barrier_id(%barrier3A_288)
    "tpu.region"() ({
      %run_scoped3A_289 = tpu.sem_alloc : memref<!tpu.dma_semaphore, #tpu.memory_space<semaphore_mem>>
      %dma_start3A_290 = arith.constant 0 : i32
      %dma_start3A_291 = tpu.memref_slice %arg4[%arg0, %mul3A_9, %dma_start3A_290] : memref<2x10240x128xf32, #tpu.memory_space<hbm>> -> memref<1x640x128xf32, #tpu.memory_space<hbm>>
      %dma_start3A_292 = tpu.memref_squeeze %dma_start3A_291 : memref<1x640x128xf32, #tpu.memory_space<hbm>> -> memref<640x128xf32, #tpu.memory_space<hbm>>
      %dma_start3A_293 = arith.constant 0 : i32
      %dma_start3A_294 = tpu.memref_slice %arg5[%mul3A_9, %dma_start3A_293] : memref<10240x128xf32, #tpu.memory_space<vmem_shared>> -> memref<640x128xf32, #tpu.memory_space<vmem_shared>>
      tpu.enqueue_dma source(%dma_start3A_294 : memref<640x128xf32, #tpu.memory_space<vmem_shared>>) target(%dma_start3A_292 : memref<640x128xf32, #tpu.memory_space<hbm>>) target_semaphore(%run_scoped3A_289 : memref<!tpu.dma_semaphore, #tpu.memory_space<semaphore_mem>>)
      %dma_wait3A_295 = arith.constant 0 : i32
      %dma_wait3A_296 = tpu.memref_slice %arg4[%arg0, %mul3A_9, %dma_wait3A_295] : memref<2x10240x128xf32, #tpu.memory_space<hbm>> -> memref<1x640x128xf32, #tpu.memory_space<hbm>>
      %dma_wait3A_297 = tpu.memref_squeeze %dma_wait3A_296 : memref<1x640x128xf32, #tpu.memory_space<hbm>> -> memref<640x128xf32, #tpu.memory_space<hbm>>
      %dma_wait3A_298 = arith.constant 0 : i32
      %dma_wait3A_299 = tpu.memref_slice %arg5[%mul3A_9, %dma_wait3A_298] : memref<10240x128xf32, #tpu.memory_space<vmem_shared>> -> memref<640x128xf32, #tpu.memory_space<vmem_shared>>
      tpu.wait_dma2 semaphore(%run_scoped3A_289 : memref<!tpu.dma_semaphore, #tpu.memory_space<semaphore_mem>>) src(%dma_wait3A_299 : memref<640x128xf32, #tpu.memory_space<vmem_shared>>) dst(%dma_wait3A_297 : memref<640x128xf32, #tpu.memory_space<hbm>>)
      tpu.yield
    }) : () -> ()
    return
  }
}

module attributes {stable_mosaic.version = 14 : i64} {
  func.func @body(%arg0: i32, %arg1: memref<1000x128xf32, #tpu.memory_space<vmem>>, %arg2: memref<128x128xf32, #tpu.memory_space<vmem>>, %arg3: memref<1000x128xf32, #tpu.memory_space<vmem>>) attributes {dimension_semantics = [#tpu.dimension_semantics<arbitrary>], iteration_bounds = array<i64: 10>, scalar_prefetch = 0 : i64, scratch_operands = 0 : i64, tpu.core_type = #tpu.core_type<tc>, window_params = [{transform_indices = @transform_0, window_bounds = array<i64: 1000, 128>}, {pipeline_mode = #tpu.pipeline_mode<synchronous>, transform_indices = @transform_1, window_bounds = array<i64: 128, 128>}, {transform_indices = @transform_2, window_bounds = array<i64: 1000, 128>}]} {
    %get3A = arith.constant 0 : index
    %get3A_0 = arith.constant 0 : index
    %get3A_1 = vector.load %arg1[%get3A, %get3A_0] : memref<1000x128xf32, #tpu.memory_space<vmem>>, vector<1000x128xf32>
    %get3A_2 = arith.constant 0 : index
    %get3A_3 = arith.constant 0 : index
    %get3A_4 = vector.load %arg2[%get3A_2, %get3A_3] : memref<128x128xf32, #tpu.memory_space<vmem>>, vector<128x128xf32>
    %dot_general3A = arith.constant dense<0.000000e+00> : vector<1000x128xf32>
    %dot_general3A_5 = tpu.matmul %get3A_1, %get3A_4, %dot_general3A {dimension_numbers = #tpu.dot_dimension_numbers<[1], [0], [0], [1], [0, 0, 1, 1], [], []>, transpose_lhs_hint = false} : vector<1000x128xf32>, vector<128x128xf32>, vector<1000x128xf32> -> vector<1000x128xf32>
    %swap3A = arith.constant 0 : index
    %swap3A_6 = arith.constant 0 : index
    %swap3A_7 = vector.load %arg3[%swap3A, %swap3A_6] : memref<1000x128xf32, #tpu.memory_space<vmem>>, vector<1000x128xf32>
    tpu.vector_store %arg3[%swap3A, %swap3A_6], %dot_general3A_5 {strides = array<i32>} : memref<1000x128xf32, #tpu.memory_space<vmem>>, vector<1000x128xf32>,
    return
  }
  func.func @transform_0(%arg0: i32) -> (i32, i32) {
    %c0_i32 = arith.constant 0 : i32
    %c0_i32_0 = arith.constant 0 : i32
    return %arg0, %c0_i32 : i32, i32
  }
  func.func @transform_1(%arg0: i32) -> (i32, i32) {
    %c0_i32 = arith.constant 0 : i32
    %c0_i32_0 = arith.constant 0 : i32
    %c0_i32_1 = arith.constant 0 : i32
    return %c0_i32, %c0_i32_0 : i32, i32
  }
  func.func @transform_2(%arg0: i32) -> (i32, i32) {
    %c0_i32 = arith.constant 0 : i32
    %c0_i32_0 = arith.constant 0 : i32
    return %arg0, %c0_i32 : i32, i32
  }
}

module attributes {stable_mosaic.version = 14 : i64} {
  func.func @body(%arg0: i32, %arg1: memref<2x1000x128xf32, #tpu.memory_space<vmem>>, %arg2: memref<2x1000x16xf32, #tpu.memory_space<vmem>>, %arg3: memref<1x128xf32, #tpu.memory_space<vmem>>, %arg4: memref<128x128xf32, #tpu.memory_space<vmem>>, %arg5: memref<1000x128xf32, #tpu.memory_space<vmem>>) attributes {dimension_semantics = [#tpu.dimension_semantics<arbitrary>], iteration_bounds = array<i64: 10>, scalar_prefetch = 0 : i64, scratch_operands = 0 : i64, tpu.core_type = #tpu.core_type<tc>, window_params = [{transform_indices = @transform_0, window_bounds = array<i64: 2, 1000, 128>}, {transform_indices = @transform_1, window_bounds = array<i64: 2, 1000, 16>}, {pipeline_mode = #tpu.pipeline_mode<synchronous>, transform_indices = @transform_2, window_bounds = array<i64: 1, 128>}, {pipeline_mode = #tpu.pipeline_mode<synchronous>, transform_indices = @transform_3, window_bounds = array<i64: 128, 128>}, {transform_indices = @transform_4, window_bounds = array<i64: 1000, 128>}]} {
    %get3A = arith.constant 0 : index
    %get3A_0 = arith.constant 0 : index
    %get3A_1 = arith.constant 0 : index
    %get3A_2 = vector.load %arg1[%get3A, %get3A_0, %get3A_1] : memref<2x1000x128xf32, #tpu.memory_space<vmem>>, vector<1x1000x128xf32>
    %get3A_3 = vector.shape_cast %get3A_2 : vector<1x1000x128xf32> to vector<1000x128xf32>
    %get3A_4 = arith.constant 1 : index
    %get3A_5 = arith.constant 0 : index
    %get3A_6 = arith.constant 0 : index
    %get3A_7 = vector.load %arg1[%get3A_4, %get3A_5, %get3A_6] : memref<2x1000x128xf32, #tpu.memory_space<vmem>>, vector<1x1000x128xf32>
    %get3A_8 = vector.shape_cast %get3A_7 : vector<1x1000x128xf32> to vector<1000x128xf32>
    %add3A = arith.addf %get3A_3, %get3A_8 : vector<1000x128xf32>
    %get3A_9 = arith.constant 0 : index
    %get3A_10 = arith.constant 0 : index
    %get3A_11 = arith.constant 0 : index
    %get3A_12 = vector.load %arg2[%get3A_9, %get3A_10, %get3A_11] : memref<2x1000x16xf32, #tpu.memory_space<vmem>>, vector<1x1000x1xf32>
    %get3A_13 = vector.shape_cast %get3A_12 : vector<1x1000x1xf32> to vector<1000x1xf32>
    %get3A_14 = arith.constant 1 : index
    %get3A_15 = arith.constant 0 : index
    %get3A_16 = arith.constant 0 : index
    %get3A_17 = vector.load %arg2[%get3A_14, %get3A_15, %get3A_16] : memref<2x1000x16xf32, #tpu.memory_space<vmem>>, vector<1x1000x1xf32>
    %get3A_18 = vector.shape_cast %get3A_17 : vector<1x1000x1xf32> to vector<1000x1xf32>
    %add3A_19 = arith.addf %get3A_13, %get3A_18 : vector<1000x1xf32>
    %max3A = arith.constant 1.000000e+00 : f32
    %max3A_20 = vector.broadcast %max3A : f32 to vector<1000x1xf32>
    %max3A_21 = arith.maximumf %add3A_19, %max3A_20 : vector<1000x1xf32>
    %div3A = arith.constant 1.000000e+00 : f32
    %div3A_22 = vector.broadcast %div3A : f32 to vector<1000x1xf32>
    %div3A_23 = arith.divf %div3A_22, %max3A_21 : vector<1000x1xf32>
    %mul3A = vector.broadcast %div3A_23 : vector<1000x1xf32> to vector<1000x128xf32>
    %mul3A_24 = arith.mulf %add3A, %mul3A : vector<1000x128xf32>
    %get3A_25 = arith.constant 0 : index
    %get3A_26 = arith.constant 0 : index
    %get3A_27 = vector.load %arg3[%get3A_25, %get3A_26] : memref<1x128xf32, #tpu.memory_space<vmem>>, vector<1x128xf32>
    %add3A_28 = vector.broadcast %get3A_27 : vector<1x128xf32> to vector<1000x128xf32>
    %add3A_29 = arith.addf %mul3A_24, %add3A_28 : vector<1000x128xf32>
    %max3A_30 = arith.constant 0.000000e+00 : f32
    %max3A_31 = vector.broadcast %max3A_30 : f32 to vector<1000x128xf32>
    %max3A_32 = arith.maximumf %add3A_29, %max3A_31 : vector<1000x128xf32>
    %get3A_33 = arith.constant 0 : index
    %get3A_34 = arith.constant 0 : index
    %get3A_35 = vector.load %arg4[%get3A_33, %get3A_34] : memref<128x128xf32, #tpu.memory_space<vmem>>, vector<128x128xf32>
    %dot_general3A = arith.constant dense<0.000000e+00> : vector<1000x128xf32>
    %dot_general3A_36 = tpu.matmul %max3A_32, %get3A_35, %dot_general3A {dimension_numbers = #tpu.dot_dimension_numbers<[1], [0], [0], [1], [0, 0, 1, 1], [], []>, transpose_lhs_hint = false} : vector<1000x128xf32>, vector<128x128xf32>, vector<1000x128xf32> -> vector<1000x128xf32>
    %swap3A = arith.constant 0 : index
    %swap3A_37 = arith.constant 0 : index
    %swap3A_38 = vector.load %arg5[%swap3A, %swap3A_37] : memref<1000x128xf32, #tpu.memory_space<vmem>>, vector<1000x128xf32>
    tpu.vector_store %arg5[%swap3A, %swap3A_37], %dot_general3A_36 {strides = array<i32>} : memref<1000x128xf32, #tpu.memory_space<vmem>>, vector<1000x128xf32>,
    return
  }
  func.func @transform_0(%arg0: i32) -> (i32, i32, i32) {
    %c0_i32 = arith.constant 0 : i32
    %c0_i32_0 = arith.constant 0 : i32
    %c0_i32_1 = arith.constant 0 : i32
    return %c0_i32, %arg0, %c0_i32_0 : i32, i32, i32
  }
  func.func @transform_1(%arg0: i32) -> (i32, i32, i32) {
    %c0_i32 = arith.constant 0 : i32
    %c0_i32_0 = arith.constant 0 : i32
    %c0_i32_1 = arith.constant 0 : i32
    return %c0_i32, %arg0, %c0_i32_0 : i32, i32, i32
  }
  func.func @transform_2(%arg0: i32) -> (i32, i32) {
    %c0_i32 = arith.constant 0 : i32
    %c0_i32_0 = arith.constant 0 : i32
    %c0_i32_1 = arith.constant 0 : i32
    return %c0_i32, %c0_i32_0 : i32, i32
  }
  func.func @transform_3(%arg0: i32) -> (i32, i32) {
    %c0_i32 = arith.constant 0 : i32
    %c0_i32_0 = arith.constant 0 : i32
    %c0_i32_1 = arith.constant 0 : i32
    return %c0_i32, %c0_i32_0 : i32, i32
  }
  func.func @transform_4(%arg0: i32) -> (i32, i32) {
    %c0_i32 = arith.constant 0 : i32
    %c0_i32_0 = arith.constant 0 : i32
    return %arg0, %c0_i32 : i32, i32
  }
}

module attributes {stable_mosaic.version = 14 : i64} {
  func.func @body(%arg0: i32, %arg1: memref<2x1000x128xf32, #tpu.memory_space<vmem>>, %arg2: memref<2x1000x16xf32, #tpu.memory_space<vmem>>, %arg3: memref<1x128xf32, #tpu.memory_space<vmem>>, %arg4: memref<1000x128xf32, #tpu.memory_space<vmem>>) attributes {dimension_semantics = [#tpu.dimension_semantics<arbitrary>], iteration_bounds = array<i64: 10>, scalar_prefetch = 0 : i64, scratch_operands = 0 : i64, tpu.core_type = #tpu.core_type<tc>, window_params = [{transform_indices = @transform_0, window_bounds = array<i64: 2, 1000, 128>}, {transform_indices = @transform_1, window_bounds = array<i64: 2, 1000, 16>}, {pipeline_mode = #tpu.pipeline_mode<synchronous>, transform_indices = @transform_2, window_bounds = array<i64: 1, 128>}, {transform_indices = @transform_3, window_bounds = array<i64: 1000, 128>}]} {
    %get3A = arith.constant 0 : index
    %get3A_0 = arith.constant 0 : index
    %get3A_1 = arith.constant 0 : index
    %get3A_2 = vector.load %arg1[%get3A, %get3A_0, %get3A_1] : memref<2x1000x128xf32, #tpu.memory_space<vmem>>, vector<1x1000x128xf32>
    %get3A_3 = vector.shape_cast %get3A_2 : vector<1x1000x128xf32> to vector<1000x128xf32>
    %get3A_4 = arith.constant 1 : index
    %get3A_5 = arith.constant 0 : index
    %get3A_6 = arith.constant 0 : index
    %get3A_7 = vector.load %arg1[%get3A_4, %get3A_5, %get3A_6] : memref<2x1000x128xf32, #tpu.memory_space<vmem>>, vector<1x1000x128xf32>
    %get3A_8 = vector.shape_cast %get3A_7 : vector<1x1000x128xf32> to vector<1000x128xf32>
    %add3A = arith.addf %get3A_3, %get3A_8 : vector<1000x128xf32>
    %get3A_9 = arith.constant 0 : index
    %get3A_10 = arith.constant 0 : index
    %get3A_11 = arith.constant 0 : index
    %get3A_12 = vector.load %arg2[%get3A_9, %get3A_10, %get3A_11] : memref<2x1000x16xf32, #tpu.memory_space<vmem>>, vector<1x1000x1xf32>
    %get3A_13 = vector.shape_cast %get3A_12 : vector<1x1000x1xf32> to vector<1000x1xf32>
    %get3A_14 = arith.constant 1 : index
    %get3A_15 = arith.constant 0 : index
    %get3A_16 = arith.constant 0 : index
    %get3A_17 = vector.load %arg2[%get3A_14, %get3A_15, %get3A_16] : memref<2x1000x16xf32, #tpu.memory_space<vmem>>, vector<1x1000x1xf32>
    %get3A_18 = vector.shape_cast %get3A_17 : vector<1x1000x1xf32> to vector<1000x1xf32>
    %add3A_19 = arith.addf %get3A_13, %get3A_18 : vector<1000x1xf32>
    %max3A = arith.constant 1.000000e+00 : f32
    %max3A_20 = vector.broadcast %max3A : f32 to vector<1000x1xf32>
    %max3A_21 = arith.maximumf %add3A_19, %max3A_20 : vector<1000x1xf32>
    %div3A = arith.constant 1.000000e+00 : f32
    %div3A_22 = vector.broadcast %div3A : f32 to vector<1000x1xf32>
    %div3A_23 = arith.divf %div3A_22, %max3A_21 : vector<1000x1xf32>
    %mul3A = vector.broadcast %div3A_23 : vector<1000x1xf32> to vector<1000x128xf32>
    %mul3A_24 = arith.mulf %add3A, %mul3A : vector<1000x128xf32>
    %get3A_25 = arith.constant 0 : index
    %get3A_26 = arith.constant 0 : index
    %get3A_27 = vector.load %arg3[%get3A_25, %get3A_26] : memref<1x128xf32, #tpu.memory_space<vmem>>, vector<1x128xf32>
    %add3A_28 = vector.broadcast %get3A_27 : vector<1x128xf32> to vector<1000x128xf32>
    %add3A_29 = arith.addf %mul3A_24, %add3A_28 : vector<1000x128xf32>
    %swap3A = arith.constant 0 : index
    %swap3A_30 = arith.constant 0 : index
    %swap3A_31 = vector.load %arg4[%swap3A, %swap3A_30] : memref<1000x128xf32, #tpu.memory_space<vmem>>, vector<1000x128xf32>
    tpu.vector_store %arg4[%swap3A, %swap3A_30], %add3A_29 {strides = array<i32>} : memref<1000x128xf32, #tpu.memory_space<vmem>>, vector<1000x128xf32>,
    return
  }
  func.func @transform_0(%arg0: i32) -> (i32, i32, i32) {
    %c0_i32 = arith.constant 0 : i32
    %c0_i32_0 = arith.constant 0 : i32
    %c0_i32_1 = arith.constant 0 : i32
    return %c0_i32, %arg0, %c0_i32_0 : i32, i32, i32
  }
  func.func @transform_1(%arg0: i32) -> (i32, i32, i32) {
    %c0_i32 = arith.constant 0 : i32
    %c0_i32_0 = arith.constant 0 : i32
    %c0_i32_1 = arith.constant 0 : i32
    return %c0_i32, %arg0, %c0_i32_0 : i32, i32, i32
  }
  func.func @transform_2(%arg0: i32) -> (i32, i32) {
    %c0_i32 = arith.constant 0 : i32
    %c0_i32_0 = arith.constant 0 : i32
    %c0_i32_1 = arith.constant 0 : i32
    return %c0_i32, %c0_i32_0 : i32, i32
  }
  func.func @transform_3(%arg0: i32) -> (i32, i32) {
    %c0_i32 = arith.constant 0 : i32
    %c0_i32_0 = arith.constant 0 : i32
    return %arg0, %c0_i32 : i32, i32
  }
}

</mosaic_0001>

<sc_bundles>
// kernel: kernel.11.cloned.1.call-start
scs
__scs_entry_jumppad:
0x0: {  	(pc) =	sbr.rel $0x88, $3  }
0x1: {  	(tag) =	ssettag $0x0;
	lr =	simm.s32 $0x1  }
0x2: {  	[smem:$0x3F9B] =	sst lr;
	_ =	strace $0xD0000000  }
0x3: {  	_ = 	snop  }
0x4: {  	_ = 	snop  }
0x5: {  	_ = 	snop  }
0x6: {  	_ = 	snop  }
0x7: {  	_ = 	snop  }
__scs_overlays_trampoline_lowered:
0x8: {  	[smem:$0x3FAA] =	sst s0  }
0x9: {  	[smem:$0x3FAB] =	sst s1  }
0xa: {  	[smem:$0x3FAC] =	sst s2  }
0xb: {  	[smem:$0x3FAD] =	sst s3  }
0xc: {  	[smem:$0x3FAE] =	sst s4  }
0xd: {  	[smem:$0x3FAF] =	sst s5  }
0xe: {  	[smem:$0x3FB0] =	sst s6  }
0xf: {  	[smem:$0x3FB1] =	sst s7  }
0x10: {  	[smem:$0x3FB2] =	sst s8  }
0x11: {  	[smem:$0x3FB3] =	sst s9;
	s0 =	simm.s32 @!p0 $0x0  }
0x12: {  	s1 =	sld [smem:$0x3F99];
	s0 =	simm.s32 @p0 $0x1  }
0x13: {  	[smem:$0x3FB4] =	sst s0;
	s0 =	simm.s32 @!p1 $0x0  }
0x14: {  	s2 =	sld [smem:$0x3F98];
	s0 =	simm.s32 @p1 $0x1  }
0x15: {  	[smem:$0x3FB5] =	sst s0;
	s0 =	simm.s32 @!p2 $0x0  }
0x16: {  	s3 =	sld [smem:$0x3FDB];
	s0 =	simm.s32 @p2 $0x1  }
0x17: {  	s4 =	simm.s32 $0x1BF5;
	[smem:$0x3FB7] =	sst s0  }
0x18: {  	s0 =	sld [smem:$0x3F9A];
	_ =	swait.ge [sflag:s4], $0x0  }
0x19: {  	s7 =	sld [smem:$0x3F9B]  }
0x1a: {  	s8 =	sadd.s32 $0xFFFFE003, lr  }
0x1b: {  	s9 =	sadd.s32 $0xFFFFFEF7, lr;
	s5 =	simm.s32 $0xFFFFFFFF;
	p2 =	slt.u32 s8, $0xFFFFF086  }
0x1c: {  	p1 =	slt.u32 s9, $0xF7A;
	s5 =	simm.s32 @!p2 $0x0  }
0x1d: {  	s5 =	simm.s32 @p1 $0x1;
	p0 =	seq.s32 s7, s2  }
0x1e: {  	s7 =	smul.u32 @!p0 $0xF7A, s2;
	p2 =	seq.s32 @!p0 s5, $0x0  }
0x1f: {  	s9 =	smul.u32 $0xF7A, s1;
	s8 =	simm.s32 @!p0 $0x1BF5;
	p2 =	por !p2, p0  }
0x20: {  	[sflag:s8] =	ssyncset.s32 @!p0 $0xFFFFF086;
	s6 =	sadd.s32 @!p0 s3, s7;
	s7 =	simm.s32 @!p0 $0x108  }
0x21: {  	s3 =	sadd.s32 s3, s9;
	s6 =	sadd.s32 @!p0 $0x88, s6;
	s7 =	simm.s32 @p2 $0x1082  }
0x22: {  	[simem:s7], [sflag:s8] =	dma.local @!p0 [hbm:s6], $0xF7A  }
0x23: {  	s9 =	sor.u32 $0xD0000000, s2;
	s6 =	simm.s32 $0x108;
	_ =	swait.ge @!p0 [sflag:s8], $0x0  }
0x24: {  	s3 =	sadd.s32 $0x88, s3;
	s6 =	simm.s32 @!p1 $0x1082;
	[sflag:s4] =	ssyncset.s32 $0xFFFFF086  }
0x25: {  	[simem:s6], [sflag:s4] =	dma.local [hbm:s3], $0xF7A  }
0x26: {  	[smem:$0x3F9B] =	sst s1;
	(tag) =	ssettag s2;
	_ =	strace s9  }
0x27: {  	s1 =	sld [smem:$0x3FAB]  }
0x28: {  	s2 =	sld [smem:$0x3FAC]  }
0x29: {  	s4 =	sld [smem:$0x3FAE]  }
0x2a: {  	p0 =	seq.s32 s5, $0x0;
	s5 =	sld [smem:$0x3FAF]  }
0x2b: {  	s6 =	sld [smem:$0x3FB0]  }
0x2c: {  	s7 =	sld [smem:$0x3FB1]  }
0x2d: {  	s3 =	simm.s32 $0x108;
	s8 =	sld [smem:$0x3FB2]  }
0x2e: {  	s3 =	simm.s32 @!p0 $0x1082;
	s9 =	sld [smem:$0x3FB3]  }
0x2f: {  	lr =	sadd.s32 s0, s3;
	s0 =	sld [smem:$0x3FAA]  }
0x30: {  	s3 =	sld [smem:$0x3FAD]  }
0x31: {  	[smem:$0x3FB6] =	sst s10  }
0x32: {  	s10 =	sld [smem:$0x3FB4];
	_ =	sdelay $0x3  }
0x33: {  	p0 =	seq.s32 s10, $0x1;
	s10 =	sld [smem:$0x3FB6];
	_ =	sdelay $0x3  }
0x34: {  	[smem:$0x3FB6] =	sst s10  }
0x35: {  	s10 =	sld [smem:$0x3FB5];
	_ =	sdelay $0x3  }
0x36: {  	p1 =	seq.s32 s10, $0x1;
	s10 =	sld [smem:$0x3FB6];
	_ =	sdelay $0x3  }
0x37: {  	[smem:$0x3FB6] =	sst s10  }
0x38: {  	s10 =	sld [smem:$0x3FB7]  }
0x39: {  	_ = 	snop;
	(pc) =	sbr.ind lr, $3  }
0x3a: {  	_ = 	snop  }
0x3b: {  	_ = 	snop  }
0x3c: {  	p2 =	seq.s32 s10, $0x1;
	s10 =	sld [smem:$0x3FB6]  }
0x3d: {  	_ =	shalt  }
0x3e: {  	_ =	shalt  }
0x3f: {  	_ =	shalt  }
0x40: {  	_ =	shalt  }
0x41: {  	_ =	shalt  }
0x42: {  	_ =	shalt  }
0x43: {  	_ =	shalt  }
0x44: {  	_ =	shalt  }
0x45: {  	_ =	shalt  }
0x46: {  	_ =	shalt  }
0x47: {  	_ =	shalt  }
0x48: {  	_ =	shalt  }
0x49: {  	_ =	shalt  }
0x4a: {  	_ =	shalt  }
0x4b: {  	_ =	shalt  }
0x4c: {  	_ =	shalt  }
0x4d: {  	_ =	shalt  }
0x4e: {  	_ =	shalt  }
0x4f: {  	_ =	shalt  }
0x50: {  	_ =	shalt  }
0x51: {  	_ =	shalt  }
0x52: {  	_ =	shalt  }
0x53: {  	_ =	shalt  }
0x54: {  	_ =	shalt  }
0x55: {  	_ =	shalt  }
0x56: {  	_ =	shalt  }
0x57: {  	_ =	shalt  }
0x58: {  	_ =	shalt  }
0x59: {  	_ =	shalt  }
0x5a: {  	_ =	shalt  }
0x5b: {  	_ =	shalt  }
0x5c: {  	_ =	shalt  }
0x5d: {  	_ =	shalt  }
0x5e: {  	_ =	shalt  }
0x5f: {  	_ =	shalt  }
0x60: {  	_ =	shalt  }
0x61: {  	_ =	shalt  }
0x62: {  	_ =	shalt  }
0x63: {  	_ =	shalt  }
0x64: {  	_ =	shalt  }
0x65: {  	_ =	shalt  }
0x66: {  	_ =	shalt  }
0x67: {  	_ =	shalt  }
0x68: {  	_ =	shalt  }
0x69: {  	_ =	shalt  }
0x6a: {  	_ =	shalt  }
0x6b: {  	_ =	shalt  }
0x6c: {  	_ =	shalt  }
0x6d: {  	_ =	shalt  }
0x6e: {  	_ =	shalt  }
0x6f: {  	_ =	shalt  }
0x70: {  	_ =	shalt  }
0x71: {  	_ =	shalt  }
0x72: {  	_ =	shalt  }
0x73: {  	_ =	shalt  }
0x74: {  	_ =	shalt  }
0x75: {  	_ =	shalt  }
0x76: {  	_ =	shalt  }
0x77: {  	_ =	shalt  }
0x78: {  	_ =	shalt  }
0x79: {  	_ =	shalt  }
0x7a: {  	_ =	shalt  }
0x7b: {  	_ =	shalt  }
0x7c: {  	_ =	shalt  }
0x7d: {  	_ =	shalt  }
0x7e: {  	_ =	shalt  }
0x7f: {  	_ =	shalt  }
0x80: {  	_ =	shalt  }
0x81: {  	_ =	shalt  }
0x82: {  	_ =	shalt  }
0x83: {  	_ =	shalt  }
0x84: {  	_ =	shalt  }
0x85: {  	_ =	shalt  }
0x86: {  	_ =	shalt  }
0x87: {  	_ =	shalt  }
.Lfunc_end0:
.L_simem_size_0:
called_computation.1_lowered:
.L_overlay_start_0:
0x88: {  	s2 =	sld [smem:$0x3FD9]  }
0x89: {  	s3 =	sld [smem:$0x3FFE];
	_ =	sdelay $0x1  }
0x8a: {  	s1 =	srdreg.scid  }
0x8b: {  	s0 =	sand.u32 $0x1, s1  }
0x8c: {  	s17 =	sshll.u32 s0, $0xA;
	s2 =	sadd.s32 s3, s2  }
0x8d: {  	s2 =	sadd.s32 s2, s17  }
0x8e: {  	[smem:$0x3FC2] =	sst s2  }
0x8f: {  	_ = 	snop  }
0x90: {  	s18 =	sld [smem:$0x3FD0];
	(tm) =	ssettm $0x1  }
0x91: {  	s19 =	sld [smem:$0x3FFB];
	_ =	sdelay $0x3  }
0x92: {  	_ =	strace s19  }
0x93: {  	s2 =	sld [smem:$0x3FFC];
	_ =	sdelay $0x3  }
0x94: {  	_ =	strace s2  }
0x95: {  	s2 =	sld [smem:$0x3FFD];
	_ =	sdelay $0x3  }
0x96: {  	_ =	strace s2  }
0x97: {  	_ =	strace $0x8FFFFFFF  }
0x98: {  	s20 =	sld [smem:$0x3FDB];
	_ =	sdelay $0x1  }
0x99: {  	s4 =	simm.s32 $_scs_section_size  }
0x9a: {  	s5 =	simm.s32 $_size__tile_overlayer_lowered;
	s6 =	simm.s32 $_tile_overlayer_lowered  }
0x9b: {  	s7 =	simm.s32 $0x1BFF;
	s21 =	sshll.u32 s6, $0x1;
	s4 =	sadd.s32 s4, s20  }
0x9c: {  	s22 =	simm.s32 $0x0;
	s5 =	sshll.u32 s5, $0x1;
	s6 =	sadd.s32 s21, s4  }
0x9d: {  	[timem:s22], [sflag:s7] =	dma.local [hbm:s6], s5  }
0x9e: {  	_ =	swait.ge [sflag:s7], s5  }
0x9f: {  	s5 =	ssub.s32 $0x0, s5;
	[sflag:s7] =	ssyncset.done $0x0  }
0xa0: {  	[sflag:s7] =	ssyncadd.s32 s5;
	_ =	sdelay $0x1  }
0xa1: {  	s23 =	simm.s32 $0x1B8B  }
0xa2: {  	_ =	swait.ge [sflag:s23], $0x1  }
0xa3: {  	[sflag:s23] =	ssyncset.done $0x0  }
0xa4: {  	[sflag:s23] =	ssyncadd.s32 $0xFFFFFFFF  }
0xa5: {  	s5 =	sld [smem:$0x0]  }
0xa6: {  	s6 =	sand.u32 $0xFFFFFFFE, s1  }
0xa7: {  	p0 =	sne.s32 s1, s6  }
0xa8: {  	s6 =	sshll.u32 @p0 s6, $0xE  }
0xa9: {  	s6 =	sadd.s32 @p0 $0x11B8D, s6;
	s7 =	sshll.u32 @p0 s5, $0x11  }
0xaa: {  	s6 =	sor.u32 @p0 s7, s6  }
0xab: {  	[sflag:s6] =	ssyncadd.remote.s32 @p0 $0x1;
	_ =	sdelay $0x1  }
0xac: {  	s6 =	simm.s32 @p0 $0x1B8D  }
0xad: {  	_ =	swait.eq @p0 [sflag:s6], $0x1  }
0xae: {  	[sflag:s6] =	ssyncadd.s32 @p0 $0xFFFFFFFF  }
0xaf: {  	s7 =	sshll.u32 @!p0 s1, $0xE  }
0xb0: {  	s7 =	sor.u32 @!p0 $0x4000, s7;
	s6 =	simm.s32 @!p0 $0x1B8D  }
0xb1: {  	s5 =	sshll.u32 @!p0 s5, $0x11;
	s7 =	sadd.s32 @!p0 $0x11B8D, s7;
	_ =	swait.eq @!p0 [sflag:s6], $0x1  }
0xb2: {  	s5 =	sor.u32 @!p0 s5, s7;
	[sflag:s6] =	ssyncadd.s32 @!p0 $0xFFFFFFFF  }
0xb3: {  	s25 =	simm.s32 $0x1B8E;
	s24 =	sld [smem:$0x3FFE];
	[sflag:s5] =	ssyncadd.remote.s32 @!p0 $0x1  }
0xb4: {  	s26 =	simm.s32 $execute0_lowered;
	[smem:$0x3FD2] =	sst s25  }
0xb5: {  	s6 =	sshll.u32 s26, $0x1;
	_ =	strace $0x80000049;
	[dreg:$0x1] =	wrdreg $0xFFFFFFFF  }
0xb6: {  	s28 =	simm.s32 $_size_execute0_lowered;
	s4 =	sadd.s32 s4, s6;
	[dreg:$0x0] =	wrdreg $0x0  }
0xb7: {  	s6 =	sshll.u32 s28, $0x1;
	[dreg:$0x2] =	wrdreg s4  }
0xb8: {  	[dreg:$0x3] =	wrdreg s6  }
0xb9: {  	[dreg:$0x4] =	wrdreg $0xC0  }
0xba: {  	_ =	task [dreg:s22], $0x5FFFF  }
0xbb: {  	[dreg:$0x1] =	wrdreg $0xFFFFFFFF  }
0xbc: {  	[dreg:$0x0] =	wrdreg $0x60  }
0xbd: {  	[dreg:$0x2] =	wrdreg s18  }
0xbe: {  	[dreg:$0x3] =	wrdreg s24  }
0xbf: {  	[dreg:$0x4] =	wrdreg $0x0  }
0xc0: {  	[dreg:$0x5] =	wrdreg $0xA  }
0xc1: {  	_ =	task.clear_ibuf [dreg:s22], $0x6FFFF;
	_ =	strace $0x90000049  }
0xc2: {  	s29 =	simm.s32 $0xA;
	_ =	strace $0x8000004B  }
0xc3: {  	_ =	swait.ge [sflag:s29], $0x1  }
0xc4: {  	[sflag:s29] =	ssyncadd.s32 $0xFFFFFFFF  }
0xc5: {  	_ =	strace $0x9000004B  }
0xc6: {  	_ =	sfence  }
0xc7: {  	s30 =	sld [smem:$0x0];
	_ =	sdelay $0x2  }
0xc8: {  	s31 =	sshll.u32 s1, $0xD;
	s1 =	sshrl.u32 s1, $0x2  }
0xc9: {  	s4 =	sand.u32 $0x4000, s31;
	s1 =	sadd.s32 s1, s30  }
0xca: {  	s0 =	sor.u32 s4, s0;
	s1 =	sshll.u32 s1, $0x11  }
0xcb: {  	s0 =	sor.u32 s1, s0  }
0xcc: {  	s0 =	sadd.s32 $0x8F2B, s0  }
0xcd: {  	[sflag:s0] =	ssyncadd.remote.s32 $0x1  }
0xce: {  	_ =	sfence.sel $0xFFFF  }
0xcf: {  	[dreg:$0x0] =	wrdreg $0xFFFFFFFF;
	(pc) =	sbr.abs _section_cstart, $3  }
0xd0: {  	[dreg:$0x1] =	wrdreg $0xFFFFFFFF  }
0xd1: {  	_ =	task.clear_ibuf [dreg:s22], $0x2FFFF;
	_ =	strace $0x9FFFFFFF  }
0xd2: {  	(tm) =	ssettm $0x7FFFFFFF  }
0xd3: {  	_ =	shalt  }
tec
execute0_lowered:
.L_overlay_start_1:
0x0: {  	(tag) =	ssettag $0x1  }
0x1: {  	s1 =	rddreg [dreg:$0x0];
	s0 =	srdreg.scid  }
0x2: {  	s2 =	rddreg [dreg:$0x1];
	s10 =	stileid.u32  }
0x3: {  	s3 =	rddreg [dreg:$0x2];
	s4 =	simm.s32 $0x0;
	s6 =	smul.u32 $0x14000, s10  }
0x4: {  	s28 =	simm.s32 $0x3;
	s29 =	simm.s32 $0x80;
	s18 =	smul.u32 $0x50000, s10  }
0x5: {  	s30 =	simm.s32 $0x4;
	s0 =	sand.u32 $0x1, s0;
	s25 =	smul.u32 $0x4F00, s10  }
0x6: {  	[smem:$0x7FF] =	sst s4;
	s7 =	sadd.s32 $0x2A00, s2;
	s5 =	smul.u32 $0x140000, s0  }
0x7: {  	_ =	strace $0x8000004A;
	s19 =	sshll.u32 s0, $0x4;
	s8 =	ssub.s32 $0x2, s0  }
0x8: {  	s0 =	smul.u32 $0x4F000, s0;
	s9 =	sor.u32 s10, s19;
	s20 =	sshrl.u32 s18, $0x2  }
0x9: {  	s21 =	sshrl.u32 s8, $0x1;
	s19 =	simm.s32 $0x14000;
	s5 =	sadd.s32 s6, s5  }
0xa: {  	s9 =	smul.u32 $0x4F00, s9;
	s6 =	ssub.s32 s8, s21;
	s0 =	sadd.s32 s25, s0  }
0xb: {  	s21 =	simm.s32 $0x1C000;
	s5 =	sshrl.u32 s5, $0x3;
	s0 =	sadd.s32 $0x600, s0  }
0xc: {  	s17 =	smax.u32 s6, $0x1;
	s2 =	sadd.s32 s5, s2;
	s5 =	sadd.s32 s20, s3  }
0xd: {  	s24 =	sshrl.u32 s9, $0x3;
	s0 =	sshrl.u32 s0, $0x3;
	s22 =	sadd.s32 $0x4000, s5  }
0xe: {  	s20 =	simm.s32 $0x9;
	s23 =	sadd.s32 $0x8000, s5;
	[dreg:$0x4] =	wrdreg s22  }
0xf: {  	s26 =	sadd.s32 $0xC000, s5;
	s31 =	sadd.s32 $0x10000, s5;
	[dreg:$0x5] =	wrdreg s23  }
0x10: {  	s10 =	sadd.s32 s7, s24;
	s16 =	sadd.s32 $0x20600, s2;
	[dreg:$0x6] =	wrdreg s26  }
0x11: {  	s25 =	sadd.s32 s0, s7;
	s2 =	simm.s32 $0x0;
	[dreg:$0x7] =	wrdreg s31  }
0x12: {  	s11 =	sadd.s32 $0x20, s10;
	s12 =	sadd.s32 $0x40, s10;
	s13 =	sadd.s32 $0x60, s10  }
0x13: {  	v0 =	vimm.f32 $0.0e+00;
	s14 =	sadd.s32 $0x80, s10;
	s15 =	sadd.s32 $0xA0, s10;
	s22 =	simm.s32 $0x1C100  }
.LBB2_1:
0x14: {  	s0 =	sand.u32 $0xFE00, s4  }
0x15: {  	s6 =	sand.u32 $0x70, s4;
	s7 =	sshrl.u32 s0, $0x2  }
0x16: {  	s0 =	simm.s32 $0x40;
	s7 =	sor.u32 s6, s7;
	s6 =	simm.s32 $0x0  }
.LBB2_2:
0x17: {  	p0 =	sne.s32 s0, $0xFFC0  }
0x18: {  	[tilespmem:s7+$0x14000] =	vst v0;
	s6 =	sadd.s32 $0x10, s6;
	s7 =	smov.u32 s0;
	s0 =	sadd.s32 $0x40, s0  }
.Ltmp0:
0x19: {  	(pc) =	sbr.rel @p0 .LBB2_2-.Ltmp0, $4  }
0x1a: {  	_ = 	snop  }
0x1b: {  	s7 =	sand.u32 $0xFE00, s7  }
0x1c: {  	s8 =	sand.u32 $0x70, s6;
	s7 =	sshrl.u32 s7, $0x2  }
0x1d: {  	s7 =	sor.u32 s8, s7  }
0x1e: {  	[tilespmem:s7+$0x14000] =	vst v0  }
0x1f: {  	[spmem:s5] =	stream.linear.scatter [tilespmem:s19], [sflag:$0x9], $0x4000, $0x38;
	[tilespmem:$0x1C600] =	vst v63  }
0x20: {  	_ =	swait.ge [sflag:s20], $0x4000  }
0x21: {  	[sflag:s20] =	ssyncset.done $0x0  }
0x22: {  	s0 =	rddreg [dreg:$0x4];
	[sflag:s20] =	ssyncadd.s32 $0xFFFFC000  }
0x23: {  	[spmem:s0] =	stream.linear.scatter [tilespmem:s19], [sflag:$0x9], $0x4000, $0x38;
	[tilespmem:$0x1C600] =	vst v63  }
0x24: {  	_ =	swait.ge [sflag:s20], $0x4000  }
0x25: {  	[sflag:s20] =	ssyncset.done $0x0  }
0x26: {  	s26 =	rddreg [dreg:$0x5];
	[sflag:s20] =	ssyncadd.s32 $0xFFFFC000  }
0x27: {  	[spmem:s26] =	stream.linear.scatter [tilespmem:s19], [sflag:$0x9], $0x4000, $0x38;
	[tilespmem:$0x1C600] =	vst v63  }
0x28: {  	_ =	swait.ge [sflag:s20], $0x4000  }
0x29: {  	[sflag:s20] =	ssyncset.done $0x0  }
0x2a: {  	s6 =	rddreg [dreg:$0x6];
	[sflag:s20] =	ssyncadd.s32 $0xFFFFC000  }
0x2b: {  	[spmem:s6] =	stream.linear.scatter [tilespmem:s19], [sflag:$0x9], $0x4000, $0x38;
	[tilespmem:$0x1C600] =	vst v63  }
0x2c: {  	_ =	swait.ge [sflag:s20], $0x4000  }
0x2d: {  	[sflag:s20] =	ssyncset.done $0x0  }
0x2e: {  	s7 =	rddreg [dreg:$0x7];
	[sflag:s20] =	ssyncadd.s32 $0xFFFFC000  }
0x2f: {  	[spmem:s7] =	stream.linear.scatter [tilespmem:s19], [sflag:$0x9], $0x4000, $0x38;
	[tilespmem:$0x1C600] =	vst v63  }
0x30: {  	_ =	swait.ge [sflag:s20], $0x4000  }
0x31: {  	[sflag:s20] =	ssyncset.done $0x0  }
0x32: {  	[sflag:s20] =	ssyncadd.s32 $0xFFFFC000  }
0x33: {  	s6 =	simm.s32 $0x0;
	[bflag:$0x0] =	sbarrier.arrive $0xFFFF  }
0x34: {  	[tilespmem:s21], [sflag:$0x3] =	stream.linear.gather [hbm4b:s10+s4], $0x100, $0x38;
	[tilespmem:$0x1C600] =	vst v63  }
0x35: {  	s8 =	simm.s32 $0x1C200;
	s9 =	simm.s32 $0x1C300;
	s26 =	smul.u32 $0xAB, s6  }
0x36: {  	[tilespmem:s22], [sflag:$0x4] =	stream.linear.gather [hbm4b:s11+s4], $0x100, $0x38;
	[tilespmem:$0x1C600] =	vst v63  }
0x37: {  	s18 =	simm.s32 $0x1C400;
	s23 =	simm.s32 $0x1C500;
	s7 =	sshrl.u32 s26, $0xA  }
0x38: {  	[tilespmem:s8], [sflag:$0x5] =	stream.linear.gather [hbm4b:s12+s4], $0x100, $0x38;
	[tilespmem:$0x1C600] =	vst v63  }
0x39: {  	s24 =	simm.s32 $0x18000;
	p0 =	por $0x0, $0x0;
	s7 =	smul.u32 $0x6, s7  }
0x3a: {  	[tilespmem:s9], [sflag:$0x6] =	stream.linear.gather [hbm4b:s13+s4], $0x100, $0x38;
	[tilespmem:$0x1C600] =	vst v63  }
0x3b: {  	p1 =	por @!p0 $0x0, $0x0;
	s31 =	simm.s32 @!p0 $0x80;
	s7 =	ssub.s32 $0x0, s7  }
0x3c: {  	[tilespmem:s18], [sflag:$0x7] =	stream.linear.gather [hbm4b:s14+s4], $0x100, $0x38;
	[tilespmem:$0x1C600] =	vst v63  }
0x3d: {  	p1 =	por p1, p0;
	s0 =	simm.s32 $0x7;
	s7 =	sand.u32 $0x3F, s7  }
0x3e: {  	[tilespmem:s23], [sflag:$0x8] =	stream.linear.gather [hbm4b:s15+s4], $0x100, $0x38;
	[tilespmem:$0x1C600] =	vst v63  }
0x3f: {  	s6 =	sand.u32 $0x1, s6;
	s7 =	sshll.u32 s7, $0x8;
	_ =	swait.ge [sflag:s28], $0x100  }
0x40: {  	s7 =	sor.u32 $0x1C080, s7;
	s8 =	simm.s32 $0x6;
	[sflag:s28] =	ssyncset.done $0x0  }
0x41: {  	s8 =	smul.u32 @!p1 $0xAB, s8;
	s9 =	simm.s32 @!p0 $0x2;
	[sflag:s28] =	ssyncadd.s32 $0xFFFFFF00  }
0x42: {  	[tilespmem:s19], [sflag:$0x1] =	stream.indirect.gather [hbm4b:s1+s29], $0x80, s21, s29, $0xb8;
	[tilespmem:$0x1C600] =	vst v63  }
0x43: {  	s9 =	sand.u32 @!p0 $0xFF, s9;
	s8 =	sshrl.u32 @!p1 s8, $0xA;
	_ =	swait.ge [sflag:s30], $0x100  }
0x44: {  	s9 =	smul.u32 @!p0 $0xAB, s9;
	s8 =	sand.u32 @!p1 $0x3F, s8;
	[sflag:s30] =	ssyncset.done $0x0  }
0x45: {  	s18 =	smov.u32 s25;
	s23 =	sadd.s32 $0x1, s6;
	[sflag:s30] =	ssyncadd.s32 $0xFFFFFF00  }
0x46: {  	[tilespmem:s24], [sflag:$0x2] =	stream.indirect.gather [hbm4b:s1+s29], $0x80, s22, s29, $0xb8;
	[tilespmem:$0x1C600] =	vst v63  }
0x47: {  	s8 =	smul.u32 @!p1 $0x6, s8;
	s9 =	sshrl.u32 @!p0 s9, $0xA;
	_ =	swait.ge [sflag:s23], $0x4000  }
0x48: {  	s6 =	sshll.u32 s6, $0xE;
	s9 =	smul.u32 @!p0 $0x6, s9;
	[sflag:s23] =	ssyncset.done $0x0  }
0x49: {  	s26 =	sadd.s32 $0x14000, s6;
	s8 =	ssub.s32 @!p1 $0x6, s8;
	[sflag:s23] =	ssyncadd.s32 $0xFFFFC000  }
0x4a: {  	[spmem:s3] =	stream.indirect.scatter.add.f32 [tilespmem:s26], [sflag:$0x9], $0x80, s7, s29, $0xb8;
	[tilespmem:$0x1C600] =	vst v63  }
0x4b: {  	s6 =	ssub.s32 @!p0 $0x2, s9;
	s9 =	sand.u32 @!p1 $0xFF, s8;
	_ =	swait.ge [sflag:s20], $0x4000  }
0x4c: {  	s6 =	sand.u32 @!p0 $0xFF, s6;
	s8 =	sshll.u32 @!p1 s9, $0x8;
	[sflag:s20] =	ssyncset.done $0x0  }
0x4d: {  	s7 =	sshll.u32 @!p0 s6, $0x8;
	s6 =	sadd.s32 @!p0 $0x3, s6;
	[sflag:s20] =	ssyncadd.s32 $0xFFFFC000  }
0x4e: {  	s9 =	sadd.s32 @!p1 $0x3, s9;
	s8 =	sor.u32 @!p1 $0x1C000, s8;
	_ =	swait.ge @!p0 [sflag:s6], $0x100  }
0x4f: {  	s24 =	smov.u32 s25;
	s7 =	sor.u32 @!p0 $0x1C000, s7;
	[sflag:s6] =	ssyncset.done @!p0 $0x0  }
.LBB2_4:
0x50: {  	[sflag:s6] =	ssyncadd.s32 @!p0 $0xFFFFFF00  }
0x51: {  	s18 =	sadd.s32 $0x20, s18;
	s6 =	smov.u32 s0;
	s0 =	sadd.s32 $0x1, s0  }
0x52: {  	[tilespmem:s26], [sflag:s23] =	stream.indirect.gather @!p0 [hbm4b:s1+s31], $0x80, s7, s31, $0xb8;
	[tilespmem:$0x1C600] =	vst v63  }
0x53: {  	s7 =	sadd.s32 $0xFFFFFFFA, s6;
	p2 =	sne.s32 s0, $0x55;
	s23 =	simm.s32 @!p1 $0x0  }
0x54: {  	s26 =	smul.u32 $0xAB, s7  }
0x55: {  	[tilespmem:s8], [sflag:s9] =	stream.linear.gather @!p1 [hbm4b:s24+s23], $0x100, $0x38;
	[tilespmem:$0x1C600] =	vst v63  }
0x56: {  	p0 =	sgt.u32 s7, $0x4C;
	s8 =	sshrl.u32 s26, $0xA  }
0x57: {  	s24 =	smov.u32 s18;
	s9 =	sadd.s32 @!p0 $0x2, s7;
	s8 =	smul.u32 $0x6, s8  }
0x58: {  	p1 =	sgt.u32 @!p0 s7, $0x48;
	s26 =	sand.u32 $0x1, s7;
	s31 =	sand.u32 @!p0 $0xFF, s9  }
0x59: {  	p1 =	por p1, p0;
	s7 =	ssub.s32 s7, s8;
	s8 =	smul.u32 @!p0 $0xAB, s31  }
0x5a: {  	s23 =	sadd.s32 $0x1, s26;
	s31 =	smul.u32 @!p1 $0xAB, s6;
	s7 =	sand.u32 $0x3F, s7  }
0x5b: {  	_ =	swait.ge [sflag:s23], $0x4000;
	s7 =	sshll.u32 s7, $0x8;
	s8 =	sshrl.u32 @!p0 s8, $0xA  }
0x5c: {  	s31 =	sshrl.u32 @!p1 s31, $0xA;
	[sflag:s23] =	ssyncset.done $0x0;
	s8 =	smul.u32 @!p0 $0x6, s8  }
0x5d: {  	s26 =	sshll.u32 s26, $0xE;
	s7 =	sor.u32 $0x1C080, s7;
	s31 =	sand.u32 @!p1 $0x3F, s31  }
0x5e: {  	[sflag:s23] =	ssyncadd.s32 $0xFFFFC000;
	s8 =	ssub.s32 @!p0 s9, s8;
	s9 =	smul.u32 @!p1 $0x6, s31  }
0x5f: {  	s26 =	sadd.s32 $0x14000, s26  }
0x60: {  	s31 =	simm.s32 @!p0 $0x80;
	s8 =	sand.u32 @!p0 $0xFF, s8;
	s9 =	ssub.s32 @!p1 s6, s9  }
0x61: {  	[spmem:s3] =	stream.indirect.scatter.add.f32 [tilespmem:s26], [sflag:$0x9], $0x80, s7, s29, $0xb8;
	[tilespmem:$0x1C600] =	vst v63  }
.Ltmp1:
0x62: {  	s7 =	sshll.u32 @!p0 s8, $0x8;
	_ =	swait.ge [sflag:s20], $0x4000;
	(pc) =	sbr.rel @p2 .LBB2_4-.Ltmp1, $4  }
0x63: {  	s6 =	sadd.s32 @!p0 $0x3, s8;
	s9 =	sand.u32 @!p1 $0xFF, s9;
	[sflag:s20] =	ssyncset.done $0x0  }
0x64: {  	s7 =	sor.u32 @!p0 $0x1C000, s7;
	s8 =	sshll.u32 @!p1 s9, $0x8;
	[sflag:s20] =	ssyncadd.s32 $0xFFFFC000  }
0x65: {  	_ =	swait.ge @!p0 [sflag:s6], $0x100  }
0x66: {  	s9 =	sadd.s32 @!p1 $0x3, s9;
	s8 =	sor.u32 @!p1 $0x1C000, s8;
	[sflag:s6] =	ssyncset.done @!p0 $0x0  }
0x67: {  	[sflag:s6] =	ssyncadd.s32 @!p0 $0xFFFFFF00  }
0x68: {  	[tilespmem:s26], [sflag:s23] =	stream.indirect.gather @!p0 [hbm4b:s1+s31], $0x80, s7, s31, $0xb8;
	[tilespmem:$0x1C600] =	vst v63  }
0x69: {  	s0 =	simm.s32 @!p1 $0x0;
	s2 =	sadd.s32 $0x1, s2;
	s26 =	stileid.u32  }
0x6a: {  	[tilespmem:s8], [sflag:s9] =	stream.linear.gather @!p1 [hbm4b:s24+s0], $0x100, $0x38;
	[tilespmem:$0x1C600] =	vst v63  }
0x6b: {  	s31 =	sshrl.u32 s5, $0x3;
	p0 =	sne.s32 s2, s17;
	s0 =	sshll.u32 s26, $0x6  }
.Ltmp2:
0x6c: {  	[bflag:$0x0] =	sbarrier.arrive $0xFFFF;
	s0 =	sor.u32 $0x1C09, s0;
	(pc) =	sbr.rel @p0 .LBB2_1-.Ltmp2, $4  }
0x6d: {  	[hbm:s16], [sflag:s0] =	dma.local [spmem:s31], $0x2800  }
0x6e: {  	_ =	swait.ge [sflag:s20], $0x2800  }
0x6f: {  	[sflag:s20] =	ssyncset.done $0x0  }
0x70: {  	[sflag:s20] =	ssyncadd.s32 $0xFFFFD800  }
0x71: {  	_ =	sfence.sel $0x180000  }
0x72: {  	[bflag:$0x0] =	sbarrier.arrive $0xFFFF  }
0x73: {  	_ =	strace $0x9000004A  }
0x74: {  	s0 =	stileid.u32;
	[bflag:$0x2] =	sbarrier.arrive $0xFFFF  }
0x75: {  	p0 =	sne.s32 s0, $0x0;
	s0 =	rddreg [dreg:$0x3]  }
0x76: {  	s0 =	sadd.s32 @!p0 $0x100000, s0  }
0x77: {  	[sflag:s0] =	ssyncadd.tile.s32 @!p0 $0x1;
	_ =	shalt  }
.Lfunc_end2:
_tile_overlayer_lowered:
.L_overlay_start_2:
0x78: {  	(tag) =	ssettag $0x2  }
0x79: {  	s0 =	rddreg [dreg:$0x0];
	s2 =	stileid.u32  }
0x7a: {  	s1 =	rddreg [dreg:$0x1];
	p0 =	sne.s32 s2, $0x0  }
0x7b: {  	s3 =	rddreg [dreg:$0x2];
	[bflag:$0x3] =	sbarrier.arrive $0xFFFF;
	s2 =	simm.s32 @!p0 $0x1C09  }
0x7c: {  	[timem:s3], [sflag:s2] =	dma.local @!p0 [hbm:s0], s1  }
0x7d: {  	s0 =	simm.s32 @!p0 $0x9  }
0x7e: {  	_ =	swait.ge @!p0 [sflag:s0], s1  }
0x7f: {  	s1 =	ssub.s32 @!p0 $0x0, s1;
	[sflag:s0] =	ssyncset.done @!p0 $0x0  }
0x80: {  	[sflag:s0] =	ssyncadd.s32 @!p0 s1  }
0x81: {  	[bflag:$0x3] =	sbarrier.arrive $0xFFFF  }
0x82: {  	_ =	shalt  }

// kernel: kernel.14.cloned.1.call-start
scs
__scs_entry_jumppad:
0x0: {  	(pc) =	sbr.rel $0x88, $3  }
0x1: {  	(tag) =	ssettag $0x0;
	lr =	simm.s32 $0x1  }
0x2: {  	[smem:$0x3F9B] =	sst lr;
	_ =	strace $0xD0000000  }
0x3: {  	_ = 	snop  }
0x4: {  	_ = 	snop  }
0x5: {  	_ = 	snop  }
0x6: {  	_ = 	snop  }
0x7: {  	_ = 	snop  }
__scs_overlays_trampoline_lowered:
0x8: {  	[smem:$0x3FAA] =	sst s0  }
0x9: {  	[smem:$0x3FAB] =	sst s1  }
0xa: {  	[smem:$0x3FAC] =	sst s2  }
0xb: {  	[smem:$0x3FAD] =	sst s3  }
0xc: {  	[smem:$0x3FAE] =	sst s4  }
0xd: {  	[smem:$0x3FAF] =	sst s5  }
0xe: {  	[smem:$0x3FB0] =	sst s6  }
0xf: {  	[smem:$0x3FB1] =	sst s7  }
0x10: {  	[smem:$0x3FB2] =	sst s8  }
0x11: {  	[smem:$0x3FB3] =	sst s9;
	s0 =	simm.s32 @!p0 $0x0  }
0x12: {  	s1 =	sld [smem:$0x3F99];
	s0 =	simm.s32 @p0 $0x1  }
0x13: {  	[smem:$0x3FB4] =	sst s0;
	s0 =	simm.s32 @!p1 $0x0  }
0x14: {  	s2 =	sld [smem:$0x3F98];
	s0 =	simm.s32 @p1 $0x1  }
0x15: {  	[smem:$0x3FB5] =	sst s0;
	s0 =	simm.s32 @!p2 $0x0  }
0x16: {  	s3 =	sld [smem:$0x3FDB];
	s0 =	simm.s32 @p2 $0x1  }
0x17: {  	s4 =	simm.s32 $0x1BF5;
	[smem:$0x3FB7] =	sst s0  }
0x18: {  	s0 =	sld [smem:$0x3F9A];
	_ =	swait.ge [sflag:s4], $0x0  }
0x19: {  	s7 =	sld [smem:$0x3F9B]  }
0x1a: {  	s8 =	sadd.s32 $0xFFFFE003, lr  }
0x1b: {  	s9 =	sadd.s32 $0xFFFFFEF7, lr;
	s5 =	simm.s32 $0xFFFFFFFF;
	p2 =	slt.u32 s8, $0xFFFFF086  }
0x1c: {  	p1 =	slt.u32 s9, $0xF7A;
	s5 =	simm.s32 @!p2 $0x0  }
0x1d: {  	s5 =	simm.s32 @p1 $0x1;
	p0 =	seq.s32 s7, s2  }
0x1e: {  	s7 =	smul.u32 @!p0 $0xF7A, s2;
	p2 =	seq.s32 @!p0 s5, $0x0  }
0x1f: {  	s9 =	smul.u32 $0xF7A, s1;
	s8 =	simm.s32 @!p0 $0x1BF5;
	p2 =	por !p2, p0  }
0x20: {  	[sflag:s8] =	ssyncset.s32 @!p0 $0xFFFFF086;
	s6 =	sadd.s32 @!p0 s3, s7;
	s7 =	simm.s32 @!p0 $0x108  }
0x21: {  	s3 =	sadd.s32 s3, s9;
	s6 =	sadd.s32 @!p0 $0x88, s6;
	s7 =	simm.s32 @p2 $0x1082  }
0x22: {  	[simem:s7], [sflag:s8] =	dma.local @!p0 [hbm:s6], $0xF7A  }
0x23: {  	s9 =	sor.u32 $0xD0000000, s2;
	s6 =	simm.s32 $0x108;
	_ =	swait.ge @!p0 [sflag:s8], $0x0  }
0x24: {  	s3 =	sadd.s32 $0x88, s3;
	s6 =	simm.s32 @!p1 $0x1082;
	[sflag:s4] =	ssyncset.s32 $0xFFFFF086  }
0x25: {  	[simem:s6], [sflag:s4] =	dma.local [hbm:s3], $0xF7A  }
0x26: {  	[smem:$0x3F9B] =	sst s1;
	(tag) =	ssettag s2;
	_ =	strace s9  }
0x27: {  	s1 =	sld [smem:$0x3FAB]  }
0x28: {  	s2 =	sld [smem:$0x3FAC]  }
0x29: {  	s4 =	sld [smem:$0x3FAE]  }
0x2a: {  	p0 =	seq.s32 s5, $0x0;
	s5 =	sld [smem:$0x3FAF]  }
0x2b: {  	s6 =	sld [smem:$0x3FB0]  }
0x2c: {  	s7 =	sld [smem:$0x3FB1]  }
0x2d: {  	s3 =	simm.s32 $0x108;
	s8 =	sld [smem:$0x3FB2]  }
0x2e: {  	s3 =	simm.s32 @!p0 $0x1082;
	s9 =	sld [smem:$0x3FB3]  }
0x2f: {  	lr =	sadd.s32 s0, s3;
	s0 =	sld [smem:$0x3FAA]  }
0x30: {  	s3 =	sld [smem:$0x3FAD]  }
0x31: {  	[smem:$0x3FB6] =	sst s10  }
0x32: {  	s10 =	sld [smem:$0x3FB4];
	_ =	sdelay $0x3  }
0x33: {  	p0 =	seq.s32 s10, $0x1;
	s10 =	sld [smem:$0x3FB6];
	_ =	sdelay $0x3  }
0x34: {  	[smem:$0x3FB6] =	sst s10  }
0x35: {  	s10 =	sld [smem:$0x3FB5];
	_ =	sdelay $0x3  }
0x36: {  	p1 =	seq.s32 s10, $0x1;
	s10 =	sld [smem:$0x3FB6];
	_ =	sdelay $0x3  }
0x37: {  	[smem:$0x3FB6] =	sst s10  }
0x38: {  	s10 =	sld [smem:$0x3FB7]  }
0x39: {  	_ = 	snop;
	(pc) =	sbr.ind lr, $3  }
0x3a: {  	_ = 	snop  }
0x3b: {  	_ = 	snop  }
0x3c: {  	p2 =	seq.s32 s10, $0x1;
	s10 =	sld [smem:$0x3FB6]  }
0x3d: {  	_ =	shalt  }
0x3e: {  	_ =	shalt  }
0x3f: {  	_ =	shalt  }
0x40: {  	_ =	shalt  }
0x41: {  	_ =	shalt  }
0x42: {  	_ =	shalt  }
0x43: {  	_ =	shalt  }
0x44: {  	_ =	shalt  }
0x45: {  	_ =	shalt  }
0x46: {  	_ =	shalt  }
0x47: {  	_ =	shalt  }
0x48: {  	_ =	shalt  }
0x49: {  	_ =	shalt  }
0x4a: {  	_ =	shalt  }
0x4b: {  	_ =	shalt  }
0x4c: {  	_ =	shalt  }
0x4d: {  	_ =	shalt  }
0x4e: {  	_ =	shalt  }
0x4f: {  	_ =	shalt  }
0x50: {  	_ =	shalt  }
0x51: {  	_ =	shalt  }
0x52: {  	_ =	shalt  }
0x53: {  	_ =	shalt  }
0x54: {  	_ =	shalt  }
0x55: {  	_ =	shalt  }
0x56: {  	_ =	shalt  }
0x57: {  	_ =	shalt  }
0x58: {  	_ =	shalt  }
0x59: {  	_ =	shalt  }
0x5a: {  	_ =	shalt  }
0x5b: {  	_ =	shalt  }
0x5c: {  	_ =	shalt  }
0x5d: {  	_ =	shalt  }
0x5e: {  	_ =	shalt  }
0x5f: {  	_ =	shalt  }
0x60: {  	_ =	shalt  }
0x61: {  	_ =	shalt  }
0x62: {  	_ =	shalt  }
0x63: {  	_ =	shalt  }
0x64: {  	_ =	shalt  }
0x65: {  	_ =	shalt  }
0x66: {  	_ =	shalt  }
0x67: {  	_ =	shalt  }
0x68: {  	_ =	shalt  }
0x69: {  	_ =	shalt  }
0x6a: {  	_ =	shalt  }
0x6b: {  	_ =	shalt  }
0x6c: {  	_ =	shalt  }
0x6d: {  	_ =	shalt  }
0x6e: {  	_ =	shalt  }
0x6f: {  	_ =	shalt  }
0x70: {  	_ =	shalt  }
0x71: {  	_ =	shalt  }
0x72: {  	_ =	shalt  }
0x73: {  	_ =	shalt  }
0x74: {  	_ =	shalt  }
0x75: {  	_ =	shalt  }
0x76: {  	_ =	shalt  }
0x77: {  	_ =	shalt  }
0x78: {  	_ =	shalt  }
0x79: {  	_ =	shalt  }
0x7a: {  	_ =	shalt  }
0x7b: {  	_ =	shalt  }
0x7c: {  	_ =	shalt  }
0x7d: {  	_ =	shalt  }
0x7e: {  	_ =	shalt  }
0x7f: {  	_ =	shalt  }
0x80: {  	_ =	shalt  }
0x81: {  	_ =	shalt  }
0x82: {  	_ =	shalt  }
0x83: {  	_ =	shalt  }
0x84: {  	_ =	shalt  }
0x85: {  	_ =	shalt  }
0x86: {  	_ =	shalt  }
0x87: {  	_ =	shalt  }
.Lfunc_end0:
.L_simem_size_0:
called_computation.2_lowered:
.L_overlay_start_0:
0x88: {  	s2 =	sld [smem:$0x3FD9]  }
0x89: {  	s3 =	sld [smem:$0x3FFE];
	_ =	sdelay $0x1  }
0x8a: {  	s1 =	srdreg.scid  }
0x8b: {  	s0 =	sand.u32 $0x1, s1  }
0x8c: {  	s17 =	sshll.u32 s0, $0xA;
	s2 =	sadd.s32 s3, s2  }
0x8d: {  	s2 =	sadd.s32 s2, s17  }
0x8e: {  	[smem:$0x3FC2] =	sst s2  }
0x8f: {  	_ = 	snop  }
0x90: {  	s2 =	sld [smem:$0x3FD0];
	(tm) =	ssettm $0x1  }
0x91: {  	s18 =	sld [smem:$0x3FFB];
	_ =	sdelay $0x3  }
0x92: {  	_ =	strace s18  }
0x93: {  	s3 =	sld [smem:$0x3FFC];
	_ =	sdelay $0x3  }
0x94: {  	_ =	strace s3  }
0x95: {  	s3 =	sld [smem:$0x3FFD];
	_ =	sdelay $0x3  }
0x96: {  	_ =	strace s3  }
0x97: {  	_ =	strace $0x8FFFFFFF  }
0x98: {  	s19 =	sld [smem:$0x3FDB];
	_ =	sdelay $0x1  }
0x99: {  	s4 =	simm.s32 $_scs_section_size  }
0x9a: {  	s5 =	simm.s32 $_size__tile_overlayer_lowered;
	s6 =	simm.s32 $_tile_overlayer_lowered  }
0x9b: {  	s22 =	simm.s32 $0x1BFF;
	s21 =	sshll.u32 s6, $0x1;
	s3 =	sadd.s32 s4, s19  }
0x9c: {  	s7 =	simm.s32 $0x0;
	s20 =	sshll.u32 s5, $0x1;
	s5 =	sadd.s32 s21, s3  }
0x9d: {  	[timem:s7], [sflag:s22] =	dma.local [hbm:s5], s20  }
0x9e: {  	_ =	swait.ge [sflag:s22], s20  }
0x9f: {  	s4 =	ssub.s32 $0x0, s20;
	[sflag:s22] =	ssyncset.done $0x0  }
0xa0: {  	[sflag:s22] =	ssyncadd.s32 s4;
	_ =	sdelay $0x1  }
0xa1: {  	s23 =	simm.s32 $0x1B8B  }
0xa2: {  	_ =	swait.ge [sflag:s23], $0x1  }
0xa3: {  	[sflag:s23] =	ssyncset.done $0x0  }
0xa4: {  	s25 =	simm.s32 $0x1B8E;
	s24 =	sld [smem:$0x3FFE];
	[sflag:s23] =	ssyncadd.s32 $0xFFFFFFFF  }
0xa5: {  	s26 =	simm.s32 $execute0_lowered;
	[smem:$0x3FD2] =	sst s25  }
0xa6: {  	s5 =	sshll.u32 s26, $0x1;
	_ =	strace $0x8000004C;
	[dreg:$0x1] =	wrdreg $0xFFFFFFFF  }
0xa7: {  	s28 =	simm.s32 $_size_execute0_lowered;
	s3 =	sadd.s32 s3, s5;
	[dreg:$0x0] =	wrdreg $0x0  }
0xa8: {  	s5 =	sshll.u32 s28, $0x1;
	[dreg:$0x2] =	wrdreg s3  }
0xa9: {  	[dreg:$0x3] =	wrdreg s5  }
0xaa: {  	[dreg:$0x4] =	wrdreg $0xC0  }
0xab: {  	_ =	task [dreg:s7], $0x5FFFF  }
0xac: {  	[dreg:$0x1] =	wrdreg $0xFFFFFFFF  }
0xad: {  	[dreg:$0x0] =	wrdreg $0x60  }
0xae: {  	[dreg:$0x2] =	wrdreg s2  }
0xaf: {  	[dreg:$0x3] =	wrdreg s24  }
0xb0: {  	[dreg:$0x4] =	wrdreg $0x0  }
0xb1: {  	[dreg:$0x5] =	wrdreg $0x9  }
0xb2: {  	_ =	task.clear_ibuf [dreg:s7], $0x6FFFF;
	_ =	strace $0x9000004C  }
0xb3: {  	s29 =	simm.s32 $0x9;
	_ =	strace $0x8000004E  }
0xb4: {  	_ =	swait.ge [sflag:s29], $0x1  }
0xb5: {  	[sflag:s29] =	ssyncadd.s32 $0xFFFFFFFF  }
0xb6: {  	_ =	strace $0x9000004E  }
0xb7: {  	_ =	sfence  }
0xb8: {  	s30 =	sld [smem:$0x0];
	_ =	sdelay $0x2  }
0xb9: {  	s31 =	sshll.u32 s1, $0xD;
	s1 =	sshrl.u32 s1, $0x2  }
0xba: {  	s3 =	sand.u32 $0x4000, s31;
	s1 =	sadd.s32 s1, s30  }
0xbb: {  	s0 =	sor.u32 s3, s0;
	s1 =	sshll.u32 s1, $0x11  }
0xbc: {  	s0 =	sor.u32 s1, s0  }
0xbd: {  	s0 =	sadd.s32 $0x8F2B, s0  }
0xbe: {  	[sflag:s0] =	ssyncadd.remote.s32 $0x1  }
0xbf: {  	_ =	sfence.sel $0xFFFF  }
0xc0: {  	[dreg:$0x0] =	wrdreg $0xFFFFFFFF;
	(pc) =	sbr.abs _section_cstart, $3  }
0xc1: {  	[dreg:$0x1] =	wrdreg $0xFFFFFFFF  }
0xc2: {  	_ =	task.clear_ibuf [dreg:s7], $0x2FFFF;
	_ =	strace $0x9FFFFFFF  }
0xc3: {  	(tm) =	ssettm $0x7FFFFFFF  }
tec
execute0_lowered:
.L_overlay_start_1:
0x0: {  	(tag) =	ssettag $0x1  }
0x1: {  	s1 =	rddreg [dreg:$0x0];
	s0 =	srdreg.scid  }
0x2: {  	s2 =	rddreg [dreg:$0x1];
	s10 =	stileid.u32  }
0x3: {  	s3 =	rddreg [dreg:$0x2];
	s4 =	simm.s32 $0x0;
	s6 =	smul.u32 $0x14000, s10  }
0x4: {  	s28 =	simm.s32 $0x3;
	s29 =	simm.s32 $0x80;
	s18 =	smul.u32 $0x50000, s10  }
0x5: {  	s30 =	simm.s32 $0x4;
	s0 =	sand.u32 $0x1, s0;
	s25 =	smul.u32 $0x4F00, s10  }
0x6: {  	[smem:$0x7FF] =	sst s4;
	s7 =	sadd.s32 $0x2A00, s2;
	s5 =	smul.u32 $0x140000, s0  }
0x7: {  	_ =	strace $0x8000004D;
	s19 =	sshll.u32 s0, $0x4;
	s8 =	ssub.s32 $0x2, s0  }
0x8: {  	s0 =	smul.u32 $0x4F000, s0;
	s9 =	sor.u32 s10, s19;
	s20 =	sshrl.u32 s18, $0x2  }
0x9: {  	s21 =	sshrl.u32 s8, $0x1;
	s19 =	simm.s32 $0x14000;
	s5 =	sadd.s32 s6, s5  }
0xa: {  	s9 =	smul.u32 $0x4F00, s9;
	s6 =	ssub.s32 s8, s21;
	s0 =	sadd.s32 s25, s0  }
0xb: {  	s21 =	simm.s32 $0x1C000;
	s5 =	sshrl.u32 s5, $0x3;
	s0 =	sadd.s32 $0x600, s0  }
0xc: {  	s17 =	smax.u32 s6, $0x1;
	s2 =	sadd.s32 s5, s2;
	s5 =	sadd.s32 s20, s3  }
0xd: {  	s24 =	sshrl.u32 s9, $0x3;
	s0 =	sshrl.u32 s0, $0x3;
	s22 =	sadd.s32 $0x4000, s5  }
0xe: {  	s20 =	simm.s32 $0x9;
	s23 =	sadd.s32 $0x8000, s5;
	[dreg:$0x4] =	wrdreg s22  }
0xf: {  	s26 =	sadd.s32 $0xC000, s5;
	s31 =	sadd.s32 $0x10000, s5;
	[dreg:$0x5] =	wrdreg s23  }
0x10: {  	s10 =	sadd.s32 s7, s24;
	s16 =	sadd.s32 $0x16600, s2;
	[dreg:$0x6] =	wrdreg s26  }
0x11: {  	s25 =	sadd.s32 s0, s7;
	s2 =	simm.s32 $0x0;
	[dreg:$0x7] =	wrdreg s31  }
0x12: {  	s11 =	sadd.s32 $0x20, s10;
	s12 =	sadd.s32 $0x40, s10;
	s13 =	sadd.s32 $0x60, s10  }
0x13: {  	v0 =	vimm.f32 $0.0e+00;
	s14 =	sadd.s32 $0x80, s10;
	s15 =	sadd.s32 $0xA0, s10;
	s22 =	simm.s32 $0x1C100  }
.LBB2_1:
0x14: {  	s0 =	sand.u32 $0xFE00, s4  }
0x15: {  	s6 =	sand.u32 $0x70, s4;
	s7 =	sshrl.u32 s0, $0x2  }
0x16: {  	s0 =	simm.s32 $0x40;
	s7 =	sor.u32 s6, s7;
	s6 =	simm.s32 $0x0  }
.LBB2_2:
0x17: {  	p0 =	sne.s32 s0, $0xFFC0  }
0x18: {  	[tilespmem:s7+$0x14000] =	vst v0;
	s6 =	sadd.s32 $0x10, s6;
	s7 =	smov.u32 s0;
	s0 =	sadd.s32 $0x40, s0  }
.Ltmp0:
0x19: {  	(pc) =	sbr.rel @p0 .LBB2_2-.Ltmp0, $4  }
0x1a: {  	_ = 	snop  }
0x1b: {  	s7 =	sand.u32 $0xFE00, s7  }
0x1c: {  	s8 =	sand.u32 $0x70, s6;
	s7 =	sshrl.u32 s7, $0x2  }
0x1d: {  	s7 =	sor.u32 s8, s7  }
0x1e: {  	[tilespmem:s7+$0x14000] =	vst v0  }
0x1f: {  	[spmem:s5] =	stream.linear.scatter [tilespmem:s19], [sflag:$0x9], $0x4000, $0x38;
	[tilespmem:$0x1C600] =	vst v63  }
0x20: {  	_ =	swait.ge [sflag:s20], $0x4000  }
0x21: {  	[sflag:s20] =	ssyncset.done $0x0  }
0x22: {  	s0 =	rddreg [dreg:$0x4];
	[sflag:s20] =	ssyncadd.s32 $0xFFFFC000  }
0x23: {  	[spmem:s0] =	stream.linear.scatter [tilespmem:s19], [sflag:$0x9], $0x4000, $0x38;
	[tilespmem:$0x1C600] =	vst v63  }
0x24: {  	_ =	swait.ge [sflag:s20], $0x4000  }
0x25: {  	[sflag:s20] =	ssyncset.done $0x0  }
0x26: {  	s26 =	rddreg [dreg:$0x5];
	[sflag:s20] =	ssyncadd.s32 $0xFFFFC000  }
0x27: {  	[spmem:s26] =	stream.linear.scatter [tilespmem:s19], [sflag:$0x9], $0x4000, $0x38;
	[tilespmem:$0x1C600] =	vst v63  }
0x28: {  	_ =	swait.ge [sflag:s20], $0x4000  }
0x29: {  	[sflag:s20] =	ssyncset.done $0x0  }
0x2a: {  	s6 =	rddreg [dreg:$0x6];
	[sflag:s20] =	ssyncadd.s32 $0xFFFFC000  }
0x2b: {  	[spmem:s6] =	stream.linear.scatter [tilespmem:s19], [sflag:$0x9], $0x4000, $0x38;
	[tilespmem:$0x1C600] =	vst v63  }
0x2c: {  	_ =	swait.ge [sflag:s20], $0x4000  }
0x2d: {  	[sflag:s20] =	ssyncset.done $0x0  }
0x2e: {  	s7 =	rddreg [dreg:$0x7];
	[sflag:s20] =	ssyncadd.s32 $0xFFFFC000  }
0x2f: {  	[spmem:s7] =	stream.linear.scatter [tilespmem:s19], [sflag:$0x9], $0x4000, $0x38;
	[tilespmem:$0x1C600] =	vst v63  }
0x30: {  	_ =	swait.ge [sflag:s20], $0x4000  }
0x31: {  	[sflag:s20] =	ssyncset.done $0x0  }
0x32: {  	[sflag:s20] =	ssyncadd.s32 $0xFFFFC000  }
0x33: {  	s6 =	simm.s32 $0x0;
	[bflag:$0x0] =	sbarrier.arrive $0xFFFF  }
0x34: {  	[tilespmem:s21], [sflag:$0x3] =	stream.linear.gather [hbm4b:s10+s4], $0x100, $0x38;
	[tilespmem:$0x1C600] =	vst v63  }
0x35: {  	s8 =	simm.s32 $0x1C200;
	s9 =	simm.s32 $0x1C300;
	s26 =	smul.u32 $0xAB, s6  }
0x36: {  	[tilespmem:s22], [sflag:$0x4] =	stream.linear.gather [hbm4b:s11+s4], $0x100, $0x38;
	[tilespmem:$0x1C600] =	vst v63  }
0x37: {  	s18 =	simm.s32 $0x1C400;
	s23 =	simm.s32 $0x1C500;
	s7 =	sshrl.u32 s26, $0xA  }
0x38: {  	[tilespmem:s8], [sflag:$0x5] =	stream.linear.gather [hbm4b:s12+s4], $0x100, $0x38;
	[tilespmem:$0x1C600] =	vst v63  }
0x39: {  	s24 =	simm.s32 $0x18000;
	p0 =	por $0x0, $0x0;
	s7 =	smul.u32 $0x6, s7  }
0x3a: {  	[tilespmem:s9], [sflag:$0x6] =	stream.linear.gather [hbm4b:s13+s4], $0x100, $0x38;
	[tilespmem:$0x1C600] =	vst v63  }
0x3b: {  	p1 =	por @!p0 $0x0, $0x0;
	s31 =	simm.s32 @!p0 $0x80;
	s7 =	ssub.s32 $0x0, s7  }
0x3c: {  	[tilespmem:s18], [sflag:$0x7] =	stream.linear.gather [hbm4b:s14+s4], $0x100, $0x38;
	[tilespmem:$0x1C600] =	vst v63  }
0x3d: {  	p1 =	por p1, p0;
	s0 =	simm.s32 $0x7;
	s7 =	sand.u32 $0x3F, s7  }
0x3e: {  	[tilespmem:s23], [sflag:$0x8] =	stream.linear.gather [hbm4b:s15+s4], $0x100, $0x38;
	[tilespmem:$0x1C600] =	vst v63  }
0x3f: {  	s6 =	sand.u32 $0x1, s6;
	s7 =	sshll.u32 s7, $0x8;
	_ =	swait.ge [sflag:s28], $0x100  }
0x40: {  	s7 =	sor.u32 $0x1C080, s7;
	s8 =	simm.s32 $0x6;
	[sflag:s28] =	ssyncset.done $0x0  }
0x41: {  	s8 =	smul.u32 @!p1 $0xAB, s8;
	s9 =	simm.s32 @!p0 $0x2;
	[sflag:s28] =	ssyncadd.s32 $0xFFFFFF00  }
0x42: {  	[tilespmem:s19], [sflag:$0x1] =	stream.indirect.gather [hbm4b:s1+s29], $0x80, s21, s29, $0xb8;
	[tilespmem:$0x1C600] =	vst v63  }
0x43: {  	s9 =	sand.u32 @!p0 $0xFF, s9;
	s8 =	sshrl.u32 @!p1 s8, $0xA;
	_ =	swait.ge [sflag:s30], $0x100  }
0x44: {  	s9 =	smul.u32 @!p0 $0xAB, s9;
	s8 =	sand.u32 @!p1 $0x3F, s8;
	[sflag:s30] =	ssyncset.done $0x0  }
0x45: {  	s18 =	smov.u32 s25;
	s23 =	sadd.s32 $0x1, s6;
	[sflag:s30] =	ssyncadd.s32 $0xFFFFFF00  }
0x46: {  	[tilespmem:s24], [sflag:$0x2] =	stream.indirect.gather [hbm4b:s1+s29], $0x80, s22, s29, $0xb8;
	[tilespmem:$0x1C600] =	vst v63  }
0x47: {  	s8 =	smul.u32 @!p1 $0x6, s8;
	s9 =	sshrl.u32 @!p0 s9, $0xA;
	_ =	swait.ge [sflag:s23], $0x4000  }
0x48: {  	s6 =	sshll.u32 s6, $0xE;
	s9 =	smul.u32 @!p0 $0x6, s9;
	[sflag:s23] =	ssyncset.done $0x0  }
0x49: {  	s26 =	sadd.s32 $0x14000, s6;
	s8 =	ssub.s32 @!p1 $0x6, s8;
	[sflag:s23] =	ssyncadd.s32 $0xFFFFC000  }
0x4a: {  	[spmem:s3] =	stream.indirect.scatter.add.f32 [tilespmem:s26], [sflag:$0x9], $0x80, s7, s29, $0xb8;
	[tilespmem:$0x1C600] =	vst v63  }
0x4b: {  	s6 =	ssub.s32 @!p0 $0x2, s9;
	s9 =	sand.u32 @!p1 $0xFF, s8;
	_ =	swait.ge [sflag:s20], $0x4000  }
0x4c: {  	s6 =	sand.u32 @!p0 $0xFF, s6;
	s8 =	sshll.u32 @!p1 s9, $0x8;
	[sflag:s20] =	ssyncset.done $0x0  }
0x4d: {  	s7 =	sshll.u32 @!p0 s6, $0x8;
	s6 =	sadd.s32 @!p0 $0x3, s6;
	[sflag:s20] =	ssyncadd.s32 $0xFFFFC000  }
0x4e: {  	s9 =	sadd.s32 @!p1 $0x3, s9;
	s8 =	sor.u32 @!p1 $0x1C000, s8;
	_ =	swait.ge @!p0 [sflag:s6], $0x100  }
0x4f: {  	s24 =	smov.u32 s25;
	s7 =	sor.u32 @!p0 $0x1C000, s7;
	[sflag:s6] =	ssyncset.done @!p0 $0x0  }
.LBB2_4:
0x50: {  	[sflag:s6] =	ssyncadd.s32 @!p0 $0xFFFFFF00  }
0x51: {  	s18 =	sadd.s32 $0x20, s18;
	s6 =	smov.u32 s0;
	s0 =	sadd.s32 $0x1, s0  }
0x52: {  	[tilespmem:s26], [sflag:s23] =	stream.indirect.gather @!p0 [hbm4b:s1+s31], $0x80, s7, s31, $0xb8;
	[tilespmem:$0x1C600] =	vst v63  }
0x53: {  	s7 =	sadd.s32 $0xFFFFFFFA, s6;
	p2 =	sne.s32 s0, $0x55;
	s23 =	simm.s32 @!p1 $0x0  }
0x54: {  	s26 =	smul.u32 $0xAB, s7  }
0x55: {  	[tilespmem:s8], [sflag:s9] =	stream.linear.gather @!p1 [hbm4b:s24+s23], $0x100, $0x38;
	[tilespmem:$0x1C600] =	vst v63  }
0x56: {  	p0 =	sgt.u32 s7, $0x4C;
	s8 =	sshrl.u32 s26, $0xA  }
0x57: {  	s24 =	smov.u32 s18;
	s9 =	sadd.s32 @!p0 $0x2, s7;
	s8 =	smul.u32 $0x6, s8  }
0x58: {  	p1 =	sgt.u32 @!p0 s7, $0x48;
	s26 =	sand.u32 $0x1, s7;
	s31 =	sand.u32 @!p0 $0xFF, s9  }
0x59: {  	p1 =	por p1, p0;
	s7 =	ssub.s32 s7, s8;
	s8 =	smul.u32 @!p0 $0xAB, s31  }
0x5a: {  	s23 =	sadd.s32 $0x1, s26;
	s31 =	smul.u32 @!p1 $0xAB, s6;
	s7 =	sand.u32 $0x3F, s7  }
0x5b: {  	_ =	swait.ge [sflag:s23], $0x4000;
	s7 =	sshll.u32 s7, $0x8;
	s8 =	sshrl.u32 @!p0 s8, $0xA  }
0x5c: {  	s31 =	sshrl.u32 @!p1 s31, $0xA;
	[sflag:s23] =	ssyncset.done $0x0;
	s8 =	smul.u32 @!p0 $0x6, s8  }
0x5d: {  	s26 =	sshll.u32 s26, $0xE;
	s7 =	sor.u32 $0x1C080, s7;
	s31 =	sand.u32 @!p1 $0x3F, s31  }
0x5e: {  	[sflag:s23] =	ssyncadd.s32 $0xFFFFC000;
	s8 =	ssub.s32 @!p0 s9, s8;
	s9 =	smul.u32 @!p1 $0x6, s31  }
0x5f: {  	s26 =	sadd.s32 $0x14000, s26  }
0x60: {  	s31 =	simm.s32 @!p0 $0x80;
	s8 =	sand.u32 @!p0 $0xFF, s8;
	s9 =	ssub.s32 @!p1 s6, s9  }
0x61: {  	[spmem:s3] =	stream.indirect.scatter.add.f32 [tilespmem:s26], [sflag:$0x9], $0x80, s7, s29, $0xb8;
	[tilespmem:$0x1C600] =	vst v63  }
.Ltmp1:
0x62: {  	s7 =	sshll.u32 @!p0 s8, $0x8;
	_ =	swait.ge [sflag:s20], $0x4000;
	(pc) =	sbr.rel @p2 .LBB2_4-.Ltmp1, $4  }
0x63: {  	s6 =	sadd.s32 @!p0 $0x3, s8;
	s9 =	sand.u32 @!p1 $0xFF, s9;
	[sflag:s20] =	ssyncset.done $0x0  }
0x64: {  	s7 =	sor.u32 @!p0 $0x1C000, s7;
	s8 =	sshll.u32 @!p1 s9, $0x8;
	[sflag:s20] =	ssyncadd.s32 $0xFFFFC000  }
0x65: {  	_ =	swait.ge @!p0 [sflag:s6], $0x100  }
0x66: {  	s9 =	sadd.s32 @!p1 $0x3, s9;
	s8 =	sor.u32 @!p1 $0x1C000, s8;
	[sflag:s6] =	ssyncset.done @!p0 $0x0  }
0x67: {  	[sflag:s6] =	ssyncadd.s32 @!p0 $0xFFFFFF00  }
0x68: {  	[tilespmem:s26], [sflag:s23] =	stream.indirect.gather @!p0 [hbm4b:s1+s31], $0x80, s7, s31, $0xb8;
	[tilespmem:$0x1C600] =	vst v63  }
0x69: {  	s0 =	simm.s32 @!p1 $0x0;
	s2 =	sadd.s32 $0x1, s2;
	s26 =	stileid.u32  }
0x6a: {  	[tilespmem:s8], [sflag:s9] =	stream.linear.gather @!p1 [hbm4b:s24+s0], $0x100, $0x38;
	[tilespmem:$0x1C600] =	vst v63  }
0x6b: {  	s31 =	sshrl.u32 s5, $0x3;
	p0 =	sne.s32 s2, s17;
	s0 =	sshll.u32 s26, $0x6  }
.Ltmp2:
0x6c: {  	[bflag:$0x0] =	sbarrier.arrive $0xFFFF;
	s0 =	sor.u32 $0x1C09, s0;
	(pc) =	sbr.rel @p0 .LBB2_1-.Ltmp2, $4  }
0x6d: {  	[hbm:s16], [sflag:s0] =	dma.local [spmem:s31], $0x2800  }
0x6e: {  	_ =	swait.ge [sflag:s20], $0x2800  }
0x6f: {  	[sflag:s20] =	ssyncset.done $0x0  }
0x70: {  	[sflag:s20] =	ssyncadd.s32 $0xFFFFD800  }
0x71: {  	_ =	sfence.sel $0x180000  }
0x72: {  	[bflag:$0x0] =	sbarrier.arrive $0xFFFF  }
0x73: {  	_ =	strace $0x9000004D  }
0x74: {  	s0 =	stileid.u32;
	[bflag:$0x2] =	sbarrier.arrive $0xFFFF  }
0x75: {  	p0 =	sne.s32 s0, $0x0;
	s0 =	rddreg [dreg:$0x3]  }
0x76: {  	s0 =	sadd.s32 @!p0 $0x100000, s0  }
0x77: {  	[sflag:s0] =	ssyncadd.tile.s32 @!p0 $0x1;
	_ =	shalt  }
.Lfunc_end2:
_tile_overlayer_lowered:
.L_overlay_start_2:
0x78: {  	(tag) =	ssettag $0x2  }
0x79: {  	s0 =	rddreg [dreg:$0x0];
	s2 =	stileid.u32  }
0x7a: {  	s1 =	rddreg [dreg:$0x1];
	p0 =	sne.s32 s2, $0x0  }
0x7b: {  	s3 =	rddreg [dreg:$0x2];
	[bflag:$0x3] =	sbarrier.arrive $0xFFFF;
	s2 =	simm.s32 @!p0 $0x1C09  }
0x7c: {  	[timem:s3], [sflag:s2] =	dma.local @!p0 [hbm:s0], s1  }
0x7d: {  	s0 =	simm.s32 @!p0 $0x9  }
0x7e: {  	_ =	swait.ge @!p0 [sflag:s0], s1  }
0x7f: {  	s1 =	ssub.s32 @!p0 $0x0, s1;
	[sflag:s0] =	ssyncset.done @!p0 $0x0  }
0x80: {  	[sflag:s0] =	ssyncadd.s32 @!p0 s1  }
0x81: {  	[bflag:$0x3] =	sbarrier.arrive $0xFFFF  }
0x82: {  	_ =	shalt  }

// kernel: kernel.8.cloned.1.call-start
scs
__scs_entry_jumppad:
0x0: {  	(pc) =	sbr.rel $0x88, $3  }
0x1: {  	(tag) =	ssettag $0x0;
	lr =	simm.s32 $0x1  }
0x2: {  	[smem:$0x3F9B] =	sst lr;
	_ =	strace $0xD0000000  }
0x3: {  	_ = 	snop  }
0x4: {  	_ = 	snop  }
0x5: {  	_ = 	snop  }
0x6: {  	_ = 	snop  }
0x7: {  	_ = 	snop  }
__scs_overlays_trampoline_lowered:
0x8: {  	[smem:$0x3FAA] =	sst s0  }
0x9: {  	[smem:$0x3FAB] =	sst s1  }
0xa: {  	[smem:$0x3FAC] =	sst s2  }
0xb: {  	[smem:$0x3FAD] =	sst s3  }
0xc: {  	[smem:$0x3FAE] =	sst s4  }
0xd: {  	[smem:$0x3FAF] =	sst s5  }
0xe: {  	[smem:$0x3FB0] =	sst s6  }
0xf: {  	[smem:$0x3FB1] =	sst s7  }
0x10: {  	[smem:$0x3FB2] =	sst s8  }
0x11: {  	[smem:$0x3FB3] =	sst s9;
	s0 =	simm.s32 @!p0 $0x0  }
0x12: {  	s1 =	sld [smem:$0x3F99];
	s0 =	simm.s32 @p0 $0x1  }
0x13: {  	[smem:$0x3FB4] =	sst s0;
	s0 =	simm.s32 @!p1 $0x0  }
0x14: {  	s2 =	sld [smem:$0x3F98];
	s0 =	simm.s32 @p1 $0x1  }
0x15: {  	[smem:$0x3FB5] =	sst s0;
	s0 =	simm.s32 @!p2 $0x0  }
0x16: {  	s3 =	sld [smem:$0x3FDB];
	s0 =	simm.s32 @p2 $0x1  }
0x17: {  	s4 =	simm.s32 $0x1BF5;
	[smem:$0x3FB7] =	sst s0  }
0x18: {  	s0 =	sld [smem:$0x3F9A];
	_ =	swait.ge [sflag:s4], $0x0  }
0x19: {  	s7 =	sld [smem:$0x3F9B]  }
0x1a: {  	s8 =	sadd.s32 $0xFFFFE003, lr  }
0x1b: {  	s9 =	sadd.s32 $0xFFFFFEF7, lr;
	s5 =	simm.s32 $0xFFFFFFFF;
	p2 =	slt.u32 s8, $0xFFFFF086  }
0x1c: {  	p1 =	slt.u32 s9, $0xF7A;
	s5 =	simm.s32 @!p2 $0x0  }
0x1d: {  	s5 =	simm.s32 @p1 $0x1;
	p0 =	seq.s32 s7, s2  }
0x1e: {  	s7 =	smul.u32 @!p0 $0xF7A, s2;
	p2 =	seq.s32 @!p0 s5, $0x0  }
0x1f: {  	s9 =	smul.u32 $0xF7A, s1;
	s8 =	simm.s32 @!p0 $0x1BF5;
	p2 =	por !p2, p0  }
0x20: {  	[sflag:s8] =	ssyncset.s32 @!p0 $0xFFFFF086;
	s6 =	sadd.s32 @!p0 s3, s7;
	s7 =	simm.s32 @!p0 $0x108  }
0x21: {  	s3 =	sadd.s32 s3, s9;
	s6 =	sadd.s32 @!p0 $0x88, s6;
	s7 =	simm.s32 @p2 $0x1082  }
0x22: {  	[simem:s7], [sflag:s8] =	dma.local @!p0 [hbm:s6], $0xF7A  }
0x23: {  	s9 =	sor.u32 $0xD0000000, s2;
	s6 =	simm.s32 $0x108;
	_ =	swait.ge @!p0 [sflag:s8], $0x0  }
0x24: {  	s3 =	sadd.s32 $0x88, s3;
	s6 =	simm.s32 @!p1 $0x1082;
	[sflag:s4] =	ssyncset.s32 $0xFFFFF086  }
0x25: {  	[simem:s6], [sflag:s4] =	dma.local [hbm:s3], $0xF7A  }
0x26: {  	[smem:$0x3F9B] =	sst s1;
	(tag) =	ssettag s2;
	_ =	strace s9  }
0x27: {  	s1 =	sld [smem:$0x3FAB]  }
0x28: {  	s2 =	sld [smem:$0x3FAC]  }
0x29: {  	s4 =	sld [smem:$0x3FAE]  }
0x2a: {  	p0 =	seq.s32 s5, $0x0;
	s5 =	sld [smem:$0x3FAF]  }
0x2b: {  	s6 =	sld [smem:$0x3FB0]  }
0x2c: {  	s7 =	sld [smem:$0x3FB1]  }
0x2d: {  	s3 =	simm.s32 $0x108;
	s8 =	sld [smem:$0x3FB2]  }
0x2e: {  	s3 =	simm.s32 @!p0 $0x1082;
	s9 =	sld [smem:$0x3FB3]  }
0x2f: {  	lr =	sadd.s32 s0, s3;
	s0 =	sld [smem:$0x3FAA]  }
0x30: {  	s3 =	sld [smem:$0x3FAD]  }
0x31: {  	[smem:$0x3FB6] =	sst s10  }
0x32: {  	s10 =	sld [smem:$0x3FB4];
	_ =	sdelay $0x3  }
0x33: {  	p0 =	seq.s32 s10, $0x1;
	s10 =	sld [smem:$0x3FB6];
	_ =	sdelay $0x3  }
0x34: {  	[smem:$0x3FB6] =	sst s10  }
0x35: {  	s10 =	sld [smem:$0x3FB5];
	_ =	sdelay $0x3  }
0x36: {  	p1 =	seq.s32 s10, $0x1;
	s10 =	sld [smem:$0x3FB6];
	_ =	sdelay $0x3  }
0x37: {  	[smem:$0x3FB6] =	sst s10  }
0x38: {  	s10 =	sld [smem:$0x3FB7]  }
0x39: {  	_ = 	snop;
	(pc) =	sbr.ind lr, $3  }
0x3a: {  	_ = 	snop  }
0x3b: {  	_ = 	snop  }
0x3c: {  	p2 =	seq.s32 s10, $0x1;
	s10 =	sld [smem:$0x3FB6]  }
0x3d: {  	_ =	shalt  }
0x3e: {  	_ =	shalt  }
0x3f: {  	_ =	shalt  }
0x40: {  	_ =	shalt  }
0x41: {  	_ =	shalt  }
0x42: {  	_ =	shalt  }
0x43: {  	_ =	shalt  }
0x44: {  	_ =	shalt  }
0x45: {  	_ =	shalt  }
0x46: {  	_ =	shalt  }
0x47: {  	_ =	shalt  }
0x48: {  	_ =	shalt  }
0x49: {  	_ =	shalt  }
0x4a: {  	_ =	shalt  }
0x4b: {  	_ =	shalt  }
0x4c: {  	_ =	shalt  }
0x4d: {  	_ =	shalt  }
0x4e: {  	_ =	shalt  }
0x4f: {  	_ =	shalt  }
0x50: {  	_ =	shalt  }
0x51: {  	_ =	shalt  }
0x52: {  	_ =	shalt  }
0x53: {  	_ =	shalt  }
0x54: {  	_ =	shalt  }
0x55: {  	_ =	shalt  }
0x56: {  	_ =	shalt  }
0x57: {  	_ =	shalt  }
0x58: {  	_ =	shalt  }
0x59: {  	_ =	shalt  }
0x5a: {  	_ =	shalt  }
0x5b: {  	_ =	shalt  }
0x5c: {  	_ =	shalt  }
0x5d: {  	_ =	shalt  }
0x5e: {  	_ =	shalt  }
0x5f: {  	_ =	shalt  }
0x60: {  	_ =	shalt  }
0x61: {  	_ =	shalt  }
0x62: {  	_ =	shalt  }
0x63: {  	_ =	shalt  }
0x64: {  	_ =	shalt  }
0x65: {  	_ =	shalt  }
0x66: {  	_ =	shalt  }
0x67: {  	_ =	shalt  }
0x68: {  	_ =	shalt  }
0x69: {  	_ =	shalt  }
0x6a: {  	_ =	shalt  }
0x6b: {  	_ =	shalt  }
0x6c: {  	_ =	shalt  }
0x6d: {  	_ =	shalt  }
0x6e: {  	_ =	shalt  }
0x6f: {  	_ =	shalt  }
0x70: {  	_ =	shalt  }
0x71: {  	_ =	shalt  }
0x72: {  	_ =	shalt  }
0x73: {  	_ =	shalt  }
0x74: {  	_ =	shalt  }
0x75: {  	_ =	shalt  }
0x76: {  	_ =	shalt  }
0x77: {  	_ =	shalt  }
0x78: {  	_ =	shalt  }
0x79: {  	_ =	shalt  }
0x7a: {  	_ =	shalt  }
0x7b: {  	_ =	shalt  }
0x7c: {  	_ =	shalt  }
0x7d: {  	_ =	shalt  }
0x7e: {  	_ =	shalt  }
0x7f: {  	_ =	shalt  }
0x80: {  	_ =	shalt  }
0x81: {  	_ =	shalt  }
0x82: {  	_ =	shalt  }
0x83: {  	_ =	shalt  }
0x84: {  	_ =	shalt  }
0x85: {  	_ =	shalt  }
0x86: {  	_ =	shalt  }
0x87: {  	_ =	shalt  }
.Lfunc_end0:
.L_simem_size_0:
called_computation_lowered:
.L_overlay_start_0:
0x88: {  	s2 =	sld [smem:$0x3FD9]  }
0x89: {  	s3 =	sld [smem:$0x3FFE];
	_ =	sdelay $0x1  }
0x8a: {  	s1 =	srdreg.scid  }
0x8b: {  	s0 =	sand.u32 $0x1, s1  }
0x8c: {  	s16 =	sshll.u32 s0, $0xA;
	s2 =	sadd.s32 s3, s2  }
0x8d: {  	s2 =	sadd.s32 s2, s16  }
0x8e: {  	[smem:$0x3FC2] =	sst s2  }
0x8f: {  	_ = 	snop  }
0x90: {  	(tm) =	ssettm $0x1  }
0x91: {  	s17 =	sld [smem:$0x3FFB];
	_ =	sdelay $0x3  }
0x92: {  	_ =	strace s17  }
0x93: {  	s2 =	sld [smem:$0x3FFC];
	_ =	sdelay $0x3  }
0x94: {  	_ =	strace s2  }
0x95: {  	s2 =	sld [smem:$0x3FFD];
	_ =	sdelay $0x3  }
0x96: {  	_ =	strace s2  }
0x97: {  	_ =	strace $0x8FFFFFFF  }
0x98: {  	s18 =	sld [smem:$0x3FDB];
	_ =	sdelay $0x1  }
0x99: {  	s19 =	simm.s32 $_scs_section_size  }
0x9a: {  	s4 =	simm.s32 $_size__tile_overlayer_lowered;
	s5 =	simm.s32 $_tile_overlayer_lowered  }
0x9b: {  	s22 =	simm.s32 $0x1BFF;
	s21 =	sshll.u32 s5, $0x1;
	s2 =	sadd.s32 s19, s18  }
0x9c: {  	s6 =	simm.s32 $0x0;
	s20 =	sshll.u32 s4, $0x1;
	s4 =	sadd.s32 s21, s2  }
0x9d: {  	[timem:s6], [sflag:s22] =	dma.local [hbm:s4], s20  }
0x9e: {  	_ =	swait.ge [sflag:s22], s20  }
0x9f: {  	s3 =	ssub.s32 $0x0, s20;
	[sflag:s22] =	ssyncset.done $0x0  }
0xa0: {  	[sflag:s22] =	ssyncadd.s32 s3;
	_ =	sdelay $0x1  }
0xa1: {  	s23 =	simm.s32 $0x1B8B  }
0xa2: {  	_ =	swait.ge [sflag:s23], $0x1  }
0xa3: {  	[sflag:s23] =	ssyncset.done $0x0  }
0xa4: {  	s25 =	simm.s32 $0x1B8E;
	s24 =	sld [smem:$0x3FFE];
	[sflag:s23] =	ssyncadd.s32 $0xFFFFFFFF  }
0xa5: {  	s26 =	simm.s32 $execute0_lowered;
	[smem:$0x3FD2] =	sst s25  }
0xa6: {  	s4 =	sshll.u32 s26, $0x1;
	_ =	strace $0x80000046;
	[dreg:$0x1] =	wrdreg $0xFFFFFFFF  }
0xa7: {  	s28 =	simm.s32 $_size_execute0_lowered;
	s2 =	sadd.s32 s2, s4;
	[dreg:$0x0] =	wrdreg $0x0  }
0xa8: {  	s4 =	sshll.u32 s28, $0x1;
	[dreg:$0x2] =	wrdreg s2  }
0xa9: {  	[dreg:$0x3] =	wrdreg s4  }
0xaa: {  	[dreg:$0x4] =	wrdreg $0xC0  }
0xab: {  	_ =	task [dreg:s6], $0x5FFFF  }
0xac: {  	[dreg:$0x1] =	wrdreg $0xFFFFFFFF  }
0xad: {  	[dreg:$0x0] =	wrdreg $0x60  }
0xae: {  	[dreg:$0x2] =	wrdreg s24  }
0xaf: {  	[dreg:$0x3] =	wrdreg $0x0  }
0xb0: {  	[dreg:$0x4] =	wrdreg $0x9  }
0xb1: {  	_ =	task.clear_ibuf [dreg:s6], $0x5FFFF;
	_ =	strace $0x90000046  }
0xb2: {  	s29 =	simm.s32 $0x9;
	_ =	strace $0x80000048  }
0xb3: {  	_ =	swait.ge [sflag:s29], $0x1  }
0xb4: {  	[sflag:s29] =	ssyncadd.s32 $0xFFFFFFFF  }
0xb5: {  	_ =	strace $0x90000048  }
0xb6: {  	_ =	sfence  }
0xb7: {  	s30 =	sld [smem:$0x0];
	_ =	sdelay $0x2  }
0xb8: {  	s31 =	sshll.u32 s1, $0xD;
	s1 =	sshrl.u32 s1, $0x2  }
0xb9: {  	s3 =	sand.u32 $0x4000, s31;
	s1 =	sadd.s32 s1, s30  }
0xba: {  	s0 =	sor.u32 s3, s0;
	s1 =	sshll.u32 s1, $0x11  }
0xbb: {  	s0 =	sor.u32 s1, s0  }
0xbc: {  	s0 =	sadd.s32 $0x8F2B, s0  }
0xbd: {  	[sflag:s0] =	ssyncadd.remote.s32 $0x1  }
0xbe: {  	_ =	sfence.sel $0xFFFF  }
0xbf: {  	[dreg:$0x0] =	wrdreg $0xFFFFFFFF;
	(pc) =	sbr.abs _section_cstart, $3  }
0xc0: {  	[dreg:$0x1] =	wrdreg $0xFFFFFFFF  }
0xc1: {  	_ =	task.clear_ibuf [dreg:s6], $0x2FFFF;
	_ =	strace $0x9FFFFFFF  }
0xc2: {  	(tm) =	ssettm $0x7FFFFFFF  }
0xc3: {  	_ =	shalt  }
tec
execute0_lowered:
.L_overlay_start_1:
0x0: {  	(tag) =	ssettag $0x1  }
0x1: {  	s0 =	rddreg [dreg:$0x0]  }
0x2: {  	s1 =	srdreg.scid;
	s10 =	stileid.u32  }
0x3: {  	s2 =	rddreg [dreg:$0x1];
	s3 =	simm.s32 $0x0;
	s18 =	simm.s32 $0x2800  }
0x4: {  	s19 =	simm.s32 $0x7;
	s28 =	simm.s32 $0x3000;
	s4 =	smul.u32 $0x2800, s10  }
0x5: {  	s29 =	simm.s32 $0x0;
	s1 =	sand.u32 $0x1, s1;
	s7 =	smul.u32 $0xA000, s10  }
0x6: {  	[smem:$0x7FF] =	sst s3;
	s17 =	sadd.s32 $0x2A00, s0;
	s13 =	smul.u32 $0x4F00, s10  }
0x7: {  	s5 =	smul.u32 $0x28000, s1;
	_ =	strace $0x80000047;
	s6 =	sshll.u32 s1, $0x4  }
0x8: {  	s26 =	ssub.s32 $0x2, s1;
	s1 =	smul.u32 $0x4F000, s1;
	s6 =	sor.u32 s10, s6  }
0x9: {  	s8 =	sshrl.u32 s26, $0x1;
	s7 =	sshrl.u32 s7, $0x2;
	s5 =	sadd.s32 s4, s5  }
0xa: {  	s6 =	smul.u32 $0x4F00, s6;
	s16 =	ssub.s32 s26, s8;
	s4 =	sadd.s32 s4, s2  }
0xb: {  	s9 =	sadd.s32 s7, s2;
	s1 =	sadd.s32 s13, s1;
	s26 =	simm.s32 $0x80  }
0xc: {  	s5 =	sshrl.u32 s5, $0x3;
	s8 =	sadd.s32 $0x1800, s9;
	s1 =	sadd.s32 $0x600, s1  }
0xd: {  	s16 =	smax.u32 s16, $0x1;
	s0 =	sadd.s32 s5, s0;
	s5 =	sadd.s32 $0x800, s9  }
0xe: {  	s30 =	sshrl.u32 s6, $0x3;
	s6 =	sadd.s32 $0x1000, s9;
	s9 =	sadd.s32 $0x2000, s9  }
0xf: {  	s31 =	sshrl.u32 s1, $0x3;
	s7 =	sadd.s32 s17, s30;
	s15 =	sadd.s32 $0x16600, s0  }
0x10: {  	s0 =	sadd.s32 s31, s17;
	s10 =	sadd.s32 $0x20, s7;
	s11 =	sadd.s32 $0x40, s7  }
0x11: {  	v0 =	vimm.f32 $0.0e+00;
	v1 =	vimm.f32 $1.000000000e+00;
	s12 =	sadd.s32 $0x60, s7;
	s13 =	sadd.s32 $0x80, s7;
	s14 =	sadd.s32 $0xA0, s7  }
.LBB2_1:
0x12: {  	s1 =	simm.s32 $0x40;
	s17 =	simm.s32 $0x0  }
.LBB2_2:
0x13: {  	p0 =	sne.s32 s1, $0x1FC0;
	[tilespmem:s17+$0x2800] =	vst v0;
	s20 =	smov.u32 s1;
	s1 =	sadd.s32 $0x40, s1  }
.Ltmp0:
0x14: {  	[tilespmem:s17+$0x3000] =	vst v1;
	(pc) =	sbr.rel @p0 .LBB2_2-.Ltmp0, $2  }
0x15: {  	_ =	sdelay $0x2  }
0x16: {  	s17 =	sshra.s32 s20, $0x2  }
0x17: {  	[tilespmem:s17+$0x2800] =	vst v0  }
0x18: {  	[tilespmem:s17+$0x3000] =	vst v1  }
0x19: {  	[spmem:s4] =	stream.linear.scatter [tilespmem:s18], [sflag:$0x7], $0x800, $0x38;
	[tilespmem:$0x3E00] =	vst v63  }
0x1a: {  	_ =	swait.ge [sflag:s19], $0x800  }
0x1b: {  	[sflag:s19] =	ssyncset.done $0x0  }
0x1c: {  	[sflag:s19] =	ssyncadd.s32 $0xFFFFF800  }
0x1d: {  	[spmem:s5] =	stream.linear.scatter [tilespmem:s18], [sflag:$0x7], $0x800, $0x38;
	[tilespmem:$0x3E00] =	vst v63  }
0x1e: {  	_ =	swait.ge [sflag:s19], $0x800  }
0x1f: {  	[sflag:s19] =	ssyncset.done $0x0  }
0x20: {  	[sflag:s19] =	ssyncadd.s32 $0xFFFFF800  }
0x21: {  	[spmem:s6] =	stream.linear.scatter [tilespmem:s18], [sflag:$0x7], $0x800, $0x38;
	[tilespmem:$0x3E00] =	vst v63  }
0x22: {  	_ =	swait.ge [sflag:s19], $0x800  }
0x23: {  	[sflag:s19] =	ssyncset.done $0x0  }
0x24: {  	[sflag:s19] =	ssyncadd.s32 $0xFFFFF800  }
0x25: {  	[spmem:s8] =	stream.linear.scatter [tilespmem:s18], [sflag:$0x7], $0x800, $0x38;
	[tilespmem:$0x3E00] =	vst v63  }
0x26: {  	_ =	swait.ge [sflag:s19], $0x800  }
0x27: {  	[sflag:s19] =	ssyncset.done $0x0  }
0x28: {  	[sflag:s19] =	ssyncadd.s32 $0xFFFFF800  }
0x29: {  	[spmem:s9] =	stream.linear.scatter [tilespmem:s18], [sflag:$0x7], $0x800, $0x38;
	[tilespmem:$0x3E00] =	vst v63  }
0x2a: {  	_ =	swait.ge [sflag:s19], $0x800  }
0x2b: {  	[sflag:s19] =	ssyncset.done $0x0  }
0x2c: {  	[sflag:s19] =	ssyncadd.s32 $0xFFFFF800  }
0x2d: {  	s1 =	simm.s32 $0x3800;
	s23 =	simm.s32 $0x0;
	[bflag:$0x0] =	sbarrier.arrive $0xFFFF  }
0x2e: {  	[tilespmem:s1], [sflag:$0x1] =	stream.linear.gather [hbm4b:s7+s3], $0x100, $0x38;
	[tilespmem:$0x3E00] =	vst v63  }
0x2f: {  	s20 =	simm.s32 $0x3900;
	s1 =	smul.u32 $0xAB, s23  }
0x30: {  	[tilespmem:s20], [sflag:$0x2] =	stream.linear.gather [hbm4b:s10+s3], $0x100, $0x38;
	[tilespmem:$0x3E00] =	vst v63  }
0x31: {  	s1 =	sshrl.u32 s1, $0xA  }
0x32: {  	s21 =	simm.s32 $0x3A00;
	s1 =	sand.u32 $0x3F, s1  }
0x33: {  	[tilespmem:s21], [sflag:$0x3] =	stream.linear.gather [hbm4b:s11+s3], $0x100, $0x38;
	[tilespmem:$0x3E00] =	vst v63  }
0x34: {  	s22 =	simm.s32 $0x3B00;
	s1 =	smul.u32 $0x6, s1  }
0x35: {  	[tilespmem:s22], [sflag:$0x4] =	stream.linear.gather [hbm4b:s12+s3], $0x100, $0x38;
	[tilespmem:$0x3E00] =	vst v63  }
0x36: {  	s24 =	simm.s32 $0x3C00;
	s1 =	ssub.s32 $0x0, s1  }
0x37: {  	s17 =	simm.s32 $0x6;
	p0 =	por $0x0, $0x0;
	s1 =	sand.u32 $0xFF, s1  }
0x38: {  	[tilespmem:s24], [sflag:$0x5] =	stream.linear.gather [hbm4b:s13+s3], $0x100, $0x38;
	[tilespmem:$0x3E00] =	vst v63  }
0x39: {  	s25 =	simm.s32 $0x3D00;
	s17 =	smul.u32 @!p0 $0xAB, s17;
	s20 =	sadd.s32 $0x1, s1  }
0x3a: {  	[tilespmem:s25], [sflag:$0x6] =	stream.linear.gather [hbm4b:s14+s3], $0x100, $0x38;
	[tilespmem:$0x3E00] =	vst v63  }
0x3b: {  	s30 =	simm.s32 $0x7;
	s17 =	sshrl.u32 @!p0 s17, $0xA;
	_ =	swait.ge [sflag:s20], $0x100  }
0x3c: {  	s17 =	sand.u32 @!p0 $0x3F, s17;
	s1 =	sshll.u32 s1, $0x8;
	[sflag:s20] =	ssyncset.done $0x0  }
0x3d: {  	s17 =	smul.u32 @!p0 $0x6, s17;
	s1 =	sor.u32 $0x3880, s1;
	[sflag:s20] =	ssyncadd.s32 $0xFFFFFF00  }
0x3e: {  	[spmem:s2] =	stream.indirect.scatter.add.f32 [tilespmem:s28], [sflag:$0x7], $0x10, s1, s26, $0xb8;
	[tilespmem:$0x3E00] =	vst v63  }
0x3f: {  	s31 =	sadd.s32 $0x20, s0;
	s20 =	simm.s32 $0x1;
	_ =	swait.ge [sflag:s19], $0x800  }
0x40: {  	s22 =	ssub.s32 @!p0 $0x6, s17;
	s21 =	smul.u32 $0xAB, s20;
	[sflag:s19] =	ssyncset.done $0x0  }
0x41: {  	s17 =	smov.u32 s0;
	s1 =	simm.s32 $0x8;
	[sflag:s19] =	ssyncadd.s32 $0xFFFFF800  }
.LBB2_4:
0x42: {  	s21 =	sshrl.u32 s21, $0xA;
	s22 =	sand.u32 @!p0 $0xFF, s22  }
0x43: {  	s23 =	simm.s32 @!p0 $0x0;
	s24 =	smov.u32 s30;
	s30 =	smov.u32 s1  }
0x44: {  	s21 =	sand.u32 $0x3F, s21;
	s25 =	sshll.u32 @!p0 s22, $0x8;
	s22 =	sadd.s32 @!p0 $0x1, s22  }
0x45: {  	s1 =	sadd.s32 $0x1, s1;
	s21 =	smul.u32 $0x6, s21;
	s25 =	sor.u32 @!p0 $0x3800, s25  }
0x46: {  	[tilespmem:s25], [sflag:s22] =	stream.linear.gather @!p0 [hbm4b:s17+s23], $0x100, $0x38;
	[tilespmem:$0x3E00] =	vst v63  }
0x47: {  	p1 =	sne.s32 s1, $0x55;
	s17 =	smov.u32 s31;
	s21 =	ssub.s32 s20, s21  }
0x48: {  	p0 =	sgt.u32 s20, $0x48;
	s21 =	sand.u32 $0xFF, s21  }
0x49: {  	s22 =	smul.u32 @!p0 $0xAB, s24;
	s20 =	sadd.s32 $0x1, s21;
	s21 =	sshll.u32 s21, $0x8  }
0x4a: {  	_ =	swait.ge [sflag:s20], $0x100  }
0x4b: {  	s22 =	sshrl.u32 @!p0 s22, $0xA;
	[sflag:s20] =	ssyncset.done $0x0  }
0x4c: {  	[sflag:s20] =	ssyncadd.s32 $0xFFFFFF00  }
.Ltmp1:
0x4d: {  	s20 =	sor.u32 $0x3880, s21;
	s21 =	sand.u32 @!p0 $0x3F, s22;
	(pc) =	sbr.rel @p1 .LBB2_4-.Ltmp1, $4  }
0x4e: {  	[spmem:s2] =	stream.indirect.scatter.add.f32 [tilespmem:s28], [sflag:$0x7], $0x10, s20, s26, $0xb8;
	[tilespmem:$0x3E00] =	vst v63  }
0x4f: {  	s20 =	sadd.s32 $0xFFFFFFFA, s30;
	s22 =	smul.u32 @!p0 $0x6, s21;
	_ =	swait.ge [sflag:s19], $0x800  }
0x50: {  	s21 =	smul.u32 $0xAB, s20;
	[sflag:s19] =	ssyncset.done $0x0  }
0x51: {  	s31 =	sadd.s32 $0x20, s31;
	s22 =	ssub.s32 @!p0 s24, s22;
	[sflag:s19] =	ssyncadd.s32 $0xFFFFF800  }
0x52: {  	s1 =	sshrl.u32 s21, $0xA;
	s21 =	sand.u32 @!p0 $0xFF, s22  }
0x53: {  	s22 =	simm.s32 @!p0 $0x0;
	s1 =	sand.u32 $0x3F, s1;
	s23 =	sshll.u32 @!p0 s21, $0x8  }
0x54: {  	s21 =	sadd.s32 @!p0 $0x1, s21;
	s1 =	smul.u32 $0x6, s1;
	s23 =	sor.u32 @!p0 $0x3800, s23  }
0x55: {  	[tilespmem:s23], [sflag:s21] =	stream.linear.gather @!p0 [hbm4b:s17+s22], $0x100, $0x38;
	[tilespmem:$0x3E00] =	vst v63  }
0x56: {  	p0 =	sgt.u32 s20, $0x48;
	s1 =	ssub.s32 s20, s1  }
0x57: {  	s17 =	smul.u32 @!p0 $0xAB, s30;
	s1 =	sand.u32 $0xFF, s1  }
0x58: {  	s25 =	sadd.s32 $0x1, s1  }
0x59: {  	s17 =	sshrl.u32 @!p0 s17, $0xA;
	_ =	swait.ge [sflag:s25], $0x100  }
0x5a: {  	s1 =	sshll.u32 s1, $0x8;
	s17 =	sand.u32 @!p0 $0x3F, s17;
	[sflag:s25] =	ssyncset.done $0x0  }
0x5b: {  	s1 =	sor.u32 $0x3880, s1;
	s17 =	smul.u32 @!p0 $0x6, s17;
	[sflag:s25] =	ssyncadd.s32 $0xFFFFFF00  }
0x5c: {  	[spmem:s2] =	stream.indirect.scatter.add.f32 [tilespmem:s28], [sflag:$0x7], $0x10, s1, s26, $0xb8;
	[tilespmem:$0x3E00] =	vst v63  }
0x5d: {  	s29 =	sadd.s32 $0x1, s29;
	s1 =	ssub.s32 @!p0 s30, s17  }
0x5e: {  	s20 =	simm.s32 @!p0 $0x0;
	_ =	swait.ge [sflag:s19], $0x800;
	s1 =	sand.u32 @!p0 $0xFF, s1  }
0x5f: {  	s30 =	stileid.u32;
	[sflag:s19] =	ssyncset.done $0x0;
	s17 =	sshll.u32 @!p0 s1, $0x8  }
0x60: {  	s1 =	sadd.s32 @!p0 $0x1, s1;
	[sflag:s19] =	ssyncadd.s32 $0xFFFFF800;
	s17 =	sor.u32 @!p0 $0x3800, s17  }
0x61: {  	[tilespmem:s17], [sflag:s1] =	stream.linear.gather @!p0 [hbm4b:s31+s20], $0x100, $0x38;
	[tilespmem:$0x3E00] =	vst v63  }
0x62: {  	s1 =	sshll.u32 s30, $0x6;
	s31 =	sshrl.u32 s4, $0x3;
	p0 =	sne.s32 s29, s16  }
.Ltmp2:
0x63: {  	[bflag:$0x0] =	sbarrier.arrive $0xFFFF;
	s1 =	sor.u32 $0x1C07, s1;
	(pc) =	sbr.rel @p0 .LBB2_1-.Ltmp2, $4  }
0x64: {  	[hbm:s15], [sflag:s1] =	dma.local [spmem:s31], $0x500  }
0x65: {  	_ =	swait.ge [sflag:s19], $0x500  }
0x66: {  	[sflag:s19] =	ssyncset.done $0x0  }
0x67: {  	[sflag:s19] =	ssyncadd.s32 $0xFFFFFB00  }
0x68: {  	_ =	sfence.sel $0x180000  }
0x69: {  	[bflag:$0x0] =	sbarrier.arrive $0xFFFF  }
0x6a: {  	_ =	strace $0x90000047  }
0x6b: {  	s0 =	stileid.u32;
	[bflag:$0x2] =	sbarrier.arrive $0xFFFF  }
0x6c: {  	p0 =	sne.s32 s0, $0x0;
	s0 =	rddreg [dreg:$0x2]  }
0x6d: {  	s0 =	sadd.s32 @!p0 $0x100000, s0  }
0x6e: {  	[sflag:s0] =	ssyncadd.tile.s32 @!p0 $0x1;
	_ =	shalt  }
.Lfunc_end2:
_tile_overlayer_lowered:
.L_overlay_start_2:
0x6f: {  	(tag) =	ssettag $0x2  }
0x70: {  	s0 =	rddreg [dreg:$0x0];
	s2 =	stileid.u32  }
0x71: {  	s1 =	rddreg [dreg:$0x1];
	p0 =	sne.s32 s2, $0x0  }
0x72: {  	s3 =	rddreg [dreg:$0x2];
	[bflag:$0x3] =	sbarrier.arrive $0xFFFF;
	s2 =	simm.s32 @!p0 $0x1C07  }
0x73: {  	[timem:s3], [sflag:s2] =	dma.local @!p0 [hbm:s0], s1  }
0x74: {  	s0 =	simm.s32 @!p0 $0x7  }
0x75: {  	_ =	swait.ge @!p0 [sflag:s0], s1  }
0x76: {  	s1 =	ssub.s32 @!p0 $0x0, s1;
	[sflag:s0] =	ssyncset.done @!p0 $0x0  }
0x77: {  	[sflag:s0] =	ssyncadd.s32 @!p0 s1  }
0x78: {  	[bflag:$0x3] =	sbarrier.arrive $0xFFFF  }
0x79: {  	_ =	shalt  }

</sc_bundles>
